<compile_context>
chip_gen: v7x
topology: tpu7x:2x2x1
jax: 0.10.2.dev20260603
libtpu: 0.0.44.dev20260713+nightly
codegen_flags: <defaults>
</compile_context>

<pallas_src>
import functools

import jax
import jax.numpy as jnp
from jax import lax
from jax.experimental import pallas as pl
from jax.experimental.pallas import tpu as pltpu
from jax.experimental.pallas import tpu_sc as plsc

_N = 10000
_E = 320000
_D = 128
_W = 125
_ROWS = _E // _W
_RPC = _ROWS // 2
_LPT = _RPC // 16
_NPT = _N // 16


def _sc_mesh():
    return plsc.VectorSubcoreMesh(core_axis_name="c", subcore_axis_name="s")


def _deg_sc(dst2d):

    @functools.partial(
        pl.kernel,
        out_type=jax.ShapeDtypeStruct((2, _N, 16), jnp.float32),
        mesh=_sc_mesh(),
        scratch_types=[
            pltpu.VMEM_SHARED((_N, 16), jnp.float32),
            pltpu.VMEM((_LPT, _W), jnp.int32),
            pltpu.VMEM((_W, 16), jnp.float32),
            pltpu.VMEM((125, 16), jnp.float32),
        ],
    )
    def k(dst_hbm, out_hbm, dacc, didx, ones, zbuf):
        c = lax.axis_index("c")
        s = lax.axis_index("s")
        zv = jnp.zeros((16,), jnp.float32)

        @pl.loop(0, 125)
        def _(i):
            zbuf[i, pl.ds(0, 16)] = zv

        @pl.loop(0, 5)
        def _(t):
            pltpu.sync_copy(zbuf, dacc.at[pl.ds(s * _NPT + t * 125, 125)])

        ov = jnp.full((16,), 1.0, jnp.float32)

        @pl.loop(0, _W)
        def _(i):
            ones[i, pl.ds(0, 16)] = ov

        rb = c * _RPC + s * _LPT
        pltpu.sync_copy(dst_hbm.at[pl.ds(rb, _LPT)], didx)
        plsc.subcore_barrier()

        @pl.loop(0, _LPT)
        def _(j):
            pltpu.sync_copy(ones, dacc.at[didx.at[j]], add=True)

        plsc.subcore_barrier()

        @pl.when(s < 15)
        def _():
            pltpu.sync_copy(dacc.at[pl.ds(s * 624, 624)],
                            out_hbm.at[c, pl.ds(s * 624, 624)])

        @pl.when(s == 15)
        def _():
            pltpu.sync_copy(dacc.at[pl.ds(9360, 640)],
                            out_hbm.at[c, pl.ds(9360, 640)])

    return k(dst2d)


def _agg_sc(u, src2d, dst2d):

    ph = 2
    cpp = _LPT // ph

    @functools.partial(
        pl.kernel,
        out_type=jax.ShapeDtypeStruct((2, _N, _D), jnp.float32),
        mesh=_sc_mesh(),
        scratch_types=[
            pltpu.VMEM_SHARED((_N, _D), jnp.float32),
            pltpu.VMEM((cpp, _W), jnp.int32),
            pltpu.VMEM((cpp, _W), jnp.int32),
            pltpu.VMEM((_W, _D), jnp.float32),
            pltpu.VMEM((_W, _D), jnp.float32),
            pltpu.SemaphoreType.DMA,
            pltpu.SemaphoreType.DMA,
        ],
    )
    def k(u_hbm, s_hbm, d_hbm, out_hbm, acc, sidx, didx, r0, r1, sem0, sem1):
        c = lax.axis_index("c")
        s = lax.axis_index("s")
        zv = jnp.zeros((16,), jnp.float32)

        @pl.loop(0, _W)
        def _(i):
            for jj in range(8):
                r0[i, pl.ds(jj * 16, 16)] = zv

        @pl.loop(0, 5)
        def _(t):
            pltpu.sync_copy(r0, acc.at[pl.ds(s * _NPT + t * 125, 125)])

        plsc.subcore_barrier()

        @pl.loop(0, ph)
        def _(p):
            rb = c * _RPC + s * _LPT + p * cpp
            pltpu.sync_copy(s_hbm.at[pl.ds(rb, cpp)], sidx)
            pltpu.sync_copy(d_hbm.at[pl.ds(rb, cpp)], didx)

            pltpu.async_copy(u_hbm.at[sidx.at[0]], r0, sem0)
            pltpu.async_copy(u_hbm.at[sidx.at[1]], r1, sem1)

            @pl.loop(0, cpp // 2 - 1)
            def _(i):
                a = 2 * i
                pltpu.make_async_copy(u_hbm.at[sidx.at[a]], r0, sem0).wait()
                pltpu.sync_copy(r0, acc.at[didx.at[a]], add=True)
                pltpu.async_copy(u_hbm.at[sidx.at[a + 2]], r0, sem0)
                pltpu.make_async_copy(u_hbm.at[sidx.at[a + 1]], r1, sem1).wait()
                pltpu.sync_copy(r1, acc.at[didx.at[a + 1]], add=True)
                pltpu.async_copy(u_hbm.at[sidx.at[a + 3]], r1, sem1)

            pltpu.make_async_copy(u_hbm.at[sidx.at[cpp - 2]], r0, sem0).wait()
            pltpu.sync_copy(r0, acc.at[didx.at[cpp - 2]], add=True)
            pltpu.make_async_copy(u_hbm.at[sidx.at[cpp - 1]], r1, sem1).wait()
            pltpu.sync_copy(r1, acc.at[didx.at[cpp - 1]], add=True)

        plsc.subcore_barrier()

        @pl.when(s < 15)
        def _():
            pltpu.sync_copy(acc.at[pl.ds(s * 624, 624)],
                            out_hbm.at[c, pl.ds(s * 624, 624)])

        @pl.when(s == 15)
        def _():
            pltpu.sync_copy(acc.at[pl.ds(9360, 640)],
                            out_hbm.at[c, pl.ds(9360, 640)])

    return k(u, src2d, dst2d)


_BLK = 1000


def _row_specs(*minors):
    return [pl.BlockSpec((_BLK, m), lambda i: (i, 0)) for m in minors]


def _mm1(x, w):
    def body(x_ref, w_ref, o_ref):
        o_ref[...] = jnp.dot(x_ref[...], w_ref[...],
                             preferred_element_type=jnp.float32,
                             precision=lax.Precision.HIGHEST)

    return pl.pallas_call(
        body,
        grid=(_N // _BLK,),
        in_specs=_row_specs(_D) + [pl.BlockSpec((_D, _D), lambda i: (0, 0))],
        out_specs=_row_specs(_D)[0],
        out_shape=jax.ShapeDtypeStruct((_N, _D), jnp.float32),
    )(x, w)


def _dinv_col(p0, p1):
    return lax.rsqrt(1.0 + p0[:, 0:1] + p1[:, 0:1])


def _scale(t, p0, p1):
    def body(t_ref, p0_ref, p1_ref, o_ref):
        o_ref[...] = t_ref[...] * _dinv_col(p0_ref[...], p1_ref[...])

    return pl.pallas_call(
        body,
        grid=(_N // _BLK,),
        in_specs=_row_specs(_D, 16, 16),
        out_specs=_row_specs(_D)[0],
        out_shape=jax.ShapeDtypeStruct((_N, _D), jnp.float32),
    )(t, p0, p1)


def _mid(s0, s1, u, p0, p1, b, w):
    def body(s0_ref, s1_ref, u_ref, p0_ref, p1_ref, b_ref, w_ref, o_ref):
        dinv = _dinv_col(p0_ref[...], p1_ref[...])
        z = jnp.maximum(dinv * (s0_ref[...] + s1_ref[...] + u_ref[...])
                        + b_ref[...], 0.0)
        o_ref[...] = dinv * jnp.dot(z, w_ref[...],
                                    preferred_element_type=jnp.float32,
                                    precision=lax.Precision.HIGHEST)

    return pl.pallas_call(
        body,
        grid=(_N // _BLK,),
        in_specs=_row_specs(_D, _D, _D, 16, 16)
        + [pl.BlockSpec((1, _D), lambda i: (0, 0)),
           pl.BlockSpec((_D, _D), lambda i: (0, 0))],
        out_specs=_row_specs(_D)[0],
        out_shape=jax.ShapeDtypeStruct((_N, _D), jnp.float32),
    )(s0, s1, u, p0, p1, b, w)


def _fin(s0, s1, u, p0, p1, b):
    def body(s0_ref, s1_ref, u_ref, p0_ref, p1_ref, b_ref, o_ref):
        dinv = _dinv_col(p0_ref[...], p1_ref[...])
        o_ref[...] = dinv * (s0_ref[...] + s1_ref[...] + u_ref[...]) + b_ref[...]

    return pl.pallas_call(
        body,
        grid=(_N // _BLK,),
        in_specs=_row_specs(_D, _D, _D, 16, 16)
        + [pl.BlockSpec((1, _D), lambda i: (0, 0))],
        out_specs=_row_specs(_D)[0],
        out_shape=jax.ShapeDtypeStruct((_N, _D), jnp.float32),
    )(s0, s1, u, p0, p1, b)


def kernel(x, edge_index, W1, b1, W2, b2, W3, b3):
    src2d = edge_index[0].reshape(_ROWS, _W)
    dst2d = edge_index[1].reshape(_ROWS, _W)
    degp = _deg_sc(dst2d)
    p0, p1 = degp[0], degp[1]
    t1 = _mm1(x, W1)
    u1 = _scale(t1, p0, p1)
    a1 = _agg_sc(u1, src2d, dst2d)
    u2 = _mid(a1[0], a1[1], u1, p0, p1, b1.reshape(1, _D), W2)
    a2 = _agg_sc(u2, src2d, dst2d)
    u3 = _mid(a2[0], a2[1], u2, p0, p1, b2.reshape(1, _D), W3)
    a3 = _agg_sc(u3, src2d, dst2d)
    return _fin(a3[0], a3[1], u3, p0, p1, b3.reshape(1, _D))

# --- scband reference (transcript-rebuilt; emitter-appended) ---
"""Pipeline reference for scband-gcnnet-24120536334777 (READ-ONLY COPY).

The authoritative reference and input builder live on the scoring server;
editing this copy changes nothing except your own understanding.
"""

import jax, jax.numpy as jnp
import numpy as np

N = 10000
E = 320000
D_IN = 128
D_HID = 128
D_OUT = 128


def setup_inputs(seed: int = 0) -> dict:
    key = jax.random.key(seed)
    ks = jax.random.split(key, 8)
    x = jax.random.normal(ks[0], (N, D_IN), dtype=jnp.float32)
    edge_index = jax.random.randint(ks[1], (2, E), 0, N, dtype=jnp.int32)
    s1 = 1.0 / np.sqrt(D_IN)
    s2 = 1.0 / np.sqrt(D_HID)
    W1 = jax.random.normal(ks[2], (D_IN, D_HID), dtype=jnp.float32) * s1
    b1 = jnp.zeros((D_HID,), dtype=jnp.float32)
    W2 = jax.random.normal(ks[3], (D_HID, D_HID), dtype=jnp.float32) * s2
    b2 = jnp.zeros((D_HID,), dtype=jnp.float32)
    W3 = jax.random.normal(ks[4], (D_HID, D_OUT), dtype=jnp.float32) * s2
    b3 = jnp.zeros((D_OUT,), dtype=jnp.float32)
    return {"x": x, "edge_index": edge_index, "W1": W1, "b1": b1, "W2": W2, "b2": b2, "W3": W3, "b3": b3}


def _gcn_layer(x, src, dst, norm, W, b, activation):
    n = x.shape[0]
    h = x @ W
    msg = h[src] * norm[:, None]
    out = jnp.zeros((n, h.shape[1]), dtype=h.dtype).at[dst].add(msg)
    out = out + b
    if activation:
        out = jax.nn.relu(out)
    return out


def reference(x, edge_index, W1, b1, W2, b2, W3, b3):
    n = x.shape[0]
    loops = jnp.arange(n, dtype=edge_index.dtype)
    src = jnp.concatenate([edge_index[0], loops])
    dst = jnp.concatenate([edge_index[1], loops])
    # symmetric GCN normalization with self-loops: D^{-1/2} (A+I) D^{-1/2}
    deg = jnp.zeros((n,), dtype=jnp.float32).at[dst].add(1.0)
    dinv = jnp.where(deg > 0, jax.lax.rsqrt(deg), 0.0)
    norm = dinv[src] * dinv[dst]
    h = _gcn_layer(x, src, dst, norm, W1, b1, True)   # conv1 (activation)
    h = _gcn_layer(h, src, dst, norm, W2, b2, True)   # middle conv (activation)
    h = _gcn_layer(h, src, dst, norm, W3, b3, False)  # convf (no activation)
    return h

if __name__ == "__main__":
    import jax
    _d = setup_inputs()
    print(jax.jit(kernel)(*tuple(_d.values())))

</pallas_src>

<mosaic_0001>
#map = affine_map<(d0, d1) -> (0, 0)>
#map1 = affine_map<(d0, d1) -> (0, 0, 0)>
module attributes {stable_mosaic.version = 14 : i64} {
  func.func @k(%arg0: i32, %arg1: i32, %arg2: memref<2560x125xi32, #tpu.memory_space<hbm>>, %arg3: memref<2x10000x16xf32, #tpu.memory_space<hbm>>, %arg4: memref<10000x16xf32, #tpu.memory_space<vmem_shared>>, %arg5: memref<80x125xi32, #tpu.memory_space<vmem>>, %arg6: memref<125x16xf32, #tpu.memory_space<vmem>>, %arg7: memref<125x16xf32, #tpu.memory_space<vmem>>) attributes {dimension_semantics = [#tpu.dimension_semantics<core_parallel>, #tpu.dimension_semantics<subcore_parallel>], iteration_bounds = array<i64: 2, 16>, scalar_prefetch = 0 : i64, scratch_operands = 4 : i64, tpu.core_type = #tpu.core_type<sc_vector_subcore>, window_params = [{transform_indices = #map}, {transform_indices = #map1}]} {
    %broadcast_in_dim3A = arith.constant 0.000000e+00 : f32
    %broadcast_in_dim3A_0 = vector.broadcast %broadcast_in_dim3A : f32 to vector<16xf32>
    %scan3A = arith.constant 0 : i32
    %scan3A_1 = arith.constant 125 : i32
    %scan3A_2 = arith.addi %scan3A, %scan3A_1 : i32
    %scan3A_3 = arith.constant 1 : i32
    scf.for %scan3A_32 = %scan3A to %scan3A_2 step %scan3A_3  : i32 {
      %mul3A_33 = arith.constant 1 : i32
      %mul3A_34 = arith.muli %scan3A_32, %mul3A_33 : i32
      %add3A_35 = arith.constant 0 : i32
      %add3A_36 = arith.addi %add3A_35, %mul3A_34 : i32
      %swap3A = arith.index_cast %add3A_36 : i32 to index
      %swap3A_37 = arith.constant 0 : index
      %swap3A_38 = tpu.vector_load %arg7[%swap3A, %swap3A_37] {strides = array<i32>} : memref<125x16xf32, #tpu.memory_space<vmem>>, vector<1x16xf32>,
      %swap3A_39 = vector.shape_cast %swap3A_38 : vector<1x16xf32> to vector<16xf32>
      %swap3A_40 = vector.shape_cast %broadcast_in_dim3A_0 : vector<16xf32> to vector<1x16xf32>
      tpu.vector_store %arg7[%swap3A, %swap3A_37], %swap3A_40 {strides = array<i32>} : memref<125x16xf32, #tpu.memory_space<vmem>>, vector<1x16xf32>,
    }
    %scan3A_4 = arith.constant 125 : i32
    %scan3A_5 = arith.constant 0 : i32
    %scan3A_6 = arith.constant 5 : i32
    %scan3A_7 = arith.addi %scan3A_5, %scan3A_6 : i32
    %scan3A_8 = arith.constant 1 : i32
    scf.for %scan3A_32 = %scan3A_5 to %scan3A_7 step %scan3A_8  : i32 {
      %mul3A_33 = arith.constant 1 : i32
      %mul3A_34 = arith.muli %scan3A_32, %mul3A_33 : i32
      %add3A_35 = arith.constant 0 : i32
      %add3A_36 = arith.addi %add3A_35, %mul3A_34 : i32
      %mul3A_37 = arith.constant 625 : i32
      %mul3A_38 = arith.muli %arg1, %mul3A_37 : i32
      %mul3A_39 = arith.constant 125 : i32
      %mul3A_40 = arith.muli %add3A_36, %mul3A_39 : i32
      %add3A_41 = arith.addi %mul3A_38, %mul3A_40 : i32
      "tpu.region"() ({
        %run_scoped3A = tpu.sem_alloc : memref<!tpu.dma_semaphore, #tpu.memory_space<semaphore_mem>>
        %dma_start3A = arith.constant 0 : i32
        %dma_start3A_42 = tpu.memref_slice %arg4[%add3A_41, %dma_start3A] : memref<10000x16xf32, #tpu.memory_space<vmem_shared>> -> memref<125x16xf32, #tpu.memory_space<vmem_shared>>
        %dma_start3A_43 = arith.constant 0 : i32
        %dma_start3A_44 = tpu.memref_slice %arg4[%add3A_41, %dma_start3A_43] : memref<10000x16xf32, #tpu.memory_space<vmem_shared>> -> memref<125x16xf32, #tpu.memory_space<vmem_shared>>
        tpu.enqueue_dma source(%arg7 : memref<125x16xf32, #tpu.memory_space<vmem>>) target(%dma_start3A_44 : memref<125x16xf32, #tpu.memory_space<vmem_shared>>) target_semaphore(%run_scoped3A : memref<!tpu.dma_semaphore, #tpu.memory_space<semaphore_mem>>)
        %dma_wait3A = arith.constant 0 : i32
        %dma_wait3A_45 = tpu.memref_slice %arg4[%add3A_41, %dma_wait3A] : memref<10000x16xf32, #tpu.memory_space<vmem_shared>> -> memref<125x16xf32, #tpu.memory_space<vmem_shared>>
        %dma_wait3A_46 = arith.constant 0 : i32
        %dma_wait3A_47 = tpu.memref_slice %arg4[%add3A_41, %dma_wait3A_46] : memref<10000x16xf32, #tpu.memory_space<vmem_shared>> -> memref<125x16xf32, #tpu.memory_space<vmem_shared>>
        tpu.wait_dma2 semaphore(%run_scoped3A : memref<!tpu.dma_semaphore, #tpu.memory_space<semaphore_mem>>) src(%arg7 : memref<125x16xf32, #tpu.memory_space<vmem>>) dst(%dma_wait3A_47 : memref<125x16xf32, #tpu.memory_space<vmem_shared>>)
        tpu.yield
      }) : () -> ()
    }
    %scan3A_9 = arith.constant 5 : i32
    %broadcast_in_dim3A_10 = arith.constant 1.000000e+00 : f32
    %broadcast_in_dim3A_11 = vector.broadcast %broadcast_in_dim3A_10 : f32 to vector<16xf32>
    %scan3A_12 = arith.constant 0 : i32
    %scan3A_13 = arith.constant 125 : i32
    %scan3A_14 = arith.addi %scan3A_12, %scan3A_13 : i32
    %scan3A_15 = arith.constant 1 : i32
    scf.for %scan3A_32 = %scan3A_12 to %scan3A_14 step %scan3A_15  : i32 {
      %mul3A_33 = arith.constant 1 : i32
      %mul3A_34 = arith.muli %scan3A_32, %mul3A_33 : i32
      %add3A_35 = arith.constant 0 : i32
      %add3A_36 = arith.addi %add3A_35, %mul3A_34 : i32
      %swap3A = arith.index_cast %add3A_36 : i32 to index
      %swap3A_37 = arith.constant 0 : index
      %swap3A_38 = tpu.vector_load %arg6[%swap3A, %swap3A_37] {strides = array<i32>} : memref<125x16xf32, #tpu.memory_space<vmem>>, vector<1x16xf32>,
      %swap3A_39 = vector.shape_cast %swap3A_38 : vector<1x16xf32> to vector<16xf32>
      %swap3A_40 = vector.shape_cast %broadcast_in_dim3A_11 : vector<16xf32> to vector<1x16xf32>
      tpu.vector_store %arg6[%swap3A, %swap3A_37], %swap3A_40 {strides = array<i32>} : memref<125x16xf32, #tpu.memory_space<vmem>>, vector<1x16xf32>,
    }
    %scan3A_16 = arith.constant 125 : i32
    %mul3A = arith.constant 1280 : i32
    %mul3A_17 = arith.muli %arg0, %mul3A : i32
    %mul3A_18 = arith.constant 80 : i32
    %mul3A_19 = arith.muli %arg1, %mul3A_18 : i32
    %add3A = arith.addi %mul3A_17, %mul3A_19 : i32
    "tpu.region"() ({
      %run_scoped3A = tpu.sem_alloc : memref<!tpu.dma_semaphore, #tpu.memory_space<semaphore_mem>>
      %dma_start3A = arith.constant 0 : i32
      %dma_start3A_32 = tpu.memref_slice %arg2[%add3A, %dma_start3A] : memref<2560x125xi32, #tpu.memory_space<hbm>> -> memref<80x125xi32, #tpu.memory_space<hbm>>
      %dma_start3A_33 = arith.constant 0 : i32
      %dma_start3A_34 = tpu.memref_slice %arg2[%add3A, %dma_start3A_33] : memref<2560x125xi32, #tpu.memory_space<hbm>> -> memref<80x125xi32, #tpu.memory_space<hbm>>
      tpu.enqueue_dma source(%dma_start3A_34 : memref<80x125xi32, #tpu.memory_space<hbm>>) target(%arg5 : memref<80x125xi32, #tpu.memory_space<vmem>>) target_semaphore(%run_scoped3A : memref<!tpu.dma_semaphore, #tpu.memory_space<semaphore_mem>>)
      %dma_wait3A = arith.constant 0 : i32
      %dma_wait3A_35 = tpu.memref_slice %arg2[%add3A, %dma_wait3A] : memref<2560x125xi32, #tpu.memory_space<hbm>> -> memref<80x125xi32, #tpu.memory_space<hbm>>
      %dma_wait3A_36 = arith.constant 0 : i32
      %dma_wait3A_37 = tpu.memref_slice %arg2[%add3A, %dma_wait3A_36] : memref<2560x125xi32, #tpu.memory_space<hbm>> -> memref<80x125xi32, #tpu.memory_space<hbm>>
      tpu.wait_dma2 semaphore(%run_scoped3A : memref<!tpu.dma_semaphore, #tpu.memory_space<semaphore_mem>>) src(%dma_wait3A_37 : memref<80x125xi32, #tpu.memory_space<hbm>>) dst(%arg5 : memref<80x125xi32, #tpu.memory_space<vmem>>)
      tpu.yield
    }) : () -> ()
    %barrier3A = arith.constant 0 : index
    tpu.barrier barrier_id(%barrier3A)
    %scan3A_20 = arith.constant 0 : i32
    %scan3A_21 = arith.constant 80 : i32
    %scan3A_22 = arith.addi %scan3A_20, %scan3A_21 : i32
    %scan3A_23 = arith.constant 1 : i32
    scf.for %scan3A_32 = %scan3A_20 to %scan3A_22 step %scan3A_23  : i32 {
      %mul3A_33 = arith.constant 1 : i32
      %mul3A_34 = arith.muli %scan3A_32, %mul3A_33 : i32
      %add3A_35 = arith.constant 0 : i32
      %add3A_36 = arith.addi %add3A_35, %mul3A_34 : i32
      "tpu.region"() ({
        %run_scoped3A = tpu.sem_alloc : memref<!tpu.dma_semaphore, #tpu.memory_space<semaphore_mem>>
        %dma_start3A = arith.constant 0 : i32
        %dma_start3A_37 = tpu.memref_slice %arg5[%add3A_36, %dma_start3A] : memref<80x125xi32, #tpu.memory_space<vmem>> -> memref<1x125xi32, #tpu.memory_space<vmem>>
        %dma_start3A_38 = tpu.memref_squeeze %dma_start3A_37 : memref<1x125xi32, #tpu.memory_space<vmem>> -> memref<125xi32, #tpu.memory_space<vmem>>
        %dma_start3A_39 = arith.constant 0 : i32
        %dma_start3A_40 = arith.constant 0 : i32
        %dma_start3A_41 = tpu.memref_slice %arg4[%dma_start3A_39, %dma_start3A_40] : memref<10000x16xf32, #tpu.memory_space<vmem_shared>> -> memref<10000x16xf32, #tpu.memory_space<vmem_shared>>
        tpu.enqueue_indirect_dma source(%arg6 : memref<125x16xf32, #tpu.memory_space<vmem>>) target(%dma_start3A_41 : memref<10000x16xf32, #tpu.memory_space<vmem_shared>>) offsets(%dma_start3A_38 : memref<125xi32, #tpu.memory_space<vmem>>) semaphore(%run_scoped3A : memref<!tpu.dma_semaphore, #tpu.memory_space<semaphore_mem>>) {add = true}
        %dma_wait3A = arith.constant 0 : i32
        %dma_wait3A_42 = tpu.memref_slice %arg5[%add3A_36, %dma_wait3A] : memref<80x125xi32, #tpu.memory_space<vmem>> -> memref<1x125xi32, #tpu.memory_space<vmem>>
        %dma_wait3A_43 = tpu.memref_squeeze %dma_wait3A_42 : memref<1x125xi32, #tpu.memory_space<vmem>> -> memref<125xi32, #tpu.memory_space<vmem>>
        %dma_wait3A_44 = arith.constant 0 : i32
        %dma_wait3A_45 = arith.constant 0 : i32
        %dma_wait3A_46 = tpu.memref_slice %arg4[%dma_wait3A_44, %dma_wait3A_45] : memref<10000x16xf32, #tpu.memory_space<vmem_shared>> -> memref<10000x16xf32, #tpu.memory_space<vmem_shared>>
        tpu.wait_indirect_dma semaphore(%run_scoped3A : memref<!tpu.dma_semaphore, #tpu.memory_space<semaphore_mem>>) src(%arg6 : memref<125x16xf32, #tpu.memory_space<vmem>>) dst(%dma_wait3A_46 : memref<10000x16xf32, #tpu.memory_space<vmem_shared>>)
        tpu.yield
      }) : () -> ()
    }
    %scan3A_24 = arith.constant 80 : i32
    %barrier3A_25 = arith.constant 0 : index
    tpu.barrier barrier_id(%barrier3A_25)
    %lt3A = arith.constant 15 : i32
    %lt3A_26 = arith.cmpi slt, %arg1, %lt3A : i32
    %convert_element_type3A = arith.extui %lt3A_26 : i1 to i32
    %cond3A = arith.constant 0 : i32
    %cond3A_27 = arith.cmpi ne, %convert_element_type3A, %cond3A : i32
    scf.if %cond3A_27 {
      %mul3A_32 = arith.constant 624 : i32
      %mul3A_33 = arith.muli %arg1, %mul3A_32 : i32
      %mul3A_34 = arith.constant 624 : i32
      %mul3A_35 = arith.muli %arg1, %mul3A_34 : i32
      "tpu.region"() ({
        %run_scoped3A = tpu.sem_alloc : memref<!tpu.dma_semaphore, #tpu.memory_space<semaphore_mem>>
        %dma_start3A = arith.constant 0 : i32
        %dma_start3A_36 = tpu.memref_slice %arg3[%arg0, %mul3A_35, %dma_start3A] : memref<2x10000x16xf32, #tpu.memory_space<hbm>> -> memref<1x624x16xf32, #tpu.memory_space<hbm>>
        %dma_start3A_37 = tpu.memref_squeeze %dma_start3A_36 : memref<1x624x16xf32, #tpu.memory_space<hbm>> -> memref<624x16xf32, #tpu.memory_space<hbm>>
        %dma_start3A_38 = arith.constant 0 : i32
        %dma_start3A_39 = tpu.memref_slice %arg4[%mul3A_33, %dma_start3A_38] : memref<10000x16xf32, #tpu.memory_space<vmem_shared>> -> memref<624x16xf32, #tpu.memory_space<vmem_shared>>
        tpu.enqueue_dma source(%dma_start3A_39 : memref<624x16xf32, #tpu.memory_space<vmem_shared>>) target(%dma_start3A_37 : memref<624x16xf32, #tpu.memory_space<hbm>>) target_semaphore(%run_scoped3A : memref<!tpu.dma_semaphore, #tpu.memory_space<semaphore_mem>>)
        %dma_wait3A = arith.constant 0 : i32
        %dma_wait3A_40 = tpu.memref_slice %arg3[%arg0, %mul3A_35, %dma_wait3A] : memref<2x10000x16xf32, #tpu.memory_space<hbm>> -> memref<1x624x16xf32, #tpu.memory_space<hbm>>
        %dma_wait3A_41 = tpu.memref_squeeze %dma_wait3A_40 : memref<1x624x16xf32, #tpu.memory_space<hbm>> -> memref<624x16xf32, #tpu.memory_space<hbm>>
        %dma_wait3A_42 = arith.constant 0 : i32
        %dma_wait3A_43 = tpu.memref_slice %arg4[%mul3A_33, %dma_wait3A_42] : memref<10000x16xf32, #tpu.memory_space<vmem_shared>> -> memref<624x16xf32, #tpu.memory_space<vmem_shared>>
        tpu.wait_dma2 semaphore(%run_scoped3A : memref<!tpu.dma_semaphore, #tpu.memory_space<semaphore_mem>>) src(%dma_wait3A_43 : memref<624x16xf32, #tpu.memory_space<vmem_shared>>) dst(%dma_wait3A_41 : memref<624x16xf32, #tpu.memory_space<hbm>>)
        tpu.yield
      }) : () -> ()
    } else {
    }
    %eq3A = arith.constant 15 : i32
    %eq3A_28 = arith.cmpi eq, %arg1, %eq3A : i32
    %convert_element_type3A_29 = arith.extui %eq3A_28 : i1 to i32
    %cond3A_30 = arith.constant 0 : i32
    %cond3A_31 = arith.cmpi ne, %convert_element_type3A_29, %cond3A_30 : i32
    scf.if %cond3A_31 {
      "tpu.region"() ({
        %run_scoped3A = tpu.sem_alloc : memref<!tpu.dma_semaphore, #tpu.memory_space<semaphore_mem>>
        %dma_start3A = arith.constant 9360 : i32
        %dma_start3A_32 = arith.constant 0 : i32
        %dma_start3A_33 = tpu.memref_slice %arg3[%arg0, %dma_start3A, %dma_start3A_32] : memref<2x10000x16xf32, #tpu.memory_space<hbm>> -> memref<1x640x16xf32, #tpu.memory_space<hbm>>
        %dma_start3A_34 = tpu.memref_squeeze %dma_start3A_33 : memref<1x640x16xf32, #tpu.memory_space<hbm>> -> memref<640x16xf32, #tpu.memory_space<hbm>>
        %dma_start3A_35 = arith.constant 9360 : i32
        %dma_start3A_36 = arith.constant 0 : i32
        %dma_start3A_37 = tpu.memref_slice %arg4[%dma_start3A_35, %dma_start3A_36] : memref<10000x16xf32, #tpu.memory_space<vmem_shared>> -> memref<640x16xf32, #tpu.memory_space<vmem_shared>>
        tpu.enqueue_dma source(%dma_start3A_37 : memref<640x16xf32, #tpu.memory_space<vmem_shared>>) target(%dma_start3A_34 : memref<640x16xf32, #tpu.memory_space<hbm>>) target_semaphore(%run_scoped3A : memref<!tpu.dma_semaphore, #tpu.memory_space<semaphore_mem>>)
        %dma_wait3A = arith.constant 9360 : i32
        %dma_wait3A_38 = arith.constant 0 : i32
        %dma_wait3A_39 = tpu.memref_slice %arg3[%arg0, %dma_wait3A, %dma_wait3A_38] : memref<2x10000x16xf32, #tpu.memory_space<hbm>> -> memref<1x640x16xf32, #tpu.memory_space<hbm>>
        %dma_wait3A_40 = tpu.memref_squeeze %dma_wait3A_39 : memref<1x640x16xf32, #tpu.memory_space<hbm>> -> memref<640x16xf32, #tpu.memory_space<hbm>>
        %dma_wait3A_41 = arith.constant 9360 : i32
        %dma_wait3A_42 = arith.constant 0 : i32
        %dma_wait3A_43 = tpu.memref_slice %arg4[%dma_wait3A_41, %dma_wait3A_42] : memref<10000x16xf32, #tpu.memory_space<vmem_shared>> -> memref<640x16xf32, #tpu.memory_space<vmem_shared>>
        tpu.wait_dma2 semaphore(%run_scoped3A : memref<!tpu.dma_semaphore, #tpu.memory_space<semaphore_mem>>) src(%dma_wait3A_43 : memref<640x16xf32, #tpu.memory_space<vmem_shared>>) dst(%dma_wait3A_40 : memref<640x16xf32, #tpu.memory_space<hbm>>)
        tpu.yield
      }) : () -> ()
    } else {
    }
    return
  }
}

#map = affine_map<(d0, d1) -> (0, 0)>
#map1 = affine_map<(d0, d1) -> (0, 0, 0)>
module attributes {stable_mosaic.version = 14 : i64} {
  func.func @k(%arg0: i32, %arg1: i32, %arg2: memref<10000x128xf32, #tpu.memory_space<hbm>>, %arg3: memref<2560x125xi32, #tpu.memory_space<hbm>>, %arg4: memref<2560x125xi32, #tpu.memory_space<hbm>>, %arg5: memref<2x10000x128xf32, #tpu.memory_space<hbm>>, %arg6: memref<10000x128xf32, #tpu.memory_space<vmem_shared>>, %arg7: memref<40x125xi32, #tpu.memory_space<vmem>>, %arg8: memref<40x125xi32, #tpu.memory_space<vmem>>, %arg9: memref<125x128xf32, #tpu.memory_space<vmem>>, %arg10: memref<125x128xf32, #tpu.memory_space<vmem>>, %arg11: memref<!tpu.dma_semaphore, #tpu.memory_space<semaphore_mem>>, %arg12: memref<!tpu.dma_semaphore, #tpu.memory_space<semaphore_mem>>) attributes {dimension_semantics = [#tpu.dimension_semantics<core_parallel>, #tpu.dimension_semantics<subcore_parallel>], iteration_bounds = array<i64: 2, 16>, scalar_prefetch = 0 : i64, scratch_operands = 7 : i64, tpu.core_type = #tpu.core_type<sc_vector_subcore>, window_params = [{transform_indices = #map}, {transform_indices = #map}, {transform_indices = #map}, {transform_indices = #map1}]} {
    %broadcast_in_dim3A = arith.constant 0.000000e+00 : f32
    %broadcast_in_dim3A_0 = vector.broadcast %broadcast_in_dim3A : f32 to vector<16xf32>
    %scan3A = arith.constant 0 : i32
    %scan3A_1 = arith.constant 125 : i32
    %scan3A_2 = arith.addi %scan3A, %scan3A_1 : i32
    %scan3A_3 = arith.constant 1 : i32
    scf.for %scan3A_22 = %scan3A to %scan3A_2 step %scan3A_3  : i32 {
      %mul3A = arith.constant 1 : i32
      %mul3A_23 = arith.muli %scan3A_22, %mul3A : i32
      %add3A = arith.constant 0 : i32
      %add3A_24 = arith.addi %add3A, %mul3A_23 : i32
      %swap3A = arith.index_cast %add3A_24 : i32 to index
      %swap3A_25 = arith.constant 0 : index
      %swap3A_26 = tpu.vector_load %arg9[%swap3A, %swap3A_25] {strides = array<i32>} : memref<125x128xf32, #tpu.memory_space<vmem>>, vector<1x16xf32>,
      %swap3A_27 = vector.shape_cast %swap3A_26 : vector<1x16xf32> to vector<16xf32>
      %swap3A_28 = vector.shape_cast %broadcast_in_dim3A_0 : vector<16xf32> to vector<1x16xf32>
      tpu.vector_store %arg9[%swap3A, %swap3A_25], %swap3A_28 {strides = array<i32>} : memref<125x128xf32, #tpu.memory_space<vmem>>, vector<1x16xf32>,
      %swap3A_29 = arith.index_cast %add3A_24 : i32 to index
      %swap3A_30 = arith.constant 16 : index
      %swap3A_31 = tpu.vector_load %arg9[%swap3A_29, %swap3A_30] {strides = array<i32>} : memref<125x128xf32, #tpu.memory_space<vmem>>, vector<1x16xf32>,
      %swap3A_32 = vector.shape_cast %swap3A_31 : vector<1x16xf32> to vector<16xf32>
      %swap3A_33 = vector.shape_cast %broadcast_in_dim3A_0 : vector<16xf32> to vector<1x16xf32>
      tpu.vector_store %arg9[%swap3A_29, %swap3A_30], %swap3A_33 {strides = array<i32>} : memref<125x128xf32, #tpu.memory_space<vmem>>, vector<1x16xf32>,
      %swap3A_34 = arith.index_cast %add3A_24 : i32 to index
      %swap3A_35 = arith.constant 32 : index
      %swap3A_36 = tpu.vector_load %arg9[%swap3A_34, %swap3A_35] {strides = array<i32>} : memref<125x128xf32, #tpu.memory_space<vmem>>, vector<1x16xf32>,
      %swap3A_37 = vector.shape_cast %swap3A_36 : vector<1x16xf32> to vector<16xf32>
      %swap3A_38 = vector.shape_cast %broadcast_in_dim3A_0 : vector<16xf32> to vector<1x16xf32>
      tpu.vector_store %arg9[%swap3A_34, %swap3A_35], %swap3A_38 {strides = array<i32>} : memref<125x128xf32, #tpu.memory_space<vmem>>, vector<1x16xf32>,
      %swap3A_39 = arith.index_cast %add3A_24 : i32 to index
      %swap3A_40 = arith.constant 48 : index
      %swap3A_41 = tpu.vector_load %arg9[%swap3A_39, %swap3A_40] {strides = array<i32>} : memref<125x128xf32, #tpu.memory_space<vmem>>, vector<1x16xf32>,
      %swap3A_42 = vector.shape_cast %swap3A_41 : vector<1x16xf32> to vector<16xf32>
      %swap3A_43 = vector.shape_cast %broadcast_in_dim3A_0 : vector<16xf32> to vector<1x16xf32>
      tpu.vector_store %arg9[%swap3A_39, %swap3A_40], %swap3A_43 {strides = array<i32>} : memref<125x128xf32, #tpu.memory_space<vmem>>, vector<1x16xf32>,
      %swap3A_44 = arith.index_cast %add3A_24 : i32 to index
      %swap3A_45 = arith.constant 64 : index
      %swap3A_46 = tpu.vector_load %arg9[%swap3A_44, %swap3A_45] {strides = array<i32>} : memref<125x128xf32, #tpu.memory_space<vmem>>, vector<1x16xf32>,
      %swap3A_47 = vector.shape_cast %swap3A_46 : vector<1x16xf32> to vector<16xf32>
      %swap3A_48 = vector.shape_cast %broadcast_in_dim3A_0 : vector<16xf32> to vector<1x16xf32>
      tpu.vector_store %arg9[%swap3A_44, %swap3A_45], %swap3A_48 {strides = array<i32>} : memref<125x128xf32, #tpu.memory_space<vmem>>, vector<1x16xf32>,
      %swap3A_49 = arith.index_cast %add3A_24 : i32 to index
      %swap3A_50 = arith.constant 80 : index
      %swap3A_51 = tpu.vector_load %arg9[%swap3A_49, %swap3A_50] {strides = array<i32>} : memref<125x128xf32, #tpu.memory_space<vmem>>, vector<1x16xf32>,
      %swap3A_52 = vector.shape_cast %swap3A_51 : vector<1x16xf32> to vector<16xf32>
      %swap3A_53 = vector.shape_cast %broadcast_in_dim3A_0 : vector<16xf32> to vector<1x16xf32>
      tpu.vector_store %arg9[%swap3A_49, %swap3A_50], %swap3A_53 {strides = array<i32>} : memref<125x128xf32, #tpu.memory_space<vmem>>, vector<1x16xf32>,
      %swap3A_54 = arith.index_cast %add3A_24 : i32 to index
      %swap3A_55 = arith.constant 96 : index
      %swap3A_56 = tpu.vector_load %arg9[%swap3A_54, %swap3A_55] {strides = array<i32>} : memref<125x128xf32, #tpu.memory_space<vmem>>, vector<1x16xf32>,
      %swap3A_57 = vector.shape_cast %swap3A_56 : vector<1x16xf32> to vector<16xf32>
      %swap3A_58 = vector.shape_cast %broadcast_in_dim3A_0 : vector<16xf32> to vector<1x16xf32>
      tpu.vector_store %arg9[%swap3A_54, %swap3A_55], %swap3A_58 {strides = array<i32>} : memref<125x128xf32, #tpu.memory_space<vmem>>, vector<1x16xf32>,
      %swap3A_59 = arith.index_cast %add3A_24 : i32 to index
      %swap3A_60 = arith.constant 112 : index
      %swap3A_61 = tpu.vector_load %arg9[%swap3A_59, %swap3A_60] {strides = array<i32>} : memref<125x128xf32, #tpu.memory_space<vmem>>, vector<1x16xf32>,
      %swap3A_62 = vector.shape_cast %swap3A_61 : vector<1x16xf32> to vector<16xf32>
      %swap3A_63 = vector.shape_cast %broadcast_in_dim3A_0 : vector<16xf32> to vector<1x16xf32>
      tpu.vector_store %arg9[%swap3A_59, %swap3A_60], %swap3A_63 {strides = array<i32>} : memref<125x128xf32, #tpu.memory_space<vmem>>, vector<1x16xf32>,
    }
    %scan3A_4 = arith.constant 125 : i32
    %scan3A_5 = arith.constant 0 : i32
    %scan3A_6 = arith.constant 5 : i32
    %scan3A_7 = arith.addi %scan3A_5, %scan3A_6 : i32
    %scan3A_8 = arith.constant 1 : i32
    scf.for %scan3A_22 = %scan3A_5 to %scan3A_7 step %scan3A_8  : i32 {
      %mul3A = arith.constant 1 : i32
      %mul3A_23 = arith.muli %scan3A_22, %mul3A : i32
      %add3A = arith.constant 0 : i32
      %add3A_24 = arith.addi %add3A, %mul3A_23 : i32
      %mul3A_25 = arith.constant 625 : i32
      %mul3A_26 = arith.muli %arg1, %mul3A_25 : i32
      %mul3A_27 = arith.constant 125 : i32
      %mul3A_28 = arith.muli %add3A_24, %mul3A_27 : i32
      %add3A_29 = arith.addi %mul3A_26, %mul3A_28 : i32
      "tpu.region"() ({
        %run_scoped3A = tpu.sem_alloc : memref<!tpu.dma_semaphore, #tpu.memory_space<semaphore_mem>>
        %dma_start3A = arith.constant 0 : i32
        %dma_start3A_30 = tpu.memref_slice %arg6[%add3A_29, %dma_start3A] : memref<10000x128xf32, #tpu.memory_space<vmem_shared>> -> memref<125x128xf32, #tpu.memory_space<vmem_shared>>
        %dma_start3A_31 = arith.constant 0 : i32
        %dma_start3A_32 = tpu.memref_slice %arg6[%add3A_29, %dma_start3A_31] : memref<10000x128xf32, #tpu.memory_space<vmem_shared>> -> memref<125x128xf32, #tpu.memory_space<vmem_shared>>
        tpu.enqueue_dma source(%arg9 : memref<125x128xf32, #tpu.memory_space<vmem>>) target(%dma_start3A_32 : memref<125x128xf32, #tpu.memory_space<vmem_shared>>) target_semaphore(%run_scoped3A : memref<!tpu.dma_semaphore, #tpu.memory_space<semaphore_mem>>)
        %dma_wait3A = arith.constant 0 : i32
        %dma_wait3A_33 = tpu.memref_slice %arg6[%add3A_29, %dma_wait3A] : memref<10000x128xf32, #tpu.memory_space<vmem_shared>> -> memref<125x128xf32, #tpu.memory_space<vmem_shared>>
        %dma_wait3A_34 = arith.constant 0 : i32
        %dma_wait3A_35 = tpu.memref_slice %arg6[%add3A_29, %dma_wait3A_34] : memref<10000x128xf32, #tpu.memory_space<vmem_shared>> -> memref<125x128xf32, #tpu.memory_space<vmem_shared>>
        tpu.wait_dma2 semaphore(%run_scoped3A : memref<!tpu.dma_semaphore, #tpu.memory_space<semaphore_mem>>) src(%arg9 : memref<125x128xf32, #tpu.memory_space<vmem>>) dst(%dma_wait3A_35 : memref<125x128xf32, #tpu.memory_space<vmem_shared>>)
        tpu.yield
      }) : () -> ()
    }
    %scan3A_9 = arith.constant 5 : i32
    %barrier3A = arith.constant 0 : index
    tpu.barrier barrier_id(%barrier3A)
    %scan3A_10 = arith.constant 0 : i32
    %scan3A_11 = arith.constant 2 : i32
    %scan3A_12 = arith.addi %scan3A_10, %scan3A_11 : i32
    %scan3A_13 = arith.constant 1 : i32
    scf.for %scan3A_22 = %scan3A_10 to %scan3A_12 step %scan3A_13  : i32 {
      %mul3A = arith.constant 1 : i32
      %mul3A_23 = arith.muli %scan3A_22, %mul3A : i32
      %add3A = arith.constant 0 : i32
      %add3A_24 = arith.addi %add3A, %mul3A_23 : i32
      %mul3A_25 = arith.constant 1280 : i32
      %mul3A_26 = arith.muli %arg0, %mul3A_25 : i32
      %mul3A_27 = arith.constant 80 : i32
      %mul3A_28 = arith.muli %arg1, %mul3A_27 : i32
      %add3A_29 = arith.addi %mul3A_26, %mul3A_28 : i32
      %mul3A_30 = arith.constant 40 : i32
      %mul3A_31 = arith.muli %add3A_24, %mul3A_30 : i32
      %add3A_32 = arith.addi %add3A_29, %mul3A_31 : i32
      "tpu.region"() ({
        %run_scoped3A_65 = tpu.sem_alloc : memref<!tpu.dma_semaphore, #tpu.memory_space<semaphore_mem>>
        %dma_start3A_66 = arith.constant 0 : i32
        %dma_start3A_67 = tpu.memref_slice %arg3[%add3A_32, %dma_start3A_66] : memref<2560x125xi32, #tpu.memory_space<hbm>> -> memref<40x125xi32, #tpu.memory_space<hbm>>
        %dma_start3A_68 = arith.constant 0 : i32
        %dma_start3A_69 = tpu.memref_slice %arg3[%add3A_32, %dma_start3A_68] : memref<2560x125xi32, #tpu.memory_space<hbm>> -> memref<40x125xi32, #tpu.memory_space<hbm>>
        tpu.enqueue_dma source(%dma_start3A_69 : memref<40x125xi32, #tpu.memory_space<hbm>>) target(%arg7 : memref<40x125xi32, #tpu.memory_space<vmem>>) target_semaphore(%run_scoped3A_65 : memref<!tpu.dma_semaphore, #tpu.memory_space<semaphore_mem>>)
        %dma_wait3A_70 = arith.constant 0 : i32
        %dma_wait3A_71 = tpu.memref_slice %arg3[%add3A_32, %dma_wait3A_70] : memref<2560x125xi32, #tpu.memory_space<hbm>> -> memref<40x125xi32, #tpu.memory_space<hbm>>
        %dma_wait3A_72 = arith.constant 0 : i32
        %dma_wait3A_73 = tpu.memref_slice %arg3[%add3A_32, %dma_wait3A_72] : memref<2560x125xi32, #tpu.memory_space<hbm>> -> memref<40x125xi32, #tpu.memory_space<hbm>>
        tpu.wait_dma2 semaphore(%run_scoped3A_65 : memref<!tpu.dma_semaphore, #tpu.memory_space<semaphore_mem>>) src(%dma_wait3A_73 : memref<40x125xi32, #tpu.memory_space<hbm>>) dst(%arg7 : memref<40x125xi32, #tpu.memory_space<vmem>>)
        tpu.yield
      }) : () -> ()
      "tpu.region"() ({
        %run_scoped3A_65 = tpu.sem_alloc : memref<!tpu.dma_semaphore, #tpu.memory_space<semaphore_mem>>
        %dma_start3A_66 = arith.constant 0 : i32
        %dma_start3A_67 = tpu.memref_slice %arg4[%add3A_32, %dma_start3A_66] : memref<2560x125xi32, #tpu.memory_space<hbm>> -> memref<40x125xi32, #tpu.memory_space<hbm>>
        %dma_start3A_68 = arith.constant 0 : i32
        %dma_start3A_69 = tpu.memref_slice %arg4[%add3A_32, %dma_start3A_68] : memref<2560x125xi32, #tpu.memory_space<hbm>> -> memref<40x125xi32, #tpu.memory_space<hbm>>
        tpu.enqueue_dma source(%dma_start3A_69 : memref<40x125xi32, #tpu.memory_space<hbm>>) target(%arg8 : memref<40x125xi32, #tpu.memory_space<vmem>>) target_semaphore(%run_scoped3A_65 : memref<!tpu.dma_semaphore, #tpu.memory_space<semaphore_mem>>)
        %dma_wait3A_70 = arith.constant 0 : i32
        %dma_wait3A_71 = tpu.memref_slice %arg4[%add3A_32, %dma_wait3A_70] : memref<2560x125xi32, #tpu.memory_space<hbm>> -> memref<40x125xi32, #tpu.memory_space<hbm>>
        %dma_wait3A_72 = arith.constant 0 : i32
        %dma_wait3A_73 = tpu.memref_slice %arg4[%add3A_32, %dma_wait3A_72] : memref<2560x125xi32, #tpu.memory_space<hbm>> -> memref<40x125xi32, #tpu.memory_space<hbm>>
        tpu.wait_dma2 semaphore(%run_scoped3A_65 : memref<!tpu.dma_semaphore, #tpu.memory_space<semaphore_mem>>) src(%dma_wait3A_73 : memref<40x125xi32, #tpu.memory_space<hbm>>) dst(%arg8 : memref<40x125xi32, #tpu.memory_space<vmem>>)
        tpu.yield
      }) : () -> ()
      %dma_start3A = arith.constant 0 : i32
      %dma_start3A_33 = arith.constant 0 : i32
      %dma_start3A_34 = tpu.memref_slice %arg7[%dma_start3A, %dma_start3A_33] : memref<40x125xi32, #tpu.memory_space<vmem>> -> memref<1x125xi32, #tpu.memory_space<vmem>>
      %dma_start3A_35 = tpu.memref_squeeze %dma_start3A_34 : memref<1x125xi32, #tpu.memory_space<vmem>> -> memref<125xi32, #tpu.memory_space<vmem>>
      %dma_start3A_36 = arith.constant 0 : i32
      %dma_start3A_37 = arith.constant 0 : i32
      %dma_start3A_38 = tpu.memref_slice %arg2[%dma_start3A_36, %dma_start3A_37] : memref<10000x128xf32, #tpu.memory_space<hbm>> -> memref<10000x128xf32, #tpu.memory_space<hbm>>
      tpu.enqueue_indirect_dma source(%dma_start3A_38 : memref<10000x128xf32, #tpu.memory_space<hbm>>) target(%arg9 : memref<125x128xf32, #tpu.memory_space<vmem>>) offsets(%dma_start3A_35 : memref<125xi32, #tpu.memory_space<vmem>>) semaphore(%arg11 : memref<!tpu.dma_semaphore, #tpu.memory_space<semaphore_mem>>)
      %dma_start3A_39 = arith.constant 1 : i32
      %dma_start3A_40 = arith.constant 0 : i32
      %dma_start3A_41 = tpu.memref_slice %arg7[%dma_start3A_39, %dma_start3A_40] : memref<40x125xi32, #tpu.memory_space<vmem>> -> memref<1x125xi32, #tpu.memory_space<vmem>>
      %dma_start3A_42 = tpu.memref_squeeze %dma_start3A_41 : memref<1x125xi32, #tpu.memory_space<vmem>> -> memref<125xi32, #tpu.memory_space<vmem>>
      %dma_start3A_43 = arith.constant 0 : i32
      %dma_start3A_44 = arith.constant 0 : i32
      %dma_start3A_45 = tpu.memref_slice %arg2[%dma_start3A_43, %dma_start3A_44] : memref<10000x128xf32, #tpu.memory_space<hbm>> -> memref<10000x128xf32, #tpu.memory_space<hbm>>
      tpu.enqueue_indirect_dma source(%dma_start3A_45 : memref<10000x128xf32, #tpu.memory_space<hbm>>) target(%arg10 : memref<125x128xf32, #tpu.memory_space<vmem>>) offsets(%dma_start3A_42 : memref<125xi32, #tpu.memory_space<vmem>>) semaphore(%arg12 : memref<!tpu.dma_semaphore, #tpu.memory_space<semaphore_mem>>)
      %scan3A_46 = arith.constant 0 : i32
      %scan3A_47 = arith.constant 19 : i32
      %scan3A_48 = arith.addi %scan3A_46, %scan3A_47 : i32
      %scan3A_49 = arith.constant 1 : i32
      scf.for %scan3A_65 = %scan3A_46 to %scan3A_48 step %scan3A_49  : i32 {
        %mul3A_66 = arith.constant 1 : i32
        %mul3A_67 = arith.muli %scan3A_65, %mul3A_66 : i32
        %add3A_68 = arith.constant 0 : i32
        %add3A_69 = arith.addi %add3A_68, %mul3A_67 : i32
        %mul3A_70 = arith.constant 2 : i32
        %mul3A_71 = arith.muli %mul3A_70, %add3A_69 : i32
        %dma_wait3A_72 = arith.constant 0 : i32
        %dma_wait3A_73 = tpu.memref_slice %arg7[%mul3A_71, %dma_wait3A_72] : memref<40x125xi32, #tpu.memory_space<vmem>> -> memref<1x125xi32, #tpu.memory_space<vmem>>
        %dma_wait3A_74 = tpu.memref_squeeze %dma_wait3A_73 : memref<1x125xi32, #tpu.memory_space<vmem>> -> memref<125xi32, #tpu.memory_space<vmem>>
        %dma_wait3A_75 = arith.constant 0 : i32
        %dma_wait3A_76 = arith.constant 0 : i32
        %dma_wait3A_77 = tpu.memref_slice %arg2[%dma_wait3A_75, %dma_wait3A_76] : memref<10000x128xf32, #tpu.memory_space<hbm>> -> memref<10000x128xf32, #tpu.memory_space<hbm>>
        tpu.wait_indirect_dma semaphore(%arg11 : memref<!tpu.dma_semaphore, #tpu.memory_space<semaphore_mem>>) src(%dma_wait3A_77 : memref<10000x128xf32, #tpu.memory_space<hbm>>) dst(%arg9 : memref<125x128xf32, #tpu.memory_space<vmem>>)
        "tpu.region"() ({
          %run_scoped3A_104 = tpu.sem_alloc : memref<!tpu.dma_semaphore, #tpu.memory_space<semaphore_mem>>
          %dma_start3A_105 = arith.constant 0 : i32
          %dma_start3A_106 = tpu.memref_slice %arg8[%mul3A_71, %dma_start3A_105] : memref<40x125xi32, #tpu.memory_space<vmem>> -> memref<1x125xi32, #tpu.memory_space<vmem>>
          %dma_start3A_107 = tpu.memref_squeeze %dma_start3A_106 : memref<1x125xi32, #tpu.memory_space<vmem>> -> memref<125xi32, #tpu.memory_space<vmem>>
          %dma_start3A_108 = arith.constant 0 : i32
          %dma_start3A_109 = arith.constant 0 : i32
          %dma_start3A_110 = tpu.memref_slice %arg6[%dma_start3A_108, %dma_start3A_109] : memref<10000x128xf32, #tpu.memory_space<vmem_shared>> -> memref<10000x128xf32, #tpu.memory_space<vmem_shared>>
          tpu.enqueue_indirect_dma source(%arg9 : memref<125x128xf32, #tpu.memory_space<vmem>>) target(%dma_start3A_110 : memref<10000x128xf32, #tpu.memory_space<vmem_shared>>) offsets(%dma_start3A_107 : memref<125xi32, #tpu.memory_space<vmem>>) semaphore(%run_scoped3A_104 : memref<!tpu.dma_semaphore, #tpu.memory_space<semaphore_mem>>) {add = true}
          %dma_wait3A_111 = arith.constant 0 : i32
          %dma_wait3A_112 = tpu.memref_slice %arg8[%mul3A_71, %dma_wait3A_111] : memref<40x125xi32, #tpu.memory_space<vmem>> -> memref<1x125xi32, #tpu.memory_space<vmem>>
          %dma_wait3A_113 = tpu.memref_squeeze %dma_wait3A_112 : memref<1x125xi32, #tpu.memory_space<vmem>> -> memref<125xi32, #tpu.memory_space<vmem>>
          %dma_wait3A_114 = arith.constant 0 : i32
          %dma_wait3A_115 = arith.constant 0 : i32
          %dma_wait3A_116 = tpu.memref_slice %arg6[%dma_wait3A_114, %dma_wait3A_115] : memref<10000x128xf32, #tpu.memory_space<vmem_shared>> -> memref<10000x128xf32, #tpu.memory_space<vmem_shared>>
          tpu.wait_indirect_dma semaphore(%run_scoped3A_104 : memref<!tpu.dma_semaphore, #tpu.memory_space<semaphore_mem>>) src(%arg9 : memref<125x128xf32, #tpu.memory_space<vmem>>) dst(%dma_wait3A_116 : memref<10000x128xf32, #tpu.memory_space<vmem_shared>>)
          tpu.yield
        }) : () -> ()
        %add3A_78 = arith.constant 2 : i32
        %add3A_79 = arith.addi %mul3A_71, %add3A_78 : i32
        %dma_start3A_80 = arith.constant 0 : i32
        %dma_start3A_81 = tpu.memref_slice %arg7[%add3A_79, %dma_start3A_80] : memref<40x125xi32, #tpu.memory_space<vmem>> -> memref<1x125xi32, #tpu.memory_space<vmem>>
        %dma_start3A_82 = tpu.memref_squeeze %dma_start3A_81 : memref<1x125xi32, #tpu.memory_space<vmem>> -> memref<125xi32, #tpu.memory_space<vmem>>
        %dma_start3A_83 = arith.constant 0 : i32
        %dma_start3A_84 = arith.constant 0 : i32
        %dma_start3A_85 = tpu.memref_slice %arg2[%dma_start3A_83, %dma_start3A_84] : memref<10000x128xf32, #tpu.memory_space<hbm>> -> memref<10000x128xf32, #tpu.memory_space<hbm>>
        tpu.enqueue_indirect_dma source(%dma_start3A_85 : memref<10000x128xf32, #tpu.memory_space<hbm>>) target(%arg9 : memref<125x128xf32, #tpu.memory_space<vmem>>) offsets(%dma_start3A_82 : memref<125xi32, #tpu.memory_space<vmem>>) semaphore(%arg11 : memref<!tpu.dma_semaphore, #tpu.memory_space<semaphore_mem>>)
        %add3A_86 = arith.constant 1 : i32
        %add3A_87 = arith.addi %mul3A_71, %add3A_86 : i32
        %dma_wait3A_88 = arith.constant 0 : i32
        %dma_wait3A_89 = tpu.memref_slice %arg7[%add3A_87, %dma_wait3A_88] : memref<40x125xi32, #tpu.memory_space<vmem>> -> memref<1x125xi32, #tpu.memory_space<vmem>>
        %dma_wait3A_90 = tpu.memref_squeeze %dma_wait3A_89 : memref<1x125xi32, #tpu.memory_space<vmem>> -> memref<125xi32, #tpu.memory_space<vmem>>
        %dma_wait3A_91 = arith.constant 0 : i32
        %dma_wait3A_92 = arith.constant 0 : i32
        %dma_wait3A_93 = tpu.memref_slice %arg2[%dma_wait3A_91, %dma_wait3A_92] : memref<10000x128xf32, #tpu.memory_space<hbm>> -> memref<10000x128xf32, #tpu.memory_space<hbm>>
        tpu.wait_indirect_dma semaphore(%arg12 : memref<!tpu.dma_semaphore, #tpu.memory_space<semaphore_mem>>) src(%dma_wait3A_93 : memref<10000x128xf32, #tpu.memory_space<hbm>>) dst(%arg10 : memref<125x128xf32, #tpu.memory_space<vmem>>)
        %add3A_94 = arith.constant 1 : i32
        %add3A_95 = arith.addi %mul3A_71, %add3A_94 : i32
        "tpu.region"() ({
          %run_scoped3A_104 = tpu.sem_alloc : memref<!tpu.dma_semaphore, #tpu.memory_space<semaphore_mem>>
          %dma_start3A_105 = arith.constant 0 : i32
          %dma_start3A_106 = tpu.memref_slice %arg8[%add3A_95, %dma_start3A_105] : memref<40x125xi32, #tpu.memory_space<vmem>> -> memref<1x125xi32, #tpu.memory_space<vmem>>
          %dma_start3A_107 = tpu.memref_squeeze %dma_start3A_106 : memref<1x125xi32, #tpu.memory_space<vmem>> -> memref<125xi32, #tpu.memory_space<vmem>>
          %dma_start3A_108 = arith.constant 0 : i32
          %dma_start3A_109 = arith.constant 0 : i32
          %dma_start3A_110 = tpu.memref_slice %arg6[%dma_start3A_108, %dma_start3A_109] : memref<10000x128xf32, #tpu.memory_space<vmem_shared>> -> memref<10000x128xf32, #tpu.memory_space<vmem_shared>>
          tpu.enqueue_indirect_dma source(%arg10 : memref<125x128xf32, #tpu.memory_space<vmem>>) target(%dma_start3A_110 : memref<10000x128xf32, #tpu.memory_space<vmem_shared>>) offsets(%dma_start3A_107 : memref<125xi32, #tpu.memory_space<vmem>>) semaphore(%run_scoped3A_104 : memref<!tpu.dma_semaphore, #tpu.memory_space<semaphore_mem>>) {add = true}
          %dma_wait3A_111 = arith.constant 0 : i32
          %dma_wait3A_112 = tpu.memref_slice %arg8[%add3A_95, %dma_wait3A_111] : memref<40x125xi32, #tpu.memory_space<vmem>> -> memref<1x125xi32, #tpu.memory_space<vmem>>
          %dma_wait3A_113 = tpu.memref_squeeze %dma_wait3A_112 : memref<1x125xi32, #tpu.memory_space<vmem>> -> memref<125xi32, #tpu.memory_space<vmem>>
          %dma_wait3A_114 = arith.constant 0 : i32
          %dma_wait3A_115 = arith.constant 0 : i32
          %dma_wait3A_116 = tpu.memref_slice %arg6[%dma_wait3A_114, %dma_wait3A_115] : memref<10000x128xf32, #tpu.memory_space<vmem_shared>> -> memref<10000x128xf32, #tpu.memory_space<vmem_shared>>
          tpu.wait_indirect_dma semaphore(%run_scoped3A_104 : memref<!tpu.dma_semaphore, #tpu.memory_space<semaphore_mem>>) src(%arg10 : memref<125x128xf32, #tpu.memory_space<vmem>>) dst(%dma_wait3A_116 : memref<10000x128xf32, #tpu.memory_space<vmem_shared>>)
          tpu.yield
        }) : () -> ()
        %add3A_96 = arith.constant 3 : i32
        %add3A_97 = arith.addi %mul3A_71, %add3A_96 : i32
        %dma_start3A_98 = arith.constant 0 : i32
        %dma_start3A_99 = tpu.memref_slice %arg7[%add3A_97, %dma_start3A_98] : memref<40x125xi32, #tpu.memory_space<vmem>> -> memref<1x125xi32, #tpu.memory_space<vmem>>
        %dma_start3A_100 = tpu.memref_squeeze %dma_start3A_99 : memref<1x125xi32, #tpu.memory_space<vmem>> -> memref<125xi32, #tpu.memory_space<vmem>>
        %dma_start3A_101 = arith.constant 0 : i32
        %dma_start3A_102 = arith.constant 0 : i32
        %dma_start3A_103 = tpu.memref_slice %arg2[%dma_start3A_101, %dma_start3A_102] : memref<10000x128xf32, #tpu.memory_space<hbm>> -> memref<10000x128xf32, #tpu.memory_space<hbm>>
        tpu.enqueue_indirect_dma source(%dma_start3A_103 : memref<10000x128xf32, #tpu.memory_space<hbm>>) target(%arg10 : memref<125x128xf32, #tpu.memory_space<vmem>>) offsets(%dma_start3A_100 : memref<125xi32, #tpu.memory_space<vmem>>) semaphore(%arg12 : memref<!tpu.dma_semaphore, #tpu.memory_space<semaphore_mem>>)
      }
      %scan3A_50 = arith.constant 19 : i32
      %dma_wait3A = arith.constant 38 : i32
      %dma_wait3A_51 = arith.constant 0 : i32
      %dma_wait3A_52 = tpu.memref_slice %arg7[%dma_wait3A, %dma_wait3A_51] : memref<40x125xi32, #tpu.memory_space<vmem>> -> memref<1x125xi32, #tpu.memory_space<vmem>>
      %dma_wait3A_53 = tpu.memref_squeeze %dma_wait3A_52 : memref<1x125xi32, #tpu.memory_space<vmem>> -> memref<125xi32, #tpu.memory_space<vmem>>
      %dma_wait3A_54 = arith.constant 0 : i32
      %dma_wait3A_55 = arith.constant 0 : i32
      %dma_wait3A_56 = tpu.memref_slice %arg2[%dma_wait3A_54, %dma_wait3A_55] : memref<10000x128xf32, #tpu.memory_space<hbm>> -> memref<10000x128xf32, #tpu.memory_space<hbm>>
      tpu.wait_indirect_dma semaphore(%arg11 : memref<!tpu.dma_semaphore, #tpu.memory_space<semaphore_mem>>) src(%dma_wait3A_56 : memref<10000x128xf32, #tpu.memory_space<hbm>>) dst(%arg9 : memref<125x128xf32, #tpu.memory_space<vmem>>)
      %run_scoped3A = arith.constant 38 : i32
      "tpu.region"() ({
        %run_scoped3A_65 = tpu.sem_alloc : memref<!tpu.dma_semaphore, #tpu.memory_space<semaphore_mem>>
        %dma_start3A_66 = arith.constant 0 : i32
        %dma_start3A_67 = tpu.memref_slice %arg8[%run_scoped3A, %dma_start3A_66] : memref<40x125xi32, #tpu.memory_space<vmem>> -> memref<1x125xi32, #tpu.memory_space<vmem>>
        %dma_start3A_68 = tpu.memref_squeeze %dma_start3A_67 : memref<1x125xi32, #tpu.memory_space<vmem>> -> memref<125xi32, #tpu.memory_space<vmem>>
        %dma_start3A_69 = arith.constant 0 : i32
        %dma_start3A_70 = arith.constant 0 : i32
        %dma_start3A_71 = tpu.memref_slice %arg6[%dma_start3A_69, %dma_start3A_70] : memref<10000x128xf32, #tpu.memory_space<vmem_shared>> -> memref<10000x128xf32, #tpu.memory_space<vmem_shared>>
        tpu.enqueue_indirect_dma source(%arg9 : memref<125x128xf32, #tpu.memory_space<vmem>>) target(%dma_start3A_71 : memref<10000x128xf32, #tpu.memory_space<vmem_shared>>) offsets(%dma_start3A_68 : memref<125xi32, #tpu.memory_space<vmem>>) semaphore(%run_scoped3A_65 : memref<!tpu.dma_semaphore, #tpu.memory_space<semaphore_mem>>) {add = true}
        %dma_wait3A_72 = arith.constant 0 : i32
        %dma_wait3A_73 = tpu.memref_slice %arg8[%run_scoped3A, %dma_wait3A_72] : memref<40x125xi32, #tpu.memory_space<vmem>> -> memref<1x125xi32, #tpu.memory_space<vmem>>
        %dma_wait3A_74 = tpu.memref_squeeze %dma_wait3A_73 : memref<1x125xi32, #tpu.memory_space<vmem>> -> memref<125xi32, #tpu.memory_space<vmem>>
        %dma_wait3A_75 = arith.constant 0 : i32
        %dma_wait3A_76 = arith.constant 0 : i32
        %dma_wait3A_77 = tpu.memref_slice %arg6[%dma_wait3A_75, %dma_wait3A_76] : memref<10000x128xf32, #tpu.memory_space<vmem_shared>> -> memref<10000x128xf32, #tpu.memory_space<vmem_shared>>
        tpu.wait_indirect_dma semaphore(%run_scoped3A_65 : memref<!tpu.dma_semaphore, #tpu.memory_space<semaphore_mem>>) src(%arg9 : memref<125x128xf32, #tpu.memory_space<vmem>>) dst(%dma_wait3A_77 : memref<10000x128xf32, #tpu.memory_space<vmem_shared>>)
        tpu.yield
      }) : () -> ()
      %dma_wait3A_57 = arith.constant 39 : i32
      %dma_wait3A_58 = arith.constant 0 : i32
      %dma_wait3A_59 = tpu.memref_slice %arg7[%dma_wait3A_57, %dma_wait3A_58] : memref<40x125xi32, #tpu.memory_space<vmem>> -> memref<1x125xi32, #tpu.memory_space<vmem>>
      %dma_wait3A_60 = tpu.memref_squeeze %dma_wait3A_59 : memref<1x125xi32, #tpu.memory_space<vmem>> -> memref<125xi32, #tpu.memory_space<vmem>>
      %dma_wait3A_61 = arith.constant 0 : i32
      %dma_wait3A_62 = arith.constant 0 : i32
      %dma_wait3A_63 = tpu.memref_slice %arg2[%dma_wait3A_61, %dma_wait3A_62] : memref<10000x128xf32, #tpu.memory_space<hbm>> -> memref<10000x128xf32, #tpu.memory_space<hbm>>
      tpu.wait_indirect_dma semaphore(%arg12 : memref<!tpu.dma_semaphore, #tpu.memory_space<semaphore_mem>>) src(%dma_wait3A_63 : memref<10000x128xf32, #tpu.memory_space<hbm>>) dst(%arg10 : memref<125x128xf32, #tpu.memory_space<vmem>>)
      %run_scoped3A_64 = arith.constant 39 : i32
      "tpu.region"() ({
        %run_scoped3A_65 = tpu.sem_alloc : memref<!tpu.dma_semaphore, #tpu.memory_space<semaphore_mem>>
        %dma_start3A_66 = arith.constant 0 : i32
        %dma_start3A_67 = tpu.memref_slice %arg8[%run_scoped3A_64, %dma_start3A_66] : memref<40x125xi32, #tpu.memory_space<vmem>> -> memref<1x125xi32, #tpu.memory_space<vmem>>
        %dma_start3A_68 = tpu.memref_squeeze %dma_start3A_67 : memref<1x125xi32, #tpu.memory_space<vmem>> -> memref<125xi32, #tpu.memory_space<vmem>>
        %dma_start3A_69 = arith.constant 0 : i32
        %dma_start3A_70 = arith.constant 0 : i32
        %dma_start3A_71 = tpu.memref_slice %arg6[%dma_start3A_69, %dma_start3A_70] : memref<10000x128xf32, #tpu.memory_space<vmem_shared>> -> memref<10000x128xf32, #tpu.memory_space<vmem_shared>>
        tpu.enqueue_indirect_dma source(%arg10 : memref<125x128xf32, #tpu.memory_space<vmem>>) target(%dma_start3A_71 : memref<10000x128xf32, #tpu.memory_space<vmem_shared>>) offsets(%dma_start3A_68 : memref<125xi32, #tpu.memory_space<vmem>>) semaphore(%run_scoped3A_65 : memref<!tpu.dma_semaphore, #tpu.memory_space<semaphore_mem>>) {add = true}
        %dma_wait3A_72 = arith.constant 0 : i32
        %dma_wait3A_73 = tpu.memref_slice %arg8[%run_scoped3A_64, %dma_wait3A_72] : memref<40x125xi32, #tpu.memory_space<vmem>> -> memref<1x125xi32, #tpu.memory_space<vmem>>
        %dma_wait3A_74 = tpu.memref_squeeze %dma_wait3A_73 : memref<1x125xi32, #tpu.memory_space<vmem>> -> memref<125xi32, #tpu.memory_space<vmem>>
        %dma_wait3A_75 = arith.constant 0 : i32
        %dma_wait3A_76 = arith.constant 0 : i32
        %dma_wait3A_77 = tpu.memref_slice %arg6[%dma_wait3A_75, %dma_wait3A_76] : memref<10000x128xf32, #tpu.memory_space<vmem_shared>> -> memref<10000x128xf32, #tpu.memory_space<vmem_shared>>
        tpu.wait_indirect_dma semaphore(%run_scoped3A_65 : memref<!tpu.dma_semaphore, #tpu.memory_space<semaphore_mem>>) src(%arg10 : memref<125x128xf32, #tpu.memory_space<vmem>>) dst(%dma_wait3A_77 : memref<10000x128xf32, #tpu.memory_space<vmem_shared>>)
        tpu.yield
      }) : () -> ()
    }
    %scan3A_14 = arith.constant 2 : i32
    %barrier3A_15 = arith.constant 0 : index
    tpu.barrier barrier_id(%barrier3A_15)
    %lt3A = arith.constant 15 : i32
    %lt3A_16 = arith.cmpi slt, %arg1, %lt3A : i32
    %convert_element_type3A = arith.extui %lt3A_16 : i1 to i32
    %cond3A = arith.constant 0 : i32
    %cond3A_17 = arith.cmpi ne, %convert_element_type3A, %cond3A : i32
    scf.if %cond3A_17 {
      %mul3A = arith.constant 624 : i32
      %mul3A_22 = arith.muli %arg1, %mul3A : i32
      %mul3A_23 = arith.constant 624 : i32
      %mul3A_24 = arith.muli %arg1, %mul3A_23 : i32
      "tpu.region"() ({
        %run_scoped3A = tpu.sem_alloc : memref<!tpu.dma_semaphore, #tpu.memory_space<semaphore_mem>>
        %dma_start3A = arith.constant 0 : i32
        %dma_start3A_25 = tpu.memref_slice %arg5[%arg0, %mul3A_24, %dma_start3A] : memref<2x10000x128xf32, #tpu.memory_space<hbm>> -> memref<1x624x128xf32, #tpu.memory_space<hbm>>
        %dma_start3A_26 = tpu.memref_squeeze %dma_start3A_25 : memref<1x624x128xf32, #tpu.memory_space<hbm>> -> memref<624x128xf32, #tpu.memory_space<hbm>>
        %dma_start3A_27 = arith.constant 0 : i32
        %dma_start3A_28 = tpu.memref_slice %arg6[%mul3A_22, %dma_start3A_27] : memref<10000x128xf32, #tpu.memory_space<vmem_shared>> -> memref<624x128xf32, #tpu.memory_space<vmem_shared>>
        tpu.enqueue_dma source(%dma_start3A_28 : memref<624x128xf32, #tpu.memory_space<vmem_shared>>) target(%dma_start3A_26 : memref<624x128xf32, #tpu.memory_space<hbm>>) target_semaphore(%run_scoped3A : memref<!tpu.dma_semaphore, #tpu.memory_space<semaphore_mem>>)
        %dma_wait3A = arith.constant 0 : i32
        %dma_wait3A_29 = tpu.memref_slice %arg5[%arg0, %mul3A_24, %dma_wait3A] : memref<2x10000x128xf32, #tpu.memory_space<hbm>> -> memref<1x624x128xf32, #tpu.memory_space<hbm>>
        %dma_wait3A_30 = tpu.memref_squeeze %dma_wait3A_29 : memref<1x624x128xf32, #tpu.memory_space<hbm>> -> memref<624x128xf32, #tpu.memory_space<hbm>>
        %dma_wait3A_31 = arith.constant 0 : i32
        %dma_wait3A_32 = tpu.memref_slice %arg6[%mul3A_22, %dma_wait3A_31] : memref<10000x128xf32, #tpu.memory_space<vmem_shared>> -> memref<624x128xf32, #tpu.memory_space<vmem_shared>>
        tpu.wait_dma2 semaphore(%run_scoped3A : memref<!tpu.dma_semaphore, #tpu.memory_space<semaphore_mem>>) src(%dma_wait3A_32 : memref<624x128xf32, #tpu.memory_space<vmem_shared>>) dst(%dma_wait3A_30 : memref<624x128xf32, #tpu.memory_space<hbm>>)
        tpu.yield
      }) : () -> ()
    } else {
    }
    %eq3A = arith.constant 15 : i32
    %eq3A_18 = arith.cmpi eq, %arg1, %eq3A : i32
    %convert_element_type3A_19 = arith.extui %eq3A_18 : i1 to i32
    %cond3A_20 = arith.constant 0 : i32
    %cond3A_21 = arith.cmpi ne, %convert_element_type3A_19, %cond3A_20 : i32
    scf.if %cond3A_21 {
      "tpu.region"() ({
        %run_scoped3A = tpu.sem_alloc : memref<!tpu.dma_semaphore, #tpu.memory_space<semaphore_mem>>
        %dma_start3A = arith.constant 9360 : i32
        %dma_start3A_22 = arith.constant 0 : i32
        %dma_start3A_23 = tpu.memref_slice %arg5[%arg0, %dma_start3A, %dma_start3A_22] : memref<2x10000x128xf32, #tpu.memory_space<hbm>> -> memref<1x640x128xf32, #tpu.memory_space<hbm>>
        %dma_start3A_24 = tpu.memref_squeeze %dma_start3A_23 : memref<1x640x128xf32, #tpu.memory_space<hbm>> -> memref<640x128xf32, #tpu.memory_space<hbm>>
        %dma_start3A_25 = arith.constant 9360 : i32
        %dma_start3A_26 = arith.constant 0 : i32
        %dma_start3A_27 = tpu.memref_slice %arg6[%dma_start3A_25, %dma_start3A_26] : memref<10000x128xf32, #tpu.memory_space<vmem_shared>> -> memref<640x128xf32, #tpu.memory_space<vmem_shared>>
        tpu.enqueue_dma source(%dma_start3A_27 : memref<640x128xf32, #tpu.memory_space<vmem_shared>>) target(%dma_start3A_24 : memref<640x128xf32, #tpu.memory_space<hbm>>) target_semaphore(%run_scoped3A : memref<!tpu.dma_semaphore, #tpu.memory_space<semaphore_mem>>)
        %dma_wait3A = arith.constant 9360 : i32
        %dma_wait3A_28 = arith.constant 0 : i32
        %dma_wait3A_29 = tpu.memref_slice %arg5[%arg0, %dma_wait3A, %dma_wait3A_28] : memref<2x10000x128xf32, #tpu.memory_space<hbm>> -> memref<1x640x128xf32, #tpu.memory_space<hbm>>
        %dma_wait3A_30 = tpu.memref_squeeze %dma_wait3A_29 : memref<1x640x128xf32, #tpu.memory_space<hbm>> -> memref<640x128xf32, #tpu.memory_space<hbm>>
        %dma_wait3A_31 = arith.constant 9360 : i32
        %dma_wait3A_32 = arith.constant 0 : i32
        %dma_wait3A_33 = tpu.memref_slice %arg6[%dma_wait3A_31, %dma_wait3A_32] : memref<10000x128xf32, #tpu.memory_space<vmem_shared>> -> memref<640x128xf32, #tpu.memory_space<vmem_shared>>
        tpu.wait_dma2 semaphore(%run_scoped3A : memref<!tpu.dma_semaphore, #tpu.memory_space<semaphore_mem>>) src(%dma_wait3A_33 : memref<640x128xf32, #tpu.memory_space<vmem_shared>>) dst(%dma_wait3A_30 : memref<640x128xf32, #tpu.memory_space<hbm>>)
        tpu.yield
      }) : () -> ()
    } else {
    }
    return
  }
}

#map = affine_map<(d0, d1) -> (0, 0)>
#map1 = affine_map<(d0, d1) -> (0, 0, 0)>
module attributes {stable_mosaic.version = 14 : i64} {
  func.func @k(%arg0: i32, %arg1: i32, %arg2: memref<10000x128xf32, #tpu.memory_space<hbm>>, %arg3: memref<2560x125xi32, #tpu.memory_space<hbm>>, %arg4: memref<2560x125xi32, #tpu.memory_space<hbm>>, %arg5: memref<2x10000x128xf32, #tpu.memory_space<hbm>>, %arg6: memref<10000x128xf32, #tpu.memory_space<vmem_shared>>, %arg7: memref<40x125xi32, #tpu.memory_space<vmem>>, %arg8: memref<40x125xi32, #tpu.memory_space<vmem>>, %arg9: memref<125x128xf32, #tpu.memory_space<vmem>>, %arg10: memref<125x128xf32, #tpu.memory_space<vmem>>, %arg11: memref<!tpu.dma_semaphore, #tpu.memory_space<semaphore_mem>>, %arg12: memref<!tpu.dma_semaphore, #tpu.memory_space<semaphore_mem>>) attributes {dimension_semantics = [#tpu.dimension_semantics<core_parallel>, #tpu.dimension_semantics<subcore_parallel>], iteration_bounds = array<i64: 2, 16>, scalar_prefetch = 0 : i64, scratch_operands = 7 : i64, tpu.core_type = #tpu.core_type<sc_vector_subcore>, window_params = [{transform_indices = #map}, {transform_indices = #map}, {transform_indices = #map}, {transform_indices = #map1}]} {
    %broadcast_in_dim3A = arith.constant 0.000000e+00 : f32
    %broadcast_in_dim3A_0 = vector.broadcast %broadcast_in_dim3A : f32 to vector<16xf32>
    %scan3A = arith.constant 0 : i32
    %scan3A_1 = arith.constant 125 : i32
    %scan3A_2 = arith.addi %scan3A, %scan3A_1 : i32
    %scan3A_3 = arith.constant 1 : i32
    scf.for %scan3A_22 = %scan3A to %scan3A_2 step %scan3A_3  : i32 {
      %mul3A = arith.constant 1 : i32
      %mul3A_23 = arith.muli %scan3A_22, %mul3A : i32
      %add3A = arith.constant 0 : i32
      %add3A_24 = arith.addi %add3A, %mul3A_23 : i32
      %swap3A = arith.index_cast %add3A_24 : i32 to index
      %swap3A_25 = arith.constant 0 : index
      %swap3A_26 = tpu.vector_load %arg9[%swap3A, %swap3A_25] {strides = array<i32>} : memref<125x128xf32, #tpu.memory_space<vmem>>, vector<1x16xf32>,
      %swap3A_27 = vector.shape_cast %swap3A_26 : vector<1x16xf32> to vector<16xf32>
      %swap3A_28 = vector.shape_cast %broadcast_in_dim3A_0 : vector<16xf32> to vector<1x16xf32>
      tpu.vector_store %arg9[%swap3A, %swap3A_25], %swap3A_28 {strides = array<i32>} : memref<125x128xf32, #tpu.memory_space<vmem>>, vector<1x16xf32>,
      %swap3A_29 = arith.index_cast %add3A_24 : i32 to index
      %swap3A_30 = arith.constant 16 : index
      %swap3A_31 = tpu.vector_load %arg9[%swap3A_29, %swap3A_30] {strides = array<i32>} : memref<125x128xf32, #tpu.memory_space<vmem>>, vector<1x16xf32>,
      %swap3A_32 = vector.shape_cast %swap3A_31 : vector<1x16xf32> to vector<16xf32>
      %swap3A_33 = vector.shape_cast %broadcast_in_dim3A_0 : vector<16xf32> to vector<1x16xf32>
      tpu.vector_store %arg9[%swap3A_29, %swap3A_30], %swap3A_33 {strides = array<i32>} : memref<125x128xf32, #tpu.memory_space<vmem>>, vector<1x16xf32>,
      %swap3A_34 = arith.index_cast %add3A_24 : i32 to index
      %swap3A_35 = arith.constant 32 : index
      %swap3A_36 = tpu.vector_load %arg9[%swap3A_34, %swap3A_35] {strides = array<i32>} : memref<125x128xf32, #tpu.memory_space<vmem>>, vector<1x16xf32>,
      %swap3A_37 = vector.shape_cast %swap3A_36 : vector<1x16xf32> to vector<16xf32>
      %swap3A_38 = vector.shape_cast %broadcast_in_dim3A_0 : vector<16xf32> to vector<1x16xf32>
      tpu.vector_store %arg9[%swap3A_34, %swap3A_35], %swap3A_38 {strides = array<i32>} : memref<125x128xf32, #tpu.memory_space<vmem>>, vector<1x16xf32>,
      %swap3A_39 = arith.index_cast %add3A_24 : i32 to index
      %swap3A_40 = arith.constant 48 : index
      %swap3A_41 = tpu.vector_load %arg9[%swap3A_39, %swap3A_40] {strides = array<i32>} : memref<125x128xf32, #tpu.memory_space<vmem>>, vector<1x16xf32>,
      %swap3A_42 = vector.shape_cast %swap3A_41 : vector<1x16xf32> to vector<16xf32>
      %swap3A_43 = vector.shape_cast %broadcast_in_dim3A_0 : vector<16xf32> to vector<1x16xf32>
      tpu.vector_store %arg9[%swap3A_39, %swap3A_40], %swap3A_43 {strides = array<i32>} : memref<125x128xf32, #tpu.memory_space<vmem>>, vector<1x16xf32>,
      %swap3A_44 = arith.index_cast %add3A_24 : i32 to index
      %swap3A_45 = arith.constant 64 : index
      %swap3A_46 = tpu.vector_load %arg9[%swap3A_44, %swap3A_45] {strides = array<i32>} : memref<125x128xf32, #tpu.memory_space<vmem>>, vector<1x16xf32>,
      %swap3A_47 = vector.shape_cast %swap3A_46 : vector<1x16xf32> to vector<16xf32>
      %swap3A_48 = vector.shape_cast %broadcast_in_dim3A_0 : vector<16xf32> to vector<1x16xf32>
      tpu.vector_store %arg9[%swap3A_44, %swap3A_45], %swap3A_48 {strides = array<i32>} : memref<125x128xf32, #tpu.memory_space<vmem>>, vector<1x16xf32>,
      %swap3A_49 = arith.index_cast %add3A_24 : i32 to index
      %swap3A_50 = arith.constant 80 : index
      %swap3A_51 = tpu.vector_load %arg9[%swap3A_49, %swap3A_50] {strides = array<i32>} : memref<125x128xf32, #tpu.memory_space<vmem>>, vector<1x16xf32>,
      %swap3A_52 = vector.shape_cast %swap3A_51 : vector<1x16xf32> to vector<16xf32>
      %swap3A_53 = vector.shape_cast %broadcast_in_dim3A_0 : vector<16xf32> to vector<1x16xf32>
      tpu.vector_store %arg9[%swap3A_49, %swap3A_50], %swap3A_53 {strides = array<i32>} : memref<125x128xf32, #tpu.memory_space<vmem>>, vector<1x16xf32>,
      %swap3A_54 = arith.index_cast %add3A_24 : i32 to index
      %swap3A_55 = arith.constant 96 : index
      %swap3A_56 = tpu.vector_load %arg9[%swap3A_54, %swap3A_55] {strides = array<i32>} : memref<125x128xf32, #tpu.memory_space<vmem>>, vector<1x16xf32>,
      %swap3A_57 = vector.shape_cast %swap3A_56 : vector<1x16xf32> to vector<16xf32>
      %swap3A_58 = vector.shape_cast %broadcast_in_dim3A_0 : vector<16xf32> to vector<1x16xf32>
      tpu.vector_store %arg9[%swap3A_54, %swap3A_55], %swap3A_58 {strides = array<i32>} : memref<125x128xf32, #tpu.memory_space<vmem>>, vector<1x16xf32>,
      %swap3A_59 = arith.index_cast %add3A_24 : i32 to index
      %swap3A_60 = arith.constant 112 : index
      %swap3A_61 = tpu.vector_load %arg9[%swap3A_59, %swap3A_60] {strides = array<i32>} : memref<125x128xf32, #tpu.memory_space<vmem>>, vector<1x16xf32>,
      %swap3A_62 = vector.shape_cast %swap3A_61 : vector<1x16xf32> to vector<16xf32>
      %swap3A_63 = vector.shape_cast %broadcast_in_dim3A_0 : vector<16xf32> to vector<1x16xf32>
      tpu.vector_store %arg9[%swap3A_59, %swap3A_60], %swap3A_63 {strides = array<i32>} : memref<125x128xf32, #tpu.memory_space<vmem>>, vector<1x16xf32>,
    }
    %scan3A_4 = arith.constant 125 : i32
    %scan3A_5 = arith.constant 0 : i32
    %scan3A_6 = arith.constant 5 : i32
    %scan3A_7 = arith.addi %scan3A_5, %scan3A_6 : i32
    %scan3A_8 = arith.constant 1 : i32
    scf.for %scan3A_22 = %scan3A_5 to %scan3A_7 step %scan3A_8  : i32 {
      %mul3A = arith.constant 1 : i32
      %mul3A_23 = arith.muli %scan3A_22, %mul3A : i32
      %add3A = arith.constant 0 : i32
      %add3A_24 = arith.addi %add3A, %mul3A_23 : i32
      %mul3A_25 = arith.constant 625 : i32
      %mul3A_26 = arith.muli %arg1, %mul3A_25 : i32
      %mul3A_27 = arith.constant 125 : i32
      %mul3A_28 = arith.muli %add3A_24, %mul3A_27 : i32
      %add3A_29 = arith.addi %mul3A_26, %mul3A_28 : i32
      "tpu.region"() ({
        %run_scoped3A = tpu.sem_alloc : memref<!tpu.dma_semaphore, #tpu.memory_space<semaphore_mem>>
        %dma_start3A = arith.constant 0 : i32
        %dma_start3A_30 = tpu.memref_slice %arg6[%add3A_29, %dma_start3A] : memref<10000x128xf32, #tpu.memory_space<vmem_shared>> -> memref<125x128xf32, #tpu.memory_space<vmem_shared>>
        %dma_start3A_31 = arith.constant 0 : i32
        %dma_start3A_32 = tpu.memref_slice %arg6[%add3A_29, %dma_start3A_31] : memref<10000x128xf32, #tpu.memory_space<vmem_shared>> -> memref<125x128xf32, #tpu.memory_space<vmem_shared>>
        tpu.enqueue_dma source(%arg9 : memref<125x128xf32, #tpu.memory_space<vmem>>) target(%dma_start3A_32 : memref<125x128xf32, #tpu.memory_space<vmem_shared>>) target_semaphore(%run_scoped3A : memref<!tpu.dma_semaphore, #tpu.memory_space<semaphore_mem>>)
        %dma_wait3A = arith.constant 0 : i32
        %dma_wait3A_33 = tpu.memref_slice %arg6[%add3A_29, %dma_wait3A] : memref<10000x128xf32, #tpu.memory_space<vmem_shared>> -> memref<125x128xf32, #tpu.memory_space<vmem_shared>>
        %dma_wait3A_34 = arith.constant 0 : i32
        %dma_wait3A_35 = tpu.memref_slice %arg6[%add3A_29, %dma_wait3A_34] : memref<10000x128xf32, #tpu.memory_space<vmem_shared>> -> memref<125x128xf32, #tpu.memory_space<vmem_shared>>
        tpu.wait_dma2 semaphore(%run_scoped3A : memref<!tpu.dma_semaphore, #tpu.memory_space<semaphore_mem>>) src(%arg9 : memref<125x128xf32, #tpu.memory_space<vmem>>) dst(%dma_wait3A_35 : memref<125x128xf32, #tpu.memory_space<vmem_shared>>)
        tpu.yield
      }) : () -> ()
    }
    %scan3A_9 = arith.constant 5 : i32
    %barrier3A = arith.constant 0 : index
    tpu.barrier barrier_id(%barrier3A)
    %scan3A_10 = arith.constant 0 : i32
    %scan3A_11 = arith.constant 2 : i32
    %scan3A_12 = arith.addi %scan3A_10, %scan3A_11 : i32
    %scan3A_13 = arith.constant 1 : i32
    scf.for %scan3A_22 = %scan3A_10 to %scan3A_12 step %scan3A_13  : i32 {
      %mul3A = arith.constant 1 : i32
      %mul3A_23 = arith.muli %scan3A_22, %mul3A : i32
      %add3A = arith.constant 0 : i32
      %add3A_24 = arith.addi %add3A, %mul3A_23 : i32
      %mul3A_25 = arith.constant 1280 : i32
      %mul3A_26 = arith.muli %arg0, %mul3A_25 : i32
      %mul3A_27 = arith.constant 80 : i32
      %mul3A_28 = arith.muli %arg1, %mul3A_27 : i32
      %add3A_29 = arith.addi %mul3A_26, %mul3A_28 : i32
      %mul3A_30 = arith.constant 40 : i32
      %mul3A_31 = arith.muli %add3A_24, %mul3A_30 : i32
      %add3A_32 = arith.addi %add3A_29, %mul3A_31 : i32
      "tpu.region"() ({
        %run_scoped3A_65 = tpu.sem_alloc : memref<!tpu.dma_semaphore, #tpu.memory_space<semaphore_mem>>
        %dma_start3A_66 = arith.constant 0 : i32
        %dma_start3A_67 = tpu.memref_slice %arg3[%add3A_32, %dma_start3A_66] : memref<2560x125xi32, #tpu.memory_space<hbm>> -> memref<40x125xi32, #tpu.memory_space<hbm>>
        %dma_start3A_68 = arith.constant 0 : i32
        %dma_start3A_69 = tpu.memref_slice %arg3[%add3A_32, %dma_start3A_68] : memref<2560x125xi32, #tpu.memory_space<hbm>> -> memref<40x125xi32, #tpu.memory_space<hbm>>
        tpu.enqueue_dma source(%dma_start3A_69 : memref<40x125xi32, #tpu.memory_space<hbm>>) target(%arg7 : memref<40x125xi32, #tpu.memory_space<vmem>>) target_semaphore(%run_scoped3A_65 : memref<!tpu.dma_semaphore, #tpu.memory_space<semaphore_mem>>)
        %dma_wait3A_70 = arith.constant 0 : i32
        %dma_wait3A_71 = tpu.memref_slice %arg3[%add3A_32, %dma_wait3A_70] : memref<2560x125xi32, #tpu.memory_space<hbm>> -> memref<40x125xi32, #tpu.memory_space<hbm>>
        %dma_wait3A_72 = arith.constant 0 : i32
        %dma_wait3A_73 = tpu.memref_slice %arg3[%add3A_32, %dma_wait3A_72] : memref<2560x125xi32, #tpu.memory_space<hbm>> -> memref<40x125xi32, #tpu.memory_space<hbm>>
        tpu.wait_dma2 semaphore(%run_scoped3A_65 : memref<!tpu.dma_semaphore, #tpu.memory_space<semaphore_mem>>) src(%dma_wait3A_73 : memref<40x125xi32, #tpu.memory_space<hbm>>) dst(%arg7 : memref<40x125xi32, #tpu.memory_space<vmem>>)
        tpu.yield
      }) : () -> ()
      "tpu.region"() ({
        %run_scoped3A_65 = tpu.sem_alloc : memref<!tpu.dma_semaphore, #tpu.memory_space<semaphore_mem>>
        %dma_start3A_66 = arith.constant 0 : i32
        %dma_start3A_67 = tpu.memref_slice %arg4[%add3A_32, %dma_start3A_66] : memref<2560x125xi32, #tpu.memory_space<hbm>> -> memref<40x125xi32, #tpu.memory_space<hbm>>
        %dma_start3A_68 = arith.constant 0 : i32
        %dma_start3A_69 = tpu.memref_slice %arg4[%add3A_32, %dma_start3A_68] : memref<2560x125xi32, #tpu.memory_space<hbm>> -> memref<40x125xi32, #tpu.memory_space<hbm>>
        tpu.enqueue_dma source(%dma_start3A_69 : memref<40x125xi32, #tpu.memory_space<hbm>>) target(%arg8 : memref<40x125xi32, #tpu.memory_space<vmem>>) target_semaphore(%run_scoped3A_65 : memref<!tpu.dma_semaphore, #tpu.memory_space<semaphore_mem>>)
        %dma_wait3A_70 = arith.constant 0 : i32
        %dma_wait3A_71 = tpu.memref_slice %arg4[%add3A_32, %dma_wait3A_70] : memref<2560x125xi32, #tpu.memory_space<hbm>> -> memref<40x125xi32, #tpu.memory_space<hbm>>
        %dma_wait3A_72 = arith.constant 0 : i32
        %dma_wait3A_73 = tpu.memref_slice %arg4[%add3A_32, %dma_wait3A_72] : memref<2560x125xi32, #tpu.memory_space<hbm>> -> memref<40x125xi32, #tpu.memory_space<hbm>>
        tpu.wait_dma2 semaphore(%run_scoped3A_65 : memref<!tpu.dma_semaphore, #tpu.memory_space<semaphore_mem>>) src(%dma_wait3A_73 : memref<40x125xi32, #tpu.memory_space<hbm>>) dst(%arg8 : memref<40x125xi32, #tpu.memory_space<vmem>>)
        tpu.yield
      }) : () -> ()
      %dma_start3A = arith.constant 0 : i32
      %dma_start3A_33 = arith.constant 0 : i32
      %dma_start3A_34 = tpu.memref_slice %arg7[%dma_start3A, %dma_start3A_33] : memref<40x125xi32, #tpu.memory_space<vmem>> -> memref<1x125xi32, #tpu.memory_space<vmem>>
      %dma_start3A_35 = tpu.memref_squeeze %dma_start3A_34 : memref<1x125xi32, #tpu.memory_space<vmem>> -> memref<125xi32, #tpu.memory_space<vmem>>
      %dma_start3A_36 = arith.constant 0 : i32
      %dma_start3A_37 = arith.constant 0 : i32
      %dma_start3A_38 = tpu.memref_slice %arg2[%dma_start3A_36, %dma_start3A_37] : memref<10000x128xf32, #tpu.memory_space<hbm>> -> memref<10000x128xf32, #tpu.memory_space<hbm>>
      tpu.enqueue_indirect_dma source(%dma_start3A_38 : memref<10000x128xf32, #tpu.memory_space<hbm>>) target(%arg9 : memref<125x128xf32, #tpu.memory_space<vmem>>) offsets(%dma_start3A_35 : memref<125xi32, #tpu.memory_space<vmem>>) semaphore(%arg11 : memref<!tpu.dma_semaphore, #tpu.memory_space<semaphore_mem>>)
      %dma_start3A_39 = arith.constant 1 : i32
      %dma_start3A_40 = arith.constant 0 : i32
      %dma_start3A_41 = tpu.memref_slice %arg7[%dma_start3A_39, %dma_start3A_40] : memref<40x125xi32, #tpu.memory_space<vmem>> -> memref<1x125xi32, #tpu.memory_space<vmem>>
      %dma_start3A_42 = tpu.memref_squeeze %dma_start3A_41 : memref<1x125xi32, #tpu.memory_space<vmem>> -> memref<125xi32, #tpu.memory_space<vmem>>
      %dma_start3A_43 = arith.constant 0 : i32
      %dma_start3A_44 = arith.constant 0 : i32
      %dma_start3A_45 = tpu.memref_slice %arg2[%dma_start3A_43, %dma_start3A_44] : memref<10000x128xf32, #tpu.memory_space<hbm>> -> memref<10000x128xf32, #tpu.memory_space<hbm>>
      tpu.enqueue_indirect_dma source(%dma_start3A_45 : memref<10000x128xf32, #tpu.memory_space<hbm>>) target(%arg10 : memref<125x128xf32, #tpu.memory_space<vmem>>) offsets(%dma_start3A_42 : memref<125xi32, #tpu.memory_space<vmem>>) semaphore(%arg12 : memref<!tpu.dma_semaphore, #tpu.memory_space<semaphore_mem>>)
      %scan3A_46 = arith.constant 0 : i32
      %scan3A_47 = arith.constant 19 : i32
      %scan3A_48 = arith.addi %scan3A_46, %scan3A_47 : i32
      %scan3A_49 = arith.constant 1 : i32
      scf.for %scan3A_65 = %scan3A_46 to %scan3A_48 step %scan3A_49  : i32 {
        %mul3A_66 = arith.constant 1 : i32
        %mul3A_67 = arith.muli %scan3A_65, %mul3A_66 : i32
        %add3A_68 = arith.constant 0 : i32
        %add3A_69 = arith.addi %add3A_68, %mul3A_67 : i32
        %mul3A_70 = arith.constant 2 : i32
        %mul3A_71 = arith.muli %mul3A_70, %add3A_69 : i32
        %dma_wait3A_72 = arith.constant 0 : i32
        %dma_wait3A_73 = tpu.memref_slice %arg7[%mul3A_71, %dma_wait3A_72] : memref<40x125xi32, #tpu.memory_space<vmem>> -> memref<1x125xi32, #tpu.memory_space<vmem>>
        %dma_wait3A_74 = tpu.memref_squeeze %dma_wait3A_73 : memref<1x125xi32, #tpu.memory_space<vmem>> -> memref<125xi32, #tpu.memory_space<vmem>>
        %dma_wait3A_75 = arith.constant 0 : i32
        %dma_wait3A_76 = arith.constant 0 : i32
        %dma_wait3A_77 = tpu.memref_slice %arg2[%dma_wait3A_75, %dma_wait3A_76] : memref<10000x128xf32, #tpu.memory_space<hbm>> -> memref<10000x128xf32, #tpu.memory_space<hbm>>
        tpu.wait_indirect_dma semaphore(%arg11 : memref<!tpu.dma_semaphore, #tpu.memory_space<semaphore_mem>>) src(%dma_wait3A_77 : memref<10000x128xf32, #tpu.memory_space<hbm>>) dst(%arg9 : memref<125x128xf32, #tpu.memory_space<vmem>>)
        "tpu.region"() ({
          %run_scoped3A_104 = tpu.sem_alloc : memref<!tpu.dma_semaphore, #tpu.memory_space<semaphore_mem>>
          %dma_start3A_105 = arith.constant 0 : i32
          %dma_start3A_106 = tpu.memref_slice %arg8[%mul3A_71, %dma_start3A_105] : memref<40x125xi32, #tpu.memory_space<vmem>> -> memref<1x125xi32, #tpu.memory_space<vmem>>
          %dma_start3A_107 = tpu.memref_squeeze %dma_start3A_106 : memref<1x125xi32, #tpu.memory_space<vmem>> -> memref<125xi32, #tpu.memory_space<vmem>>
          %dma_start3A_108 = arith.constant 0 : i32
          %dma_start3A_109 = arith.constant 0 : i32
          %dma_start3A_110 = tpu.memref_slice %arg6[%dma_start3A_108, %dma_start3A_109] : memref<10000x128xf32, #tpu.memory_space<vmem_shared>> -> memref<10000x128xf32, #tpu.memory_space<vmem_shared>>
          tpu.enqueue_indirect_dma source(%arg9 : memref<125x128xf32, #tpu.memory_space<vmem>>) target(%dma_start3A_110 : memref<10000x128xf32, #tpu.memory_space<vmem_shared>>) offsets(%dma_start3A_107 : memref<125xi32, #tpu.memory_space<vmem>>) semaphore(%run_scoped3A_104 : memref<!tpu.dma_semaphore, #tpu.memory_space<semaphore_mem>>) {add = true}
          %dma_wait3A_111 = arith.constant 0 : i32
          %dma_wait3A_112 = tpu.memref_slice %arg8[%mul3A_71, %dma_wait3A_111] : memref<40x125xi32, #tpu.memory_space<vmem>> -> memref<1x125xi32, #tpu.memory_space<vmem>>
          %dma_wait3A_113 = tpu.memref_squeeze %dma_wait3A_112 : memref<1x125xi32, #tpu.memory_space<vmem>> -> memref<125xi32, #tpu.memory_space<vmem>>
          %dma_wait3A_114 = arith.constant 0 : i32
          %dma_wait3A_115 = arith.constant 0 : i32
          %dma_wait3A_116 = tpu.memref_slice %arg6[%dma_wait3A_114, %dma_wait3A_115] : memref<10000x128xf32, #tpu.memory_space<vmem_shared>> -> memref<10000x128xf32, #tpu.memory_space<vmem_shared>>
          tpu.wait_indirect_dma semaphore(%run_scoped3A_104 : memref<!tpu.dma_semaphore, #tpu.memory_space<semaphore_mem>>) src(%arg9 : memref<125x128xf32, #tpu.memory_space<vmem>>) dst(%dma_wait3A_116 : memref<10000x128xf32, #tpu.memory_space<vmem_shared>>)
          tpu.yield
        }) : () -> ()
        %add3A_78 = arith.constant 2 : i32
        %add3A_79 = arith.addi %mul3A_71, %add3A_78 : i32
        %dma_start3A_80 = arith.constant 0 : i32
        %dma_start3A_81 = tpu.memref_slice %arg7[%add3A_79, %dma_start3A_80] : memref<40x125xi32, #tpu.memory_space<vmem>> -> memref<1x125xi32, #tpu.memory_space<vmem>>
        %dma_start3A_82 = tpu.memref_squeeze %dma_start3A_81 : memref<1x125xi32, #tpu.memory_space<vmem>> -> memref<125xi32, #tpu.memory_space<vmem>>
        %dma_start3A_83 = arith.constant 0 : i32
        %dma_start3A_84 = arith.constant 0 : i32
        %dma_start3A_85 = tpu.memref_slice %arg2[%dma_start3A_83, %dma_start3A_84] : memref<10000x128xf32, #tpu.memory_space<hbm>> -> memref<10000x128xf32, #tpu.memory_space<hbm>>
        tpu.enqueue_indirect_dma source(%dma_start3A_85 : memref<10000x128xf32, #tpu.memory_space<hbm>>) target(%arg9 : memref<125x128xf32, #tpu.memory_space<vmem>>) offsets(%dma_start3A_82 : memref<125xi32, #tpu.memory_space<vmem>>) semaphore(%arg11 : memref<!tpu.dma_semaphore, #tpu.memory_space<semaphore_mem>>)
        %add3A_86 = arith.constant 1 : i32
        %add3A_87 = arith.addi %mul3A_71, %add3A_86 : i32
        %dma_wait3A_88 = arith.constant 0 : i32
        %dma_wait3A_89 = tpu.memref_slice %arg7[%add3A_87, %dma_wait3A_88] : memref<40x125xi32, #tpu.memory_space<vmem>> -> memref<1x125xi32, #tpu.memory_space<vmem>>
        %dma_wait3A_90 = tpu.memref_squeeze %dma_wait3A_89 : memref<1x125xi32, #tpu.memory_space<vmem>> -> memref<125xi32, #tpu.memory_space<vmem>>
        %dma_wait3A_91 = arith.constant 0 : i32
        %dma_wait3A_92 = arith.constant 0 : i32
        %dma_wait3A_93 = tpu.memref_slice %arg2[%dma_wait3A_91, %dma_wait3A_92] : memref<10000x128xf32, #tpu.memory_space<hbm>> -> memref<10000x128xf32, #tpu.memory_space<hbm>>
        tpu.wait_indirect_dma semaphore(%arg12 : memref<!tpu.dma_semaphore, #tpu.memory_space<semaphore_mem>>) src(%dma_wait3A_93 : memref<10000x128xf32, #tpu.memory_space<hbm>>) dst(%arg10 : memref<125x128xf32, #tpu.memory_space<vmem>>)
        %add3A_94 = arith.constant 1 : i32
        %add3A_95 = arith.addi %mul3A_71, %add3A_94 : i32
        "tpu.region"() ({
          %run_scoped3A_104 = tpu.sem_alloc : memref<!tpu.dma_semaphore, #tpu.memory_space<semaphore_mem>>
          %dma_start3A_105 = arith.constant 0 : i32
          %dma_start3A_106 = tpu.memref_slice %arg8[%add3A_95, %dma_start3A_105] : memref<40x125xi32, #tpu.memory_space<vmem>> -> memref<1x125xi32, #tpu.memory_space<vmem>>
          %dma_start3A_107 = tpu.memref_squeeze %dma_start3A_106 : memref<1x125xi32, #tpu.memory_space<vmem>> -> memref<125xi32, #tpu.memory_space<vmem>>
          %dma_start3A_108 = arith.constant 0 : i32
          %dma_start3A_109 = arith.constant 0 : i32
          %dma_start3A_110 = tpu.memref_slice %arg6[%dma_start3A_108, %dma_start3A_109] : memref<10000x128xf32, #tpu.memory_space<vmem_shared>> -> memref<10000x128xf32, #tpu.memory_space<vmem_shared>>
          tpu.enqueue_indirect_dma source(%arg10 : memref<125x128xf32, #tpu.memory_space<vmem>>) target(%dma_start3A_110 : memref<10000x128xf32, #tpu.memory_space<vmem_shared>>) offsets(%dma_start3A_107 : memref<125xi32, #tpu.memory_space<vmem>>) semaphore(%run_scoped3A_104 : memref<!tpu.dma_semaphore, #tpu.memory_space<semaphore_mem>>) {add = true}
          %dma_wait3A_111 = arith.constant 0 : i32
          %dma_wait3A_112 = tpu.memref_slice %arg8[%add3A_95, %dma_wait3A_111] : memref<40x125xi32, #tpu.memory_space<vmem>> -> memref<1x125xi32, #tpu.memory_space<vmem>>
          %dma_wait3A_113 = tpu.memref_squeeze %dma_wait3A_112 : memref<1x125xi32, #tpu.memory_space<vmem>> -> memref<125xi32, #tpu.memory_space<vmem>>
          %dma_wait3A_114 = arith.constant 0 : i32
          %dma_wait3A_115 = arith.constant 0 : i32
          %dma_wait3A_116 = tpu.memref_slice %arg6[%dma_wait3A_114, %dma_wait3A_115] : memref<10000x128xf32, #tpu.memory_space<vmem_shared>> -> memref<10000x128xf32, #tpu.memory_space<vmem_shared>>
          tpu.wait_indirect_dma semaphore(%run_scoped3A_104 : memref<!tpu.dma_semaphore, #tpu.memory_space<semaphore_mem>>) src(%arg10 : memref<125x128xf32, #tpu.memory_space<vmem>>) dst(%dma_wait3A_116 : memref<10000x128xf32, #tpu.memory_space<vmem_shared>>)
          tpu.yield
        }) : () -> ()
        %add3A_96 = arith.constant 3 : i32
        %add3A_97 = arith.addi %mul3A_71, %add3A_96 : i32
        %dma_start3A_98 = arith.constant 0 : i32
        %dma_start3A_99 = tpu.memref_slice %arg7[%add3A_97, %dma_start3A_98] : memref<40x125xi32, #tpu.memory_space<vmem>> -> memref<1x125xi32, #tpu.memory_space<vmem>>
        %dma_start3A_100 = tpu.memref_squeeze %dma_start3A_99 : memref<1x125xi32, #tpu.memory_space<vmem>> -> memref<125xi32, #tpu.memory_space<vmem>>
        %dma_start3A_101 = arith.constant 0 : i32
        %dma_start3A_102 = arith.constant 0 : i32
        %dma_start3A_103 = tpu.memref_slice %arg2[%dma_start3A_101, %dma_start3A_102] : memref<10000x128xf32, #tpu.memory_space<hbm>> -> memref<10000x128xf32, #tpu.memory_space<hbm>>
        tpu.enqueue_indirect_dma source(%dma_start3A_103 : memref<10000x128xf32, #tpu.memory_space<hbm>>) target(%arg10 : memref<125x128xf32, #tpu.memory_space<vmem>>) offsets(%dma_start3A_100 : memref<125xi32, #tpu.memory_space<vmem>>) semaphore(%arg12 : memref<!tpu.dma_semaphore, #tpu.memory_space<semaphore_mem>>)
      }
      %scan3A_50 = arith.constant 19 : i32
      %dma_wait3A = arith.constant 38 : i32
      %dma_wait3A_51 = arith.constant 0 : i32
      %dma_wait3A_52 = tpu.memref_slice %arg7[%dma_wait3A, %dma_wait3A_51] : memref<40x125xi32, #tpu.memory_space<vmem>> -> memref<1x125xi32, #tpu.memory_space<vmem>>
      %dma_wait3A_53 = tpu.memref_squeeze %dma_wait3A_52 : memref<1x125xi32, #tpu.memory_space<vmem>> -> memref<125xi32, #tpu.memory_space<vmem>>
      %dma_wait3A_54 = arith.constant 0 : i32
      %dma_wait3A_55 = arith.constant 0 : i32
      %dma_wait3A_56 = tpu.memref_slice %arg2[%dma_wait3A_54, %dma_wait3A_55] : memref<10000x128xf32, #tpu.memory_space<hbm>> -> memref<10000x128xf32, #tpu.memory_space<hbm>>
      tpu.wait_indirect_dma semaphore(%arg11 : memref<!tpu.dma_semaphore, #tpu.memory_space<semaphore_mem>>) src(%dma_wait3A_56 : memref<10000x128xf32, #tpu.memory_space<hbm>>) dst(%arg9 : memref<125x128xf32, #tpu.memory_space<vmem>>)
      %run_scoped3A = arith.constant 38 : i32
      "tpu.region"() ({
        %run_scoped3A_65 = tpu.sem_alloc : memref<!tpu.dma_semaphore, #tpu.memory_space<semaphore_mem>>
        %dma_start3A_66 = arith.constant 0 : i32
        %dma_start3A_67 = tpu.memref_slice %arg8[%run_scoped3A, %dma_start3A_66] : memref<40x125xi32, #tpu.memory_space<vmem>> -> memref<1x125xi32, #tpu.memory_space<vmem>>
        %dma_start3A_68 = tpu.memref_squeeze %dma_start3A_67 : memref<1x125xi32, #tpu.memory_space<vmem>> -> memref<125xi32, #tpu.memory_space<vmem>>
        %dma_start3A_69 = arith.constant 0 : i32
        %dma_start3A_70 = arith.constant 0 : i32
        %dma_start3A_71 = tpu.memref_slice %arg6[%dma_start3A_69, %dma_start3A_70] : memref<10000x128xf32, #tpu.memory_space<vmem_shared>> -> memref<10000x128xf32, #tpu.memory_space<vmem_shared>>
        tpu.enqueue_indirect_dma source(%arg9 : memref<125x128xf32, #tpu.memory_space<vmem>>) target(%dma_start3A_71 : memref<10000x128xf32, #tpu.memory_space<vmem_shared>>) offsets(%dma_start3A_68 : memref<125xi32, #tpu.memory_space<vmem>>) semaphore(%run_scoped3A_65 : memref<!tpu.dma_semaphore, #tpu.memory_space<semaphore_mem>>) {add = true}
        %dma_wait3A_72 = arith.constant 0 : i32
        %dma_wait3A_73 = tpu.memref_slice %arg8[%run_scoped3A, %dma_wait3A_72] : memref<40x125xi32, #tpu.memory_space<vmem>> -> memref<1x125xi32, #tpu.memory_space<vmem>>
        %dma_wait3A_74 = tpu.memref_squeeze %dma_wait3A_73 : memref<1x125xi32, #tpu.memory_space<vmem>> -> memref<125xi32, #tpu.memory_space<vmem>>
        %dma_wait3A_75 = arith.constant 0 : i32
        %dma_wait3A_76 = arith.constant 0 : i32
        %dma_wait3A_77 = tpu.memref_slice %arg6[%dma_wait3A_75, %dma_wait3A_76] : memref<10000x128xf32, #tpu.memory_space<vmem_shared>> -> memref<10000x128xf32, #tpu.memory_space<vmem_shared>>
        tpu.wait_indirect_dma semaphore(%run_scoped3A_65 : memref<!tpu.dma_semaphore, #tpu.memory_space<semaphore_mem>>) src(%arg9 : memref<125x128xf32, #tpu.memory_space<vmem>>) dst(%dma_wait3A_77 : memref<10000x128xf32, #tpu.memory_space<vmem_shared>>)
        tpu.yield
      }) : () -> ()
      %dma_wait3A_57 = arith.constant 39 : i32
      %dma_wait3A_58 = arith.constant 0 : i32
      %dma_wait3A_59 = tpu.memref_slice %arg7[%dma_wait3A_57, %dma_wait3A_58] : memref<40x125xi32, #tpu.memory_space<vmem>> -> memref<1x125xi32, #tpu.memory_space<vmem>>
      %dma_wait3A_60 = tpu.memref_squeeze %dma_wait3A_59 : memref<1x125xi32, #tpu.memory_space<vmem>> -> memref<125xi32, #tpu.memory_space<vmem>>
      %dma_wait3A_61 = arith.constant 0 : i32
      %dma_wait3A_62 = arith.constant 0 : i32
      %dma_wait3A_63 = tpu.memref_slice %arg2[%dma_wait3A_61, %dma_wait3A_62] : memref<10000x128xf32, #tpu.memory_space<hbm>> -> memref<10000x128xf32, #tpu.memory_space<hbm>>
      tpu.wait_indirect_dma semaphore(%arg12 : memref<!tpu.dma_semaphore, #tpu.memory_space<semaphore_mem>>) src(%dma_wait3A_63 : memref<10000x128xf32, #tpu.memory_space<hbm>>) dst(%arg10 : memref<125x128xf32, #tpu.memory_space<vmem>>)
      %run_scoped3A_64 = arith.constant 39 : i32
      "tpu.region"() ({
        %run_scoped3A_65 = tpu.sem_alloc : memref<!tpu.dma_semaphore, #tpu.memory_space<semaphore_mem>>
        %dma_start3A_66 = arith.constant 0 : i32
        %dma_start3A_67 = tpu.memref_slice %arg8[%run_scoped3A_64, %dma_start3A_66] : memref<40x125xi32, #tpu.memory_space<vmem>> -> memref<1x125xi32, #tpu.memory_space<vmem>>
        %dma_start3A_68 = tpu.memref_squeeze %dma_start3A_67 : memref<1x125xi32, #tpu.memory_space<vmem>> -> memref<125xi32, #tpu.memory_space<vmem>>
        %dma_start3A_69 = arith.constant 0 : i32
        %dma_start3A_70 = arith.constant 0 : i32
        %dma_start3A_71 = tpu.memref_slice %arg6[%dma_start3A_69, %dma_start3A_70] : memref<10000x128xf32, #tpu.memory_space<vmem_shared>> -> memref<10000x128xf32, #tpu.memory_space<vmem_shared>>
        tpu.enqueue_indirect_dma source(%arg10 : memref<125x128xf32, #tpu.memory_space<vmem>>) target(%dma_start3A_71 : memref<10000x128xf32, #tpu.memory_space<vmem_shared>>) offsets(%dma_start3A_68 : memref<125xi32, #tpu.memory_space<vmem>>) semaphore(%run_scoped3A_65 : memref<!tpu.dma_semaphore, #tpu.memory_space<semaphore_mem>>) {add = true}
        %dma_wait3A_72 = arith.constant 0 : i32
        %dma_wait3A_73 = tpu.memref_slice %arg8[%run_scoped3A_64, %dma_wait3A_72] : memref<40x125xi32, #tpu.memory_space<vmem>> -> memref<1x125xi32, #tpu.memory_space<vmem>>
        %dma_wait3A_74 = tpu.memref_squeeze %dma_wait3A_73 : memref<1x125xi32, #tpu.memory_space<vmem>> -> memref<125xi32, #tpu.memory_space<vmem>>
        %dma_wait3A_75 = arith.constant 0 : i32
        %dma_wait3A_76 = arith.constant 0 : i32
        %dma_wait3A_77 = tpu.memref_slice %arg6[%dma_wait3A_75, %dma_wait3A_76] : memref<10000x128xf32, #tpu.memory_space<vmem_shared>> -> memref<10000x128xf32, #tpu.memory_space<vmem_shared>>
        tpu.wait_indirect_dma semaphore(%run_scoped3A_65 : memref<!tpu.dma_semaphore, #tpu.memory_space<semaphore_mem>>) src(%arg10 : memref<125x128xf32, #tpu.memory_space<vmem>>) dst(%dma_wait3A_77 : memref<10000x128xf32, #tpu.memory_space<vmem_shared>>)
        tpu.yield
      }) : () -> ()
    }
    %scan3A_14 = arith.constant 2 : i32
    %barrier3A_15 = arith.constant 0 : index
    tpu.barrier barrier_id(%barrier3A_15)
    %lt3A = arith.constant 15 : i32
    %lt3A_16 = arith.cmpi slt, %arg1, %lt3A : i32
    %convert_element_type3A = arith.extui %lt3A_16 : i1 to i32
    %cond3A = arith.constant 0 : i32
    %cond3A_17 = arith.cmpi ne, %convert_element_type3A, %cond3A : i32
    scf.if %cond3A_17 {
      %mul3A = arith.constant 624 : i32
      %mul3A_22 = arith.muli %arg1, %mul3A : i32
      %mul3A_23 = arith.constant 624 : i32
      %mul3A_24 = arith.muli %arg1, %mul3A_23 : i32
      "tpu.region"() ({
        %run_scoped3A = tpu.sem_alloc : memref<!tpu.dma_semaphore, #tpu.memory_space<semaphore_mem>>
        %dma_start3A = arith.constant 0 : i32
        %dma_start3A_25 = tpu.memref_slice %arg5[%arg0, %mul3A_24, %dma_start3A] : memref<2x10000x128xf32, #tpu.memory_space<hbm>> -> memref<1x624x128xf32, #tpu.memory_space<hbm>>
        %dma_start3A_26 = tpu.memref_squeeze %dma_start3A_25 : memref<1x624x128xf32, #tpu.memory_space<hbm>> -> memref<624x128xf32, #tpu.memory_space<hbm>>
        %dma_start3A_27 = arith.constant 0 : i32
        %dma_start3A_28 = tpu.memref_slice %arg6[%mul3A_22, %dma_start3A_27] : memref<10000x128xf32, #tpu.memory_space<vmem_shared>> -> memref<624x128xf32, #tpu.memory_space<vmem_shared>>
        tpu.enqueue_dma source(%dma_start3A_28 : memref<624x128xf32, #tpu.memory_space<vmem_shared>>) target(%dma_start3A_26 : memref<624x128xf32, #tpu.memory_space<hbm>>) target_semaphore(%run_scoped3A : memref<!tpu.dma_semaphore, #tpu.memory_space<semaphore_mem>>)
        %dma_wait3A = arith.constant 0 : i32
        %dma_wait3A_29 = tpu.memref_slice %arg5[%arg0, %mul3A_24, %dma_wait3A] : memref<2x10000x128xf32, #tpu.memory_space<hbm>> -> memref<1x624x128xf32, #tpu.memory_space<hbm>>
        %dma_wait3A_30 = tpu.memref_squeeze %dma_wait3A_29 : memref<1x624x128xf32, #tpu.memory_space<hbm>> -> memref<624x128xf32, #tpu.memory_space<hbm>>
        %dma_wait3A_31 = arith.constant 0 : i32
        %dma_wait3A_32 = tpu.memref_slice %arg6[%mul3A_22, %dma_wait3A_31] : memref<10000x128xf32, #tpu.memory_space<vmem_shared>> -> memref<624x128xf32, #tpu.memory_space<vmem_shared>>
        tpu.wait_dma2 semaphore(%run_scoped3A : memref<!tpu.dma_semaphore, #tpu.memory_space<semaphore_mem>>) src(%dma_wait3A_32 : memref<624x128xf32, #tpu.memory_space<vmem_shared>>) dst(%dma_wait3A_30 : memref<624x128xf32, #tpu.memory_space<hbm>>)
        tpu.yield
      }) : () -> ()
    } else {
    }
    %eq3A = arith.constant 15 : i32
    %eq3A_18 = arith.cmpi eq, %arg1, %eq3A : i32
    %convert_element_type3A_19 = arith.extui %eq3A_18 : i1 to i32
    %cond3A_20 = arith.constant 0 : i32
    %cond3A_21 = arith.cmpi ne, %convert_element_type3A_19, %cond3A_20 : i32
    scf.if %cond3A_21 {
      "tpu.region"() ({
        %run_scoped3A = tpu.sem_alloc : memref<!tpu.dma_semaphore, #tpu.memory_space<semaphore_mem>>
        %dma_start3A = arith.constant 9360 : i32
        %dma_start3A_22 = arith.constant 0 : i32
        %dma_start3A_23 = tpu.memref_slice %arg5[%arg0, %dma_start3A, %dma_start3A_22] : memref<2x10000x128xf32, #tpu.memory_space<hbm>> -> memref<1x640x128xf32, #tpu.memory_space<hbm>>
        %dma_start3A_24 = tpu.memref_squeeze %dma_start3A_23 : memref<1x640x128xf32, #tpu.memory_space<hbm>> -> memref<640x128xf32, #tpu.memory_space<hbm>>
        %dma_start3A_25 = arith.constant 9360 : i32
        %dma_start3A_26 = arith.constant 0 : i32
        %dma_start3A_27 = tpu.memref_slice %arg6[%dma_start3A_25, %dma_start3A_26] : memref<10000x128xf32, #tpu.memory_space<vmem_shared>> -> memref<640x128xf32, #tpu.memory_space<vmem_shared>>
        tpu.enqueue_dma source(%dma_start3A_27 : memref<640x128xf32, #tpu.memory_space<vmem_shared>>) target(%dma_start3A_24 : memref<640x128xf32, #tpu.memory_space<hbm>>) target_semaphore(%run_scoped3A : memref<!tpu.dma_semaphore, #tpu.memory_space<semaphore_mem>>)
        %dma_wait3A = arith.constant 9360 : i32
        %dma_wait3A_28 = arith.constant 0 : i32
        %dma_wait3A_29 = tpu.memref_slice %arg5[%arg0, %dma_wait3A, %dma_wait3A_28] : memref<2x10000x128xf32, #tpu.memory_space<hbm>> -> memref<1x640x128xf32, #tpu.memory_space<hbm>>
        %dma_wait3A_30 = tpu.memref_squeeze %dma_wait3A_29 : memref<1x640x128xf32, #tpu.memory_space<hbm>> -> memref<640x128xf32, #tpu.memory_space<hbm>>
        %dma_wait3A_31 = arith.constant 9360 : i32
        %dma_wait3A_32 = arith.constant 0 : i32
        %dma_wait3A_33 = tpu.memref_slice %arg6[%dma_wait3A_31, %dma_wait3A_32] : memref<10000x128xf32, #tpu.memory_space<vmem_shared>> -> memref<640x128xf32, #tpu.memory_space<vmem_shared>>
        tpu.wait_dma2 semaphore(%run_scoped3A : memref<!tpu.dma_semaphore, #tpu.memory_space<semaphore_mem>>) src(%dma_wait3A_33 : memref<640x128xf32, #tpu.memory_space<vmem_shared>>) dst(%dma_wait3A_30 : memref<640x128xf32, #tpu.memory_space<hbm>>)
        tpu.yield
      }) : () -> ()
    } else {
    }
    return
  }
}

#map = affine_map<(d0, d1) -> (0, 0)>
#map1 = affine_map<(d0, d1) -> (0, 0, 0)>
module attributes {stable_mosaic.version = 14 : i64} {
  func.func @k(%arg0: i32, %arg1: i32, %arg2: memref<10000x128xf32, #tpu.memory_space<hbm>>, %arg3: memref<2560x125xi32, #tpu.memory_space<hbm>>, %arg4: memref<2560x125xi32, #tpu.memory_space<hbm>>, %arg5: memref<2x10000x128xf32, #tpu.memory_space<hbm>>, %arg6: memref<10000x128xf32, #tpu.memory_space<vmem_shared>>, %arg7: memref<40x125xi32, #tpu.memory_space<vmem>>, %arg8: memref<40x125xi32, #tpu.memory_space<vmem>>, %arg9: memref<125x128xf32, #tpu.memory_space<vmem>>, %arg10: memref<125x128xf32, #tpu.memory_space<vmem>>, %arg11: memref<!tpu.dma_semaphore, #tpu.memory_space<semaphore_mem>>, %arg12: memref<!tpu.dma_semaphore, #tpu.memory_space<semaphore_mem>>) attributes {dimension_semantics = [#tpu.dimension_semantics<core_parallel>, #tpu.dimension_semantics<subcore_parallel>], iteration_bounds = array<i64: 2, 16>, scalar_prefetch = 0 : i64, scratch_operands = 7 : i64, tpu.core_type = #tpu.core_type<sc_vector_subcore>, window_params = [{transform_indices = #map}, {transform_indices = #map}, {transform_indices = #map}, {transform_indices = #map1}]} {
    %broadcast_in_dim3A = arith.constant 0.000000e+00 : f32
    %broadcast_in_dim3A_0 = vector.broadcast %broadcast_in_dim3A : f32 to vector<16xf32>
    %scan3A = arith.constant 0 : i32
    %scan3A_1 = arith.constant 125 : i32
    %scan3A_2 = arith.addi %scan3A, %scan3A_1 : i32
    %scan3A_3 = arith.constant 1 : i32
    scf.for %scan3A_22 = %scan3A to %scan3A_2 step %scan3A_3  : i32 {
      %mul3A = arith.constant 1 : i32
      %mul3A_23 = arith.muli %scan3A_22, %mul3A : i32
      %add3A = arith.constant 0 : i32
      %add3A_24 = arith.addi %add3A, %mul3A_23 : i32
      %swap3A = arith.index_cast %add3A_24 : i32 to index
      %swap3A_25 = arith.constant 0 : index
      %swap3A_26 = tpu.vector_load %arg9[%swap3A, %swap3A_25] {strides = array<i32>} : memref<125x128xf32, #tpu.memory_space<vmem>>, vector<1x16xf32>,
      %swap3A_27 = vector.shape_cast %swap3A_26 : vector<1x16xf32> to vector<16xf32>
      %swap3A_28 = vector.shape_cast %broadcast_in_dim3A_0 : vector<16xf32> to vector<1x16xf32>
      tpu.vector_store %arg9[%swap3A, %swap3A_25], %swap3A_28 {strides = array<i32>} : memref<125x128xf32, #tpu.memory_space<vmem>>, vector<1x16xf32>,
      %swap3A_29 = arith.index_cast %add3A_24 : i32 to index
      %swap3A_30 = arith.constant 16 : index
      %swap3A_31 = tpu.vector_load %arg9[%swap3A_29, %swap3A_30] {strides = array<i32>} : memref<125x128xf32, #tpu.memory_space<vmem>>, vector<1x16xf32>,
      %swap3A_32 = vector.shape_cast %swap3A_31 : vector<1x16xf32> to vector<16xf32>
      %swap3A_33 = vector.shape_cast %broadcast_in_dim3A_0 : vector<16xf32> to vector<1x16xf32>
      tpu.vector_store %arg9[%swap3A_29, %swap3A_30], %swap3A_33 {strides = array<i32>} : memref<125x128xf32, #tpu.memory_space<vmem>>, vector<1x16xf32>,
      %swap3A_34 = arith.index_cast %add3A_24 : i32 to index
      %swap3A_35 = arith.constant 32 : index
      %swap3A_36 = tpu.vector_load %arg9[%swap3A_34, %swap3A_35] {strides = array<i32>} : memref<125x128xf32, #tpu.memory_space<vmem>>, vector<1x16xf32>,
      %swap3A_37 = vector.shape_cast %swap3A_36 : vector<1x16xf32> to vector<16xf32>
      %swap3A_38 = vector.shape_cast %broadcast_in_dim3A_0 : vector<16xf32> to vector<1x16xf32>
      tpu.vector_store %arg9[%swap3A_34, %swap3A_35], %swap3A_38 {strides = array<i32>} : memref<125x128xf32, #tpu.memory_space<vmem>>, vector<1x16xf32>,
      %swap3A_39 = arith.index_cast %add3A_24 : i32 to index
      %swap3A_40 = arith.constant 48 : index
      %swap3A_41 = tpu.vector_load %arg9[%swap3A_39, %swap3A_40] {strides = array<i32>} : memref<125x128xf32, #tpu.memory_space<vmem>>, vector<1x16xf32>,
      %swap3A_42 = vector.shape_cast %swap3A_41 : vector<1x16xf32> to vector<16xf32>
      %swap3A_43 = vector.shape_cast %broadcast_in_dim3A_0 : vector<16xf32> to vector<1x16xf32>
      tpu.vector_store %arg9[%swap3A_39, %swap3A_40], %swap3A_43 {strides = array<i32>} : memref<125x128xf32, #tpu.memory_space<vmem>>, vector<1x16xf32>,
      %swap3A_44 = arith.index_cast %add3A_24 : i32 to index
      %swap3A_45 = arith.constant 64 : index
      %swap3A_46 = tpu.vector_load %arg9[%swap3A_44, %swap3A_45] {strides = array<i32>} : memref<125x128xf32, #tpu.memory_space<vmem>>, vector<1x16xf32>,
      %swap3A_47 = vector.shape_cast %swap3A_46 : vector<1x16xf32> to vector<16xf32>
      %swap3A_48 = vector.shape_cast %broadcast_in_dim3A_0 : vector<16xf32> to vector<1x16xf32>
      tpu.vector_store %arg9[%swap3A_44, %swap3A_45], %swap3A_48 {strides = array<i32>} : memref<125x128xf32, #tpu.memory_space<vmem>>, vector<1x16xf32>,
      %swap3A_49 = arith.index_cast %add3A_24 : i32 to index
      %swap3A_50 = arith.constant 80 : index
      %swap3A_51 = tpu.vector_load %arg9[%swap3A_49, %swap3A_50] {strides = array<i32>} : memref<125x128xf32, #tpu.memory_space<vmem>>, vector<1x16xf32>,
      %swap3A_52 = vector.shape_cast %swap3A_51 : vector<1x16xf32> to vector<16xf32>
      %swap3A_53 = vector.shape_cast %broadcast_in_dim3A_0 : vector<16xf32> to vector<1x16xf32>
      tpu.vector_store %arg9[%swap3A_49, %swap3A_50], %swap3A_53 {strides = array<i32>} : memref<125x128xf32, #tpu.memory_space<vmem>>, vector<1x16xf32>,
      %swap3A_54 = arith.index_cast %add3A_24 : i32 to index
      %swap3A_55 = arith.constant 96 : index
      %swap3A_56 = tpu.vector_load %arg9[%swap3A_54, %swap3A_55] {strides = array<i32>} : memref<125x128xf32, #tpu.memory_space<vmem>>, vector<1x16xf32>,
      %swap3A_57 = vector.shape_cast %swap3A_56 : vector<1x16xf32> to vector<16xf32>
      %swap3A_58 = vector.shape_cast %broadcast_in_dim3A_0 : vector<16xf32> to vector<1x16xf32>
      tpu.vector_store %arg9[%swap3A_54, %swap3A_55], %swap3A_58 {strides = array<i32>} : memref<125x128xf32, #tpu.memory_space<vmem>>, vector<1x16xf32>,
      %swap3A_59 = arith.index_cast %add3A_24 : i32 to index
      %swap3A_60 = arith.constant 112 : index
      %swap3A_61 = tpu.vector_load %arg9[%swap3A_59, %swap3A_60] {strides = array<i32>} : memref<125x128xf32, #tpu.memory_space<vmem>>, vector<1x16xf32>,
      %swap3A_62 = vector.shape_cast %swap3A_61 : vector<1x16xf32> to vector<16xf32>
      %swap3A_63 = vector.shape_cast %broadcast_in_dim3A_0 : vector<16xf32> to vector<1x16xf32>
      tpu.vector_store %arg9[%swap3A_59, %swap3A_60], %swap3A_63 {strides = array<i32>} : memref<125x128xf32, #tpu.memory_space<vmem>>, vector<1x16xf32>,
    }
    %scan3A_4 = arith.constant 125 : i32
    %scan3A_5 = arith.constant 0 : i32
    %scan3A_6 = arith.constant 5 : i32
    %scan3A_7 = arith.addi %scan3A_5, %scan3A_6 : i32
    %scan3A_8 = arith.constant 1 : i32
    scf.for %scan3A_22 = %scan3A_5 to %scan3A_7 step %scan3A_8  : i32 {
      %mul3A = arith.constant 1 : i32
      %mul3A_23 = arith.muli %scan3A_22, %mul3A : i32
      %add3A = arith.constant 0 : i32
      %add3A_24 = arith.addi %add3A, %mul3A_23 : i32
      %mul3A_25 = arith.constant 625 : i32
      %mul3A_26 = arith.muli %arg1, %mul3A_25 : i32
      %mul3A_27 = arith.constant 125 : i32
      %mul3A_28 = arith.muli %add3A_24, %mul3A_27 : i32
      %add3A_29 = arith.addi %mul3A_26, %mul3A_28 : i32
      "tpu.region"() ({
        %run_scoped3A = tpu.sem_alloc : memref<!tpu.dma_semaphore, #tpu.memory_space<semaphore_mem>>
        %dma_start3A = arith.constant 0 : i32
        %dma_start3A_30 = tpu.memref_slice %arg6[%add3A_29, %dma_start3A] : memref<10000x128xf32, #tpu.memory_space<vmem_shared>> -> memref<125x128xf32, #tpu.memory_space<vmem_shared>>
        %dma_start3A_31 = arith.constant 0 : i32
        %dma_start3A_32 = tpu.memref_slice %arg6[%add3A_29, %dma_start3A_31] : memref<10000x128xf32, #tpu.memory_space<vmem_shared>> -> memref<125x128xf32, #tpu.memory_space<vmem_shared>>
        tpu.enqueue_dma source(%arg9 : memref<125x128xf32, #tpu.memory_space<vmem>>) target(%dma_start3A_32 : memref<125x128xf32, #tpu.memory_space<vmem_shared>>) target_semaphore(%run_scoped3A : memref<!tpu.dma_semaphore, #tpu.memory_space<semaphore_mem>>)
        %dma_wait3A = arith.constant 0 : i32
        %dma_wait3A_33 = tpu.memref_slice %arg6[%add3A_29, %dma_wait3A] : memref<10000x128xf32, #tpu.memory_space<vmem_shared>> -> memref<125x128xf32, #tpu.memory_space<vmem_shared>>
        %dma_wait3A_34 = arith.constant 0 : i32
        %dma_wait3A_35 = tpu.memref_slice %arg6[%add3A_29, %dma_wait3A_34] : memref<10000x128xf32, #tpu.memory_space<vmem_shared>> -> memref<125x128xf32, #tpu.memory_space<vmem_shared>>
        tpu.wait_dma2 semaphore(%run_scoped3A : memref<!tpu.dma_semaphore, #tpu.memory_space<semaphore_mem>>) src(%arg9 : memref<125x128xf32, #tpu.memory_space<vmem>>) dst(%dma_wait3A_35 : memref<125x128xf32, #tpu.memory_space<vmem_shared>>)
        tpu.yield
      }) : () -> ()
    }
    %scan3A_9 = arith.constant 5 : i32
    %barrier3A = arith.constant 0 : index
    tpu.barrier barrier_id(%barrier3A)
    %scan3A_10 = arith.constant 0 : i32
    %scan3A_11 = arith.constant 2 : i32
    %scan3A_12 = arith.addi %scan3A_10, %scan3A_11 : i32
    %scan3A_13 = arith.constant 1 : i32
    scf.for %scan3A_22 = %scan3A_10 to %scan3A_12 step %scan3A_13  : i32 {
      %mul3A = arith.constant 1 : i32
      %mul3A_23 = arith.muli %scan3A_22, %mul3A : i32
      %add3A = arith.constant 0 : i32
      %add3A_24 = arith.addi %add3A, %mul3A_23 : i32
      %mul3A_25 = arith.constant 1280 : i32
      %mul3A_26 = arith.muli %arg0, %mul3A_25 : i32
      %mul3A_27 = arith.constant 80 : i32
      %mul3A_28 = arith.muli %arg1, %mul3A_27 : i32
      %add3A_29 = arith.addi %mul3A_26, %mul3A_28 : i32
      %mul3A_30 = arith.constant 40 : i32
      %mul3A_31 = arith.muli %add3A_24, %mul3A_30 : i32
      %add3A_32 = arith.addi %add3A_29, %mul3A_31 : i32
      "tpu.region"() ({
        %run_scoped3A_65 = tpu.sem_alloc : memref<!tpu.dma_semaphore, #tpu.memory_space<semaphore_mem>>
        %dma_start3A_66 = arith.constant 0 : i32
        %dma_start3A_67 = tpu.memref_slice %arg3[%add3A_32, %dma_start3A_66] : memref<2560x125xi32, #tpu.memory_space<hbm>> -> memref<40x125xi32, #tpu.memory_space<hbm>>
        %dma_start3A_68 = arith.constant 0 : i32
        %dma_start3A_69 = tpu.memref_slice %arg3[%add3A_32, %dma_start3A_68] : memref<2560x125xi32, #tpu.memory_space<hbm>> -> memref<40x125xi32, #tpu.memory_space<hbm>>
        tpu.enqueue_dma source(%dma_start3A_69 : memref<40x125xi32, #tpu.memory_space<hbm>>) target(%arg7 : memref<40x125xi32, #tpu.memory_space<vmem>>) target_semaphore(%run_scoped3A_65 : memref<!tpu.dma_semaphore, #tpu.memory_space<semaphore_mem>>)
        %dma_wait3A_70 = arith.constant 0 : i32
        %dma_wait3A_71 = tpu.memref_slice %arg3[%add3A_32, %dma_wait3A_70] : memref<2560x125xi32, #tpu.memory_space<hbm>> -> memref<40x125xi32, #tpu.memory_space<hbm>>
        %dma_wait3A_72 = arith.constant 0 : i32
        %dma_wait3A_73 = tpu.memref_slice %arg3[%add3A_32, %dma_wait3A_72] : memref<2560x125xi32, #tpu.memory_space<hbm>> -> memref<40x125xi32, #tpu.memory_space<hbm>>
        tpu.wait_dma2 semaphore(%run_scoped3A_65 : memref<!tpu.dma_semaphore, #tpu.memory_space<semaphore_mem>>) src(%dma_wait3A_73 : memref<40x125xi32, #tpu.memory_space<hbm>>) dst(%arg7 : memref<40x125xi32, #tpu.memory_space<vmem>>)
        tpu.yield
      }) : () -> ()
      "tpu.region"() ({
        %run_scoped3A_65 = tpu.sem_alloc : memref<!tpu.dma_semaphore, #tpu.memory_space<semaphore_mem>>
        %dma_start3A_66 = arith.constant 0 : i32
        %dma_start3A_67 = tpu.memref_slice %arg4[%add3A_32, %dma_start3A_66] : memref<2560x125xi32, #tpu.memory_space<hbm>> -> memref<40x125xi32, #tpu.memory_space<hbm>>
        %dma_start3A_68 = arith.constant 0 : i32
        %dma_start3A_69 = tpu.memref_slice %arg4[%add3A_32, %dma_start3A_68] : memref<2560x125xi32, #tpu.memory_space<hbm>> -> memref<40x125xi32, #tpu.memory_space<hbm>>
        tpu.enqueue_dma source(%dma_start3A_69 : memref<40x125xi32, #tpu.memory_space<hbm>>) target(%arg8 : memref<40x125xi32, #tpu.memory_space<vmem>>) target_semaphore(%run_scoped3A_65 : memref<!tpu.dma_semaphore, #tpu.memory_space<semaphore_mem>>)
        %dma_wait3A_70 = arith.constant 0 : i32
        %dma_wait3A_71 = tpu.memref_slice %arg4[%add3A_32, %dma_wait3A_70] : memref<2560x125xi32, #tpu.memory_space<hbm>> -> memref<40x125xi32, #tpu.memory_space<hbm>>
        %dma_wait3A_72 = arith.constant 0 : i32
        %dma_wait3A_73 = tpu.memref_slice %arg4[%add3A_32, %dma_wait3A_72] : memref<2560x125xi32, #tpu.memory_space<hbm>> -> memref<40x125xi32, #tpu.memory_space<hbm>>
        tpu.wait_dma2 semaphore(%run_scoped3A_65 : memref<!tpu.dma_semaphore, #tpu.memory_space<semaphore_mem>>) src(%dma_wait3A_73 : memref<40x125xi32, #tpu.memory_space<hbm>>) dst(%arg8 : memref<40x125xi32, #tpu.memory_space<vmem>>)
        tpu.yield
      }) : () -> ()
      %dma_start3A = arith.constant 0 : i32
      %dma_start3A_33 = arith.constant 0 : i32
      %dma_start3A_34 = tpu.memref_slice %arg7[%dma_start3A, %dma_start3A_33] : memref<40x125xi32, #tpu.memory_space<vmem>> -> memref<1x125xi32, #tpu.memory_space<vmem>>
      %dma_start3A_35 = tpu.memref_squeeze %dma_start3A_34 : memref<1x125xi32, #tpu.memory_space<vmem>> -> memref<125xi32, #tpu.memory_space<vmem>>
      %dma_start3A_36 = arith.constant 0 : i32
      %dma_start3A_37 = arith.constant 0 : i32
      %dma_start3A_38 = tpu.memref_slice %arg2[%dma_start3A_36, %dma_start3A_37] : memref<10000x128xf32, #tpu.memory_space<hbm>> -> memref<10000x128xf32, #tpu.memory_space<hbm>>
      tpu.enqueue_indirect_dma source(%dma_start3A_38 : memref<10000x128xf32, #tpu.memory_space<hbm>>) target(%arg9 : memref<125x128xf32, #tpu.memory_space<vmem>>) offsets(%dma_start3A_35 : memref<125xi32, #tpu.memory_space<vmem>>) semaphore(%arg11 : memref<!tpu.dma_semaphore, #tpu.memory_space<semaphore_mem>>)
      %dma_start3A_39 = arith.constant 1 : i32
      %dma_start3A_40 = arith.constant 0 : i32
      %dma_start3A_41 = tpu.memref_slice %arg7[%dma_start3A_39, %dma_start3A_40] : memref<40x125xi32, #tpu.memory_space<vmem>> -> memref<1x125xi32, #tpu.memory_space<vmem>>
      %dma_start3A_42 = tpu.memref_squeeze %dma_start3A_41 : memref<1x125xi32, #tpu.memory_space<vmem>> -> memref<125xi32, #tpu.memory_space<vmem>>
      %dma_start3A_43 = arith.constant 0 : i32
      %dma_start3A_44 = arith.constant 0 : i32
      %dma_start3A_45 = tpu.memref_slice %arg2[%dma_start3A_43, %dma_start3A_44] : memref<10000x128xf32, #tpu.memory_space<hbm>> -> memref<10000x128xf32, #tpu.memory_space<hbm>>
      tpu.enqueue_indirect_dma source(%dma_start3A_45 : memref<10000x128xf32, #tpu.memory_space<hbm>>) target(%arg10 : memref<125x128xf32, #tpu.memory_space<vmem>>) offsets(%dma_start3A_42 : memref<125xi32, #tpu.memory_space<vmem>>) semaphore(%arg12 : memref<!tpu.dma_semaphore, #tpu.memory_space<semaphore_mem>>)
      %scan3A_46 = arith.constant 0 : i32
      %scan3A_47 = arith.constant 19 : i32
      %scan3A_48 = arith.addi %scan3A_46, %scan3A_47 : i32
      %scan3A_49 = arith.constant 1 : i32
      scf.for %scan3A_65 = %scan3A_46 to %scan3A_48 step %scan3A_49  : i32 {
        %mul3A_66 = arith.constant 1 : i32
        %mul3A_67 = arith.muli %scan3A_65, %mul3A_66 : i32
        %add3A_68 = arith.constant 0 : i32
        %add3A_69 = arith.addi %add3A_68, %mul3A_67 : i32
        %mul3A_70 = arith.constant 2 : i32
        %mul3A_71 = arith.muli %mul3A_70, %add3A_69 : i32
        %dma_wait3A_72 = arith.constant 0 : i32
        %dma_wait3A_73 = tpu.memref_slice %arg7[%mul3A_71, %dma_wait3A_72] : memref<40x125xi32, #tpu.memory_space<vmem>> -> memref<1x125xi32, #tpu.memory_space<vmem>>
        %dma_wait3A_74 = tpu.memref_squeeze %dma_wait3A_73 : memref<1x125xi32, #tpu.memory_space<vmem>> -> memref<125xi32, #tpu.memory_space<vmem>>
        %dma_wait3A_75 = arith.constant 0 : i32
        %dma_wait3A_76 = arith.constant 0 : i32
        %dma_wait3A_77 = tpu.memref_slice %arg2[%dma_wait3A_75, %dma_wait3A_76] : memref<10000x128xf32, #tpu.memory_space<hbm>> -> memref<10000x128xf32, #tpu.memory_space<hbm>>
        tpu.wait_indirect_dma semaphore(%arg11 : memref<!tpu.dma_semaphore, #tpu.memory_space<semaphore_mem>>) src(%dma_wait3A_77 : memref<10000x128xf32, #tpu.memory_space<hbm>>) dst(%arg9 : memref<125x128xf32, #tpu.memory_space<vmem>>)
        "tpu.region"() ({
          %run_scoped3A_104 = tpu.sem_alloc : memref<!tpu.dma_semaphore, #tpu.memory_space<semaphore_mem>>
          %dma_start3A_105 = arith.constant 0 : i32
          %dma_start3A_106 = tpu.memref_slice %arg8[%mul3A_71, %dma_start3A_105] : memref<40x125xi32, #tpu.memory_space<vmem>> -> memref<1x125xi32, #tpu.memory_space<vmem>>
          %dma_start3A_107 = tpu.memref_squeeze %dma_start3A_106 : memref<1x125xi32, #tpu.memory_space<vmem>> -> memref<125xi32, #tpu.memory_space<vmem>>
          %dma_start3A_108 = arith.constant 0 : i32
          %dma_start3A_109 = arith.constant 0 : i32
          %dma_start3A_110 = tpu.memref_slice %arg6[%dma_start3A_108, %dma_start3A_109] : memref<10000x128xf32, #tpu.memory_space<vmem_shared>> -> memref<10000x128xf32, #tpu.memory_space<vmem_shared>>
          tpu.enqueue_indirect_dma source(%arg9 : memref<125x128xf32, #tpu.memory_space<vmem>>) target(%dma_start3A_110 : memref<10000x128xf32, #tpu.memory_space<vmem_shared>>) offsets(%dma_start3A_107 : memref<125xi32, #tpu.memory_space<vmem>>) semaphore(%run_scoped3A_104 : memref<!tpu.dma_semaphore, #tpu.memory_space<semaphore_mem>>) {add = true}
          %dma_wait3A_111 = arith.constant 0 : i32
          %dma_wait3A_112 = tpu.memref_slice %arg8[%mul3A_71, %dma_wait3A_111] : memref<40x125xi32, #tpu.memory_space<vmem>> -> memref<1x125xi32, #tpu.memory_space<vmem>>
          %dma_wait3A_113 = tpu.memref_squeeze %dma_wait3A_112 : memref<1x125xi32, #tpu.memory_space<vmem>> -> memref<125xi32, #tpu.memory_space<vmem>>
          %dma_wait3A_114 = arith.constant 0 : i32
          %dma_wait3A_115 = arith.constant 0 : i32
          %dma_wait3A_116 = tpu.memref_slice %arg6[%dma_wait3A_114, %dma_wait3A_115] : memref<10000x128xf32, #tpu.memory_space<vmem_shared>> -> memref<10000x128xf32, #tpu.memory_space<vmem_shared>>
          tpu.wait_indirect_dma semaphore(%run_scoped3A_104 : memref<!tpu.dma_semaphore, #tpu.memory_space<semaphore_mem>>) src(%arg9 : memref<125x128xf32, #tpu.memory_space<vmem>>) dst(%dma_wait3A_116 : memref<10000x128xf32, #tpu.memory_space<vmem_shared>>)
          tpu.yield
        }) : () -> ()
        %add3A_78 = arith.constant 2 : i32
        %add3A_79 = arith.addi %mul3A_71, %add3A_78 : i32
        %dma_start3A_80 = arith.constant 0 : i32
        %dma_start3A_81 = tpu.memref_slice %arg7[%add3A_79, %dma_start3A_80] : memref<40x125xi32, #tpu.memory_space<vmem>> -> memref<1x125xi32, #tpu.memory_space<vmem>>
        %dma_start3A_82 = tpu.memref_squeeze %dma_start3A_81 : memref<1x125xi32, #tpu.memory_space<vmem>> -> memref<125xi32, #tpu.memory_space<vmem>>
        %dma_start3A_83 = arith.constant 0 : i32
        %dma_start3A_84 = arith.constant 0 : i32
        %dma_start3A_85 = tpu.memref_slice %arg2[%dma_start3A_83, %dma_start3A_84] : memref<10000x128xf32, #tpu.memory_space<hbm>> -> memref<10000x128xf32, #tpu.memory_space<hbm>>
        tpu.enqueue_indirect_dma source(%dma_start3A_85 : memref<10000x128xf32, #tpu.memory_space<hbm>>) target(%arg9 : memref<125x128xf32, #tpu.memory_space<vmem>>) offsets(%dma_start3A_82 : memref<125xi32, #tpu.memory_space<vmem>>) semaphore(%arg11 : memref<!tpu.dma_semaphore, #tpu.memory_space<semaphore_mem>>)
        %add3A_86 = arith.constant 1 : i32
        %add3A_87 = arith.addi %mul3A_71, %add3A_86 : i32
        %dma_wait3A_88 = arith.constant 0 : i32
        %dma_wait3A_89 = tpu.memref_slice %arg7[%add3A_87, %dma_wait3A_88] : memref<40x125xi32, #tpu.memory_space<vmem>> -> memref<1x125xi32, #tpu.memory_space<vmem>>
        %dma_wait3A_90 = tpu.memref_squeeze %dma_wait3A_89 : memref<1x125xi32, #tpu.memory_space<vmem>> -> memref<125xi32, #tpu.memory_space<vmem>>
        %dma_wait3A_91 = arith.constant 0 : i32
        %dma_wait3A_92 = arith.constant 0 : i32
        %dma_wait3A_93 = tpu.memref_slice %arg2[%dma_wait3A_91, %dma_wait3A_92] : memref<10000x128xf32, #tpu.memory_space<hbm>> -> memref<10000x128xf32, #tpu.memory_space<hbm>>
        tpu.wait_indirect_dma semaphore(%arg12 : memref<!tpu.dma_semaphore, #tpu.memory_space<semaphore_mem>>) src(%dma_wait3A_93 : memref<10000x128xf32, #tpu.memory_space<hbm>>) dst(%arg10 : memref<125x128xf32, #tpu.memory_space<vmem>>)
        %add3A_94 = arith.constant 1 : i32
        %add3A_95 = arith.addi %mul3A_71, %add3A_94 : i32
        "tpu.region"() ({
          %run_scoped3A_104 = tpu.sem_alloc : memref<!tpu.dma_semaphore, #tpu.memory_space<semaphore_mem>>
          %dma_start3A_105 = arith.constant 0 : i32
          %dma_start3A_106 = tpu.memref_slice %arg8[%add3A_95, %dma_start3A_105] : memref<40x125xi32, #tpu.memory_space<vmem>> -> memref<1x125xi32, #tpu.memory_space<vmem>>
          %dma_start3A_107 = tpu.memref_squeeze %dma_start3A_106 : memref<1x125xi32, #tpu.memory_space<vmem>> -> memref<125xi32, #tpu.memory_space<vmem>>
          %dma_start3A_108 = arith.constant 0 : i32
          %dma_start3A_109 = arith.constant 0 : i32
          %dma_start3A_110 = tpu.memref_slice %arg6[%dma_start3A_108, %dma_start3A_109] : memref<10000x128xf32, #tpu.memory_space<vmem_shared>> -> memref<10000x128xf32, #tpu.memory_space<vmem_shared>>
          tpu.enqueue_indirect_dma source(%arg10 : memref<125x128xf32, #tpu.memory_space<vmem>>) target(%dma_start3A_110 : memref<10000x128xf32, #tpu.memory_space<vmem_shared>>) offsets(%dma_start3A_107 : memref<125xi32, #tpu.memory_space<vmem>>) semaphore(%run_scoped3A_104 : memref<!tpu.dma_semaphore, #tpu.memory_space<semaphore_mem>>) {add = true}
          %dma_wait3A_111 = arith.constant 0 : i32
          %dma_wait3A_112 = tpu.memref_slice %arg8[%add3A_95, %dma_wait3A_111] : memref<40x125xi32, #tpu.memory_space<vmem>> -> memref<1x125xi32, #tpu.memory_space<vmem>>
          %dma_wait3A_113 = tpu.memref_squeeze %dma_wait3A_112 : memref<1x125xi32, #tpu.memory_space<vmem>> -> memref<125xi32, #tpu.memory_space<vmem>>
          %dma_wait3A_114 = arith.constant 0 : i32
          %dma_wait3A_115 = arith.constant 0 : i32
          %dma_wait3A_116 = tpu.memref_slice %arg6[%dma_wait3A_114, %dma_wait3A_115] : memref<10000x128xf32, #tpu.memory_space<vmem_shared>> -> memref<10000x128xf32, #tpu.memory_space<vmem_shared>>
          tpu.wait_indirect_dma semaphore(%run_scoped3A_104 : memref<!tpu.dma_semaphore, #tpu.memory_space<semaphore_mem>>) src(%arg10 : memref<125x128xf32, #tpu.memory_space<vmem>>) dst(%dma_wait3A_116 : memref<10000x128xf32, #tpu.memory_space<vmem_shared>>)
          tpu.yield
        }) : () -> ()
        %add3A_96 = arith.constant 3 : i32
        %add3A_97 = arith.addi %mul3A_71, %add3A_96 : i32
        %dma_start3A_98 = arith.constant 0 : i32
        %dma_start3A_99 = tpu.memref_slice %arg7[%add3A_97, %dma_start3A_98] : memref<40x125xi32, #tpu.memory_space<vmem>> -> memref<1x125xi32, #tpu.memory_space<vmem>>
        %dma_start3A_100 = tpu.memref_squeeze %dma_start3A_99 : memref<1x125xi32, #tpu.memory_space<vmem>> -> memref<125xi32, #tpu.memory_space<vmem>>
        %dma_start3A_101 = arith.constant 0 : i32
        %dma_start3A_102 = arith.constant 0 : i32
        %dma_start3A_103 = tpu.memref_slice %arg2[%dma_start3A_101, %dma_start3A_102] : memref<10000x128xf32, #tpu.memory_space<hbm>> -> memref<10000x128xf32, #tpu.memory_space<hbm>>
        tpu.enqueue_indirect_dma source(%dma_start3A_103 : memref<10000x128xf32, #tpu.memory_space<hbm>>) target(%arg10 : memref<125x128xf32, #tpu.memory_space<vmem>>) offsets(%dma_start3A_100 : memref<125xi32, #tpu.memory_space<vmem>>) semaphore(%arg12 : memref<!tpu.dma_semaphore, #tpu.memory_space<semaphore_mem>>)
      }
      %scan3A_50 = arith.constant 19 : i32
      %dma_wait3A = arith.constant 38 : i32
      %dma_wait3A_51 = arith.constant 0 : i32
      %dma_wait3A_52 = tpu.memref_slice %arg7[%dma_wait3A, %dma_wait3A_51] : memref<40x125xi32, #tpu.memory_space<vmem>> -> memref<1x125xi32, #tpu.memory_space<vmem>>
      %dma_wait3A_53 = tpu.memref_squeeze %dma_wait3A_52 : memref<1x125xi32, #tpu.memory_space<vmem>> -> memref<125xi32, #tpu.memory_space<vmem>>
      %dma_wait3A_54 = arith.constant 0 : i32
      %dma_wait3A_55 = arith.constant 0 : i32
      %dma_wait3A_56 = tpu.memref_slice %arg2[%dma_wait3A_54, %dma_wait3A_55] : memref<10000x128xf32, #tpu.memory_space<hbm>> -> memref<10000x128xf32, #tpu.memory_space<hbm>>
      tpu.wait_indirect_dma semaphore(%arg11 : memref<!tpu.dma_semaphore, #tpu.memory_space<semaphore_mem>>) src(%dma_wait3A_56 : memref<10000x128xf32, #tpu.memory_space<hbm>>) dst(%arg9 : memref<125x128xf32, #tpu.memory_space<vmem>>)
      %run_scoped3A = arith.constant 38 : i32
      "tpu.region"() ({
        %run_scoped3A_65 = tpu.sem_alloc : memref<!tpu.dma_semaphore, #tpu.memory_space<semaphore_mem>>
        %dma_start3A_66 = arith.constant 0 : i32
        %dma_start3A_67 = tpu.memref_slice %arg8[%run_scoped3A, %dma_start3A_66] : memref<40x125xi32, #tpu.memory_space<vmem>> -> memref<1x125xi32, #tpu.memory_space<vmem>>
        %dma_start3A_68 = tpu.memref_squeeze %dma_start3A_67 : memref<1x125xi32, #tpu.memory_space<vmem>> -> memref<125xi32, #tpu.memory_space<vmem>>
        %dma_start3A_69 = arith.constant 0 : i32
        %dma_start3A_70 = arith.constant 0 : i32
        %dma_start3A_71 = tpu.memref_slice %arg6[%dma_start3A_69, %dma_start3A_70] : memref<10000x128xf32, #tpu.memory_space<vmem_shared>> -> memref<10000x128xf32, #tpu.memory_space<vmem_shared>>
        tpu.enqueue_indirect_dma source(%arg9 : memref<125x128xf32, #tpu.memory_space<vmem>>) target(%dma_start3A_71 : memref<10000x128xf32, #tpu.memory_space<vmem_shared>>) offsets(%dma_start3A_68 : memref<125xi32, #tpu.memory_space<vmem>>) semaphore(%run_scoped3A_65 : memref<!tpu.dma_semaphore, #tpu.memory_space<semaphore_mem>>) {add = true}
        %dma_wait3A_72 = arith.constant 0 : i32
        %dma_wait3A_73 = tpu.memref_slice %arg8[%run_scoped3A, %dma_wait3A_72] : memref<40x125xi32, #tpu.memory_space<vmem>> -> memref<1x125xi32, #tpu.memory_space<vmem>>
        %dma_wait3A_74 = tpu.memref_squeeze %dma_wait3A_73 : memref<1x125xi32, #tpu.memory_space<vmem>> -> memref<125xi32, #tpu.memory_space<vmem>>
        %dma_wait3A_75 = arith.constant 0 : i32
        %dma_wait3A_76 = arith.constant 0 : i32
        %dma_wait3A_77 = tpu.memref_slice %arg6[%dma_wait3A_75, %dma_wait3A_76] : memref<10000x128xf32, #tpu.memory_space<vmem_shared>> -> memref<10000x128xf32, #tpu.memory_space<vmem_shared>>
        tpu.wait_indirect_dma semaphore(%run_scoped3A_65 : memref<!tpu.dma_semaphore, #tpu.memory_space<semaphore_mem>>) src(%arg9 : memref<125x128xf32, #tpu.memory_space<vmem>>) dst(%dma_wait3A_77 : memref<10000x128xf32, #tpu.memory_space<vmem_shared>>)
        tpu.yield
      }) : () -> ()
      %dma_wait3A_57 = arith.constant 39 : i32
      %dma_wait3A_58 = arith.constant 0 : i32
      %dma_wait3A_59 = tpu.memref_slice %arg7[%dma_wait3A_57, %dma_wait3A_58] : memref<40x125xi32, #tpu.memory_space<vmem>> -> memref<1x125xi32, #tpu.memory_space<vmem>>
      %dma_wait3A_60 = tpu.memref_squeeze %dma_wait3A_59 : memref<1x125xi32, #tpu.memory_space<vmem>> -> memref<125xi32, #tpu.memory_space<vmem>>
      %dma_wait3A_61 = arith.constant 0 : i32
      %dma_wait3A_62 = arith.constant 0 : i32
      %dma_wait3A_63 = tpu.memref_slice %arg2[%dma_wait3A_61, %dma_wait3A_62] : memref<10000x128xf32, #tpu.memory_space<hbm>> -> memref<10000x128xf32, #tpu.memory_space<hbm>>
      tpu.wait_indirect_dma semaphore(%arg12 : memref<!tpu.dma_semaphore, #tpu.memory_space<semaphore_mem>>) src(%dma_wait3A_63 : memref<10000x128xf32, #tpu.memory_space<hbm>>) dst(%arg10 : memref<125x128xf32, #tpu.memory_space<vmem>>)
      %run_scoped3A_64 = arith.constant 39 : i32
      "tpu.region"() ({
        %run_scoped3A_65 = tpu.sem_alloc : memref<!tpu.dma_semaphore, #tpu.memory_space<semaphore_mem>>
        %dma_start3A_66 = arith.constant 0 : i32
        %dma_start3A_67 = tpu.memref_slice %arg8[%run_scoped3A_64, %dma_start3A_66] : memref<40x125xi32, #tpu.memory_space<vmem>> -> memref<1x125xi32, #tpu.memory_space<vmem>>
        %dma_start3A_68 = tpu.memref_squeeze %dma_start3A_67 : memref<1x125xi32, #tpu.memory_space<vmem>> -> memref<125xi32, #tpu.memory_space<vmem>>
        %dma_start3A_69 = arith.constant 0 : i32
        %dma_start3A_70 = arith.constant 0 : i32
        %dma_start3A_71 = tpu.memref_slice %arg6[%dma_start3A_69, %dma_start3A_70] : memref<10000x128xf32, #tpu.memory_space<vmem_shared>> -> memref<10000x128xf32, #tpu.memory_space<vmem_shared>>
        tpu.enqueue_indirect_dma source(%arg10 : memref<125x128xf32, #tpu.memory_space<vmem>>) target(%dma_start3A_71 : memref<10000x128xf32, #tpu.memory_space<vmem_shared>>) offsets(%dma_start3A_68 : memref<125xi32, #tpu.memory_space<vmem>>) semaphore(%run_scoped3A_65 : memref<!tpu.dma_semaphore, #tpu.memory_space<semaphore_mem>>) {add = true}
        %dma_wait3A_72 = arith.constant 0 : i32
        %dma_wait3A_73 = tpu.memref_slice %arg8[%run_scoped3A_64, %dma_wait3A_72] : memref<40x125xi32, #tpu.memory_space<vmem>> -> memref<1x125xi32, #tpu.memory_space<vmem>>
        %dma_wait3A_74 = tpu.memref_squeeze %dma_wait3A_73 : memref<1x125xi32, #tpu.memory_space<vmem>> -> memref<125xi32, #tpu.memory_space<vmem>>
        %dma_wait3A_75 = arith.constant 0 : i32
        %dma_wait3A_76 = arith.constant 0 : i32
        %dma_wait3A_77 = tpu.memref_slice %arg6[%dma_wait3A_75, %dma_wait3A_76] : memref<10000x128xf32, #tpu.memory_space<vmem_shared>> -> memref<10000x128xf32, #tpu.memory_space<vmem_shared>>
        tpu.wait_indirect_dma semaphore(%run_scoped3A_65 : memref<!tpu.dma_semaphore, #tpu.memory_space<semaphore_mem>>) src(%arg10 : memref<125x128xf32, #tpu.memory_space<vmem>>) dst(%dma_wait3A_77 : memref<10000x128xf32, #tpu.memory_space<vmem_shared>>)
        tpu.yield
      }) : () -> ()
    }
    %scan3A_14 = arith.constant 2 : i32
    %barrier3A_15 = arith.constant 0 : index
    tpu.barrier barrier_id(%barrier3A_15)
    %lt3A = arith.constant 15 : i32
    %lt3A_16 = arith.cmpi slt, %arg1, %lt3A : i32
    %convert_element_type3A = arith.extui %lt3A_16 : i1 to i32
    %cond3A = arith.constant 0 : i32
    %cond3A_17 = arith.cmpi ne, %convert_element_type3A, %cond3A : i32
    scf.if %cond3A_17 {
      %mul3A = arith.constant 624 : i32
      %mul3A_22 = arith.muli %arg1, %mul3A : i32
      %mul3A_23 = arith.constant 624 : i32
      %mul3A_24 = arith.muli %arg1, %mul3A_23 : i32
      "tpu.region"() ({
        %run_scoped3A = tpu.sem_alloc : memref<!tpu.dma_semaphore, #tpu.memory_space<semaphore_mem>>
        %dma_start3A = arith.constant 0 : i32
        %dma_start3A_25 = tpu.memref_slice %arg5[%arg0, %mul3A_24, %dma_start3A] : memref<2x10000x128xf32, #tpu.memory_space<hbm>> -> memref<1x624x128xf32, #tpu.memory_space<hbm>>
        %dma_start3A_26 = tpu.memref_squeeze %dma_start3A_25 : memref<1x624x128xf32, #tpu.memory_space<hbm>> -> memref<624x128xf32, #tpu.memory_space<hbm>>
        %dma_start3A_27 = arith.constant 0 : i32
        %dma_start3A_28 = tpu.memref_slice %arg6[%mul3A_22, %dma_start3A_27] : memref<10000x128xf32, #tpu.memory_space<vmem_shared>> -> memref<624x128xf32, #tpu.memory_space<vmem_shared>>
        tpu.enqueue_dma source(%dma_start3A_28 : memref<624x128xf32, #tpu.memory_space<vmem_shared>>) target(%dma_start3A_26 : memref<624x128xf32, #tpu.memory_space<hbm>>) target_semaphore(%run_scoped3A : memref<!tpu.dma_semaphore, #tpu.memory_space<semaphore_mem>>)
        %dma_wait3A = arith.constant 0 : i32
        %dma_wait3A_29 = tpu.memref_slice %arg5[%arg0, %mul3A_24, %dma_wait3A] : memref<2x10000x128xf32, #tpu.memory_space<hbm>> -> memref<1x624x128xf32, #tpu.memory_space<hbm>>
        %dma_wait3A_30 = tpu.memref_squeeze %dma_wait3A_29 : memref<1x624x128xf32, #tpu.memory_space<hbm>> -> memref<624x128xf32, #tpu.memory_space<hbm>>
        %dma_wait3A_31 = arith.constant 0 : i32
        %dma_wait3A_32 = tpu.memref_slice %arg6[%mul3A_22, %dma_wait3A_31] : memref<10000x128xf32, #tpu.memory_space<vmem_shared>> -> memref<624x128xf32, #tpu.memory_space<vmem_shared>>
        tpu.wait_dma2 semaphore(%run_scoped3A : memref<!tpu.dma_semaphore, #tpu.memory_space<semaphore_mem>>) src(%dma_wait3A_32 : memref<624x128xf32, #tpu.memory_space<vmem_shared>>) dst(%dma_wait3A_30 : memref<624x128xf32, #tpu.memory_space<hbm>>)
        tpu.yield
      }) : () -> ()
    } else {
    }
    %eq3A = arith.constant 15 : i32
    %eq3A_18 = arith.cmpi eq, %arg1, %eq3A : i32
    %convert_element_type3A_19 = arith.extui %eq3A_18 : i1 to i32
    %cond3A_20 = arith.constant 0 : i32
    %cond3A_21 = arith.cmpi ne, %convert_element_type3A_19, %cond3A_20 : i32
    scf.if %cond3A_21 {
      "tpu.region"() ({
        %run_scoped3A = tpu.sem_alloc : memref<!tpu.dma_semaphore, #tpu.memory_space<semaphore_mem>>
        %dma_start3A = arith.constant 9360 : i32
        %dma_start3A_22 = arith.constant 0 : i32
        %dma_start3A_23 = tpu.memref_slice %arg5[%arg0, %dma_start3A, %dma_start3A_22] : memref<2x10000x128xf32, #tpu.memory_space<hbm>> -> memref<1x640x128xf32, #tpu.memory_space<hbm>>
        %dma_start3A_24 = tpu.memref_squeeze %dma_start3A_23 : memref<1x640x128xf32, #tpu.memory_space<hbm>> -> memref<640x128xf32, #tpu.memory_space<hbm>>
        %dma_start3A_25 = arith.constant 9360 : i32
        %dma_start3A_26 = arith.constant 0 : i32
        %dma_start3A_27 = tpu.memref_slice %arg6[%dma_start3A_25, %dma_start3A_26] : memref<10000x128xf32, #tpu.memory_space<vmem_shared>> -> memref<640x128xf32, #tpu.memory_space<vmem_shared>>
        tpu.enqueue_dma source(%dma_start3A_27 : memref<640x128xf32, #tpu.memory_space<vmem_shared>>) target(%dma_start3A_24 : memref<640x128xf32, #tpu.memory_space<hbm>>) target_semaphore(%run_scoped3A : memref<!tpu.dma_semaphore, #tpu.memory_space<semaphore_mem>>)
        %dma_wait3A = arith.constant 9360 : i32
        %dma_wait3A_28 = arith.constant 0 : i32
        %dma_wait3A_29 = tpu.memref_slice %arg5[%arg0, %dma_wait3A, %dma_wait3A_28] : memref<2x10000x128xf32, #tpu.memory_space<hbm>> -> memref<1x640x128xf32, #tpu.memory_space<hbm>>
        %dma_wait3A_30 = tpu.memref_squeeze %dma_wait3A_29 : memref<1x640x128xf32, #tpu.memory_space<hbm>> -> memref<640x128xf32, #tpu.memory_space<hbm>>
        %dma_wait3A_31 = arith.constant 9360 : i32
        %dma_wait3A_32 = arith.constant 0 : i32
        %dma_wait3A_33 = tpu.memref_slice %arg6[%dma_wait3A_31, %dma_wait3A_32] : memref<10000x128xf32, #tpu.memory_space<vmem_shared>> -> memref<640x128xf32, #tpu.memory_space<vmem_shared>>
        tpu.wait_dma2 semaphore(%run_scoped3A : memref<!tpu.dma_semaphore, #tpu.memory_space<semaphore_mem>>) src(%dma_wait3A_33 : memref<640x128xf32, #tpu.memory_space<vmem_shared>>) dst(%dma_wait3A_30 : memref<640x128xf32, #tpu.memory_space<hbm>>)
        tpu.yield
      }) : () -> ()
    } else {
    }
    return
  }
}

module attributes {stable_mosaic.version = 14 : i64} {
  func.func @body(%arg0: i32, %arg1: memref<1000x128xf32, #tpu.memory_space<vmem>>, %arg2: memref<128x128xf32, #tpu.memory_space<vmem>>, %arg3: memref<1000x128xf32, #tpu.memory_space<vmem>>) attributes {dimension_semantics = [#tpu.dimension_semantics<arbitrary>], iteration_bounds = array<i64: 10>, scalar_prefetch = 0 : i64, scratch_operands = 0 : i64, tpu.core_type = #tpu.core_type<tc>, window_params = [{transform_indices = @transform_0, window_bounds = array<i64: 1000, 128>}, {pipeline_mode = #tpu.pipeline_mode<synchronous>, transform_indices = @transform_1, window_bounds = array<i64: 128, 128>}, {transform_indices = @transform_2, window_bounds = array<i64: 1000, 128>}]} {
    %get3A = arith.constant 0 : index
    %get3A_0 = arith.constant 0 : index
    %get3A_1 = vector.load %arg1[%get3A, %get3A_0] : memref<1000x128xf32, #tpu.memory_space<vmem>>, vector<1000x128xf32>
    %get3A_2 = arith.constant 0 : index
    %get3A_3 = arith.constant 0 : index
    %get3A_4 = vector.load %arg2[%get3A_2, %get3A_3] : memref<128x128xf32, #tpu.memory_space<vmem>>, vector<128x128xf32>
    %dot_general3A = arith.constant dense<0.000000e+00> : vector<1000x128xf32>
    %dot_general3A_5 = tpu.matmul %get3A_1, %get3A_4, %dot_general3A {dimension_numbers = #tpu.dot_dimension_numbers<[1], [0], [0], [1], [0, 0, 1, 1], [], []>, precision = #tpu.contract_precision<fp32>, transpose_lhs_hint = false} : vector<1000x128xf32>, vector<128x128xf32>, vector<1000x128xf32> -> vector<1000x128xf32>
    %swap3A = arith.constant 0 : index
    %swap3A_6 = arith.constant 0 : index
    %swap3A_7 = vector.load %arg3[%swap3A, %swap3A_6] : memref<1000x128xf32, #tpu.memory_space<vmem>>, vector<1000x128xf32>
    tpu.vector_store %arg3[%swap3A, %swap3A_6], %dot_general3A_5 {strides = array<i32>} : memref<1000x128xf32, #tpu.memory_space<vmem>>, vector<1000x128xf32>,
    return
  }
  func.func @transform_0(%arg0: i32) -> (i32, i32) {
    %c0_i32 = arith.constant 0 : i32
    %c0_i32_0 = arith.constant 0 : i32
    return %arg0, %c0_i32 : i32, i32
  }
  func.func @transform_1(%arg0: i32) -> (i32, i32) {
    %c0_i32 = arith.constant 0 : i32
    %c0_i32_0 = arith.constant 0 : i32
    %c0_i32_1 = arith.constant 0 : i32
    return %c0_i32, %c0_i32_0 : i32, i32
  }
  func.func @transform_2(%arg0: i32) -> (i32, i32) {
    %c0_i32 = arith.constant 0 : i32
    %c0_i32_0 = arith.constant 0 : i32
    return %arg0, %c0_i32 : i32, i32
  }
}

module attributes {stable_mosaic.version = 14 : i64} {
  func.func @body(%arg0: i32, %arg1: memref<1000x128xf32, #tpu.memory_space<vmem>>, %arg2: memref<1000x16xf32, #tpu.memory_space<vmem>>, %arg3: memref<1000x16xf32, #tpu.memory_space<vmem>>, %arg4: memref<1000x128xf32, #tpu.memory_space<vmem>>) attributes {dimension_semantics = [#tpu.dimension_semantics<arbitrary>], iteration_bounds = array<i64: 10>, scalar_prefetch = 0 : i64, scratch_operands = 0 : i64, tpu.core_type = #tpu.core_type<tc>, window_params = [{transform_indices = @transform_0, window_bounds = array<i64: 1000, 128>}, {transform_indices = @transform_1, window_bounds = array<i64: 1000, 16>}, {transform_indices = @transform_2, window_bounds = array<i64: 1000, 16>}, {transform_indices = @transform_3, window_bounds = array<i64: 1000, 128>}]} {
    %get3A = arith.constant 0 : index
    %get3A_0 = arith.constant 0 : index
    %get3A_1 = vector.load %arg1[%get3A, %get3A_0] : memref<1000x128xf32, #tpu.memory_space<vmem>>, vector<1000x128xf32>
    %get3A_2 = arith.constant 0 : index
    %get3A_3 = arith.constant 0 : index
    %get3A_4 = vector.load %arg2[%get3A_2, %get3A_3] : memref<1000x16xf32, #tpu.memory_space<vmem>>, vector<1000x16xf32>
    %get3A_5 = arith.constant 0 : index
    %get3A_6 = arith.constant 0 : index
    %get3A_7 = vector.load %arg3[%get3A_5, %get3A_6] : memref<1000x16xf32, #tpu.memory_space<vmem>>, vector<1000x16xf32>
    %slice3A = vector.extract_strided_slice %get3A_4 {offsets = [0, 0], sizes = [1000, 1], strides = [1, 1]} : vector<1000x16xf32> to vector<1000x1xf32>
    %add3A = arith.constant 1.000000e+00 : f32
    %add3A_8 = vector.broadcast %add3A : f32 to vector<1000x1xf32>
    %add3A_9 = arith.addf %add3A_8, %slice3A : vector<1000x1xf32>
    %slice3A_10 = vector.extract_strided_slice %get3A_7 {offsets = [0, 0], sizes = [1000, 1], strides = [1, 1]} : vector<1000x16xf32> to vector<1000x1xf32>
    %add3A_11 = arith.addf %add3A_9, %slice3A_10 : vector<1000x1xf32>
    %rsqrt3A = math.rsqrt %add3A_11 : vector<1000x1xf32>
    %mul3A = vector.broadcast %rsqrt3A : vector<1000x1xf32> to vector<1000x128xf32>
    %mul3A_12 = arith.mulf %get3A_1, %mul3A : vector<1000x128xf32>
    %swap3A = arith.constant 0 : index
    %swap3A_13 = arith.constant 0 : index
    %swap3A_14 = vector.load %arg4[%swap3A, %swap3A_13] : memref<1000x128xf32, #tpu.memory_space<vmem>>, vector<1000x128xf32>
    tpu.vector_store %arg4[%swap3A, %swap3A_13], %mul3A_12 {strides = array<i32>} : memref<1000x128xf32, #tpu.memory_space<vmem>>, vector<1000x128xf32>,
    return
  }
  func.func @transform_0(%arg0: i32) -> (i32, i32) {
    %c0_i32 = arith.constant 0 : i32
    %c0_i32_0 = arith.constant 0 : i32
    return %arg0, %c0_i32 : i32, i32
  }
  func.func @transform_1(%arg0: i32) -> (i32, i32) {
    %c0_i32 = arith.constant 0 : i32
    %c0_i32_0 = arith.constant 0 : i32
    return %arg0, %c0_i32 : i32, i32
  }
  func.func @transform_2(%arg0: i32) -> (i32, i32) {
    %c0_i32 = arith.constant 0 : i32
    %c0_i32_0 = arith.constant 0 : i32
    return %arg0, %c0_i32 : i32, i32
  }
  func.func @transform_3(%arg0: i32) -> (i32, i32) {
    %c0_i32 = arith.constant 0 : i32
    %c0_i32_0 = arith.constant 0 : i32
    return %arg0, %c0_i32 : i32, i32
  }
}

module attributes {stable_mosaic.version = 14 : i64} {
  func.func @body(%arg0: i32, %arg1: memref<1000x128xf32, #tpu.memory_space<vmem>>, %arg2: memref<1000x128xf32, #tpu.memory_space<vmem>>, %arg3: memref<1000x128xf32, #tpu.memory_space<vmem>>, %arg4: memref<1000x16xf32, #tpu.memory_space<vmem>>, %arg5: memref<1000x16xf32, #tpu.memory_space<vmem>>, %arg6: memref<1x128xf32, #tpu.memory_space<vmem>>, %arg7: memref<128x128xf32, #tpu.memory_space<vmem>>, %arg8: memref<1000x128xf32, #tpu.memory_space<vmem>>) attributes {dimension_semantics = [#tpu.dimension_semantics<arbitrary>], iteration_bounds = array<i64: 10>, scalar_prefetch = 0 : i64, scratch_operands = 0 : i64, tpu.core_type = #tpu.core_type<tc>, window_params = [{transform_indices = @transform_0, window_bounds = array<i64: 1000, 128>}, {transform_indices = @transform_1, window_bounds = array<i64: 1000, 128>}, {transform_indices = @transform_2, window_bounds = array<i64: 1000, 128>}, {transform_indices = @transform_3, window_bounds = array<i64: 1000, 16>}, {transform_indices = @transform_4, window_bounds = array<i64: 1000, 16>}, {pipeline_mode = #tpu.pipeline_mode<synchronous>, transform_indices = @transform_5, window_bounds = array<i64: 1, 128>}, {pipeline_mode = #tpu.pipeline_mode<synchronous>, transform_indices = @transform_6, window_bounds = array<i64: 128, 128>}, {transform_indices = @transform_7, window_bounds = array<i64: 1000, 128>}]} {
    %get3A = arith.constant 0 : index
    %get3A_0 = arith.constant 0 : index
    %get3A_1 = vector.load %arg4[%get3A, %get3A_0] : memref<1000x16xf32, #tpu.memory_space<vmem>>, vector<1000x16xf32>
    %get3A_2 = arith.constant 0 : index
    %get3A_3 = arith.constant 0 : index
    %get3A_4 = vector.load %arg5[%get3A_2, %get3A_3] : memref<1000x16xf32, #tpu.memory_space<vmem>>, vector<1000x16xf32>
    %slice3A = vector.extract_strided_slice %get3A_1 {offsets = [0, 0], sizes = [1000, 1], strides = [1, 1]} : vector<1000x16xf32> to vector<1000x1xf32>
    %add3A = arith.constant 1.000000e+00 : f32
    %add3A_5 = vector.broadcast %add3A : f32 to vector<1000x1xf32>
    %add3A_6 = arith.addf %add3A_5, %slice3A : vector<1000x1xf32>
    %slice3A_7 = vector.extract_strided_slice %get3A_4 {offsets = [0, 0], sizes = [1000, 1], strides = [1, 1]} : vector<1000x16xf32> to vector<1000x1xf32>
    %add3A_8 = arith.addf %add3A_6, %slice3A_7 : vector<1000x1xf32>
    %rsqrt3A = math.rsqrt %add3A_8 : vector<1000x1xf32>
    %get3A_9 = arith.constant 0 : index
    %get3A_10 = arith.constant 0 : index
    %get3A_11 = vector.load %arg1[%get3A_9, %get3A_10] : memref<1000x128xf32, #tpu.memory_space<vmem>>, vector<1000x128xf32>
    %get3A_12 = arith.constant 0 : index
    %get3A_13 = arith.constant 0 : index
    %get3A_14 = vector.load %arg2[%get3A_12, %get3A_13] : memref<1000x128xf32, #tpu.memory_space<vmem>>, vector<1000x128xf32>
    %add3A_15 = arith.addf %get3A_11, %get3A_14 : vector<1000x128xf32>
    %get3A_16 = arith.constant 0 : index
    %get3A_17 = arith.constant 0 : index
    %get3A_18 = vector.load %arg3[%get3A_16, %get3A_17] : memref<1000x128xf32, #tpu.memory_space<vmem>>, vector<1000x128xf32>
    %add3A_19 = arith.addf %add3A_15, %get3A_18 : vector<1000x128xf32>
    %mul3A = vector.broadcast %rsqrt3A : vector<1000x1xf32> to vector<1000x128xf32>
    %mul3A_20 = arith.mulf %mul3A, %add3A_19 : vector<1000x128xf32>
    %get3A_21 = arith.constant 0 : index
    %get3A_22 = arith.constant 0 : index
    %get3A_23 = vector.load %arg6[%get3A_21, %get3A_22] : memref<1x128xf32, #tpu.memory_space<vmem>>, vector<1x128xf32>
    %add3A_24 = vector.broadcast %get3A_23 : vector<1x128xf32> to vector<1000x128xf32>
    %add3A_25 = arith.addf %mul3A_20, %add3A_24 : vector<1000x128xf32>
    %max3A = arith.constant 0.000000e+00 : f32
    %max3A_26 = vector.broadcast %max3A : f32 to vector<1000x128xf32>
    %max3A_27 = arith.maximumf %add3A_25, %max3A_26 : vector<1000x128xf32>
    %get3A_28 = arith.constant 0 : index
    %get3A_29 = arith.constant 0 : index
    %get3A_30 = vector.load %arg7[%get3A_28, %get3A_29] : memref<128x128xf32, #tpu.memory_space<vmem>>, vector<128x128xf32>
    %dot_general3A = arith.constant dense<0.000000e+00> : vector<1000x128xf32>
    %dot_general3A_31 = tpu.matmul %max3A_27, %get3A_30, %dot_general3A {dimension_numbers = #tpu.dot_dimension_numbers<[1], [0], [0], [1], [0, 0, 1, 1], [], []>, precision = #tpu.contract_precision<fp32>, transpose_lhs_hint = false} : vector<1000x128xf32>, vector<128x128xf32>, vector<1000x128xf32> -> vector<1000x128xf32>
    %mul3A_32 = vector.broadcast %rsqrt3A : vector<1000x1xf32> to vector<1000x128xf32>
    %mul3A_33 = arith.mulf %mul3A_32, %dot_general3A_31 : vector<1000x128xf32>
    %swap3A = arith.constant 0 : index
    %swap3A_34 = arith.constant 0 : index
    %swap3A_35 = vector.load %arg8[%swap3A, %swap3A_34] : memref<1000x128xf32, #tpu.memory_space<vmem>>, vector<1000x128xf32>
    tpu.vector_store %arg8[%swap3A, %swap3A_34], %mul3A_33 {strides = array<i32>} : memref<1000x128xf32, #tpu.memory_space<vmem>>, vector<1000x128xf32>,
    return
  }
  func.func @transform_0(%arg0: i32) -> (i32, i32) {
    %c0_i32 = arith.constant 0 : i32
    %c0_i32_0 = arith.constant 0 : i32
    return %arg0, %c0_i32 : i32, i32
  }
  func.func @transform_1(%arg0: i32) -> (i32, i32) {
    %c0_i32 = arith.constant 0 : i32
    %c0_i32_0 = arith.constant 0 : i32
    return %arg0, %c0_i32 : i32, i32
  }
  func.func @transform_2(%arg0: i32) -> (i32, i32) {
    %c0_i32 = arith.constant 0 : i32
    %c0_i32_0 = arith.constant 0 : i32
    return %arg0, %c0_i32 : i32, i32
  }
  func.func @transform_3(%arg0: i32) -> (i32, i32) {
    %c0_i32 = arith.constant 0 : i32
    %c0_i32_0 = arith.constant 0 : i32
    return %arg0, %c0_i32 : i32, i32
  }
  func.func @transform_4(%arg0: i32) -> (i32, i32) {
    %c0_i32 = arith.constant 0 : i32
    %c0_i32_0 = arith.constant 0 : i32
    return %arg0, %c0_i32 : i32, i32
  }
  func.func @transform_5(%arg0: i32) -> (i32, i32) {
    %c0_i32 = arith.constant 0 : i32
    %c0_i32_0 = arith.constant 0 : i32
    %c0_i32_1 = arith.constant 0 : i32
    return %c0_i32, %c0_i32_0 : i32, i32
  }
  func.func @transform_6(%arg0: i32) -> (i32, i32) {
    %c0_i32 = arith.constant 0 : i32
    %c0_i32_0 = arith.constant 0 : i32
    %c0_i32_1 = arith.constant 0 : i32
    return %c0_i32, %c0_i32_0 : i32, i32
  }
  func.func @transform_7(%arg0: i32) -> (i32, i32) {
    %c0_i32 = arith.constant 0 : i32
    %c0_i32_0 = arith.constant 0 : i32
    return %arg0, %c0_i32 : i32, i32
  }
}

module attributes {stable_mosaic.version = 14 : i64} {
  func.func @body(%arg0: i32, %arg1: memref<1000x128xf32, #tpu.memory_space<vmem>>, %arg2: memref<1000x128xf32, #tpu.memory_space<vmem>>, %arg3: memref<1000x128xf32, #tpu.memory_space<vmem>>, %arg4: memref<1000x16xf32, #tpu.memory_space<vmem>>, %arg5: memref<1000x16xf32, #tpu.memory_space<vmem>>, %arg6: memref<1x128xf32, #tpu.memory_space<vmem>>, %arg7: memref<1000x128xf32, #tpu.memory_space<vmem>>) attributes {dimension_semantics = [#tpu.dimension_semantics<arbitrary>], iteration_bounds = array<i64: 10>, scalar_prefetch = 0 : i64, scratch_operands = 0 : i64, tpu.core_type = #tpu.core_type<tc>, window_params = [{transform_indices = @transform_0, window_bounds = array<i64: 1000, 128>}, {transform_indices = @transform_1, window_bounds = array<i64: 1000, 128>}, {transform_indices = @transform_2, window_bounds = array<i64: 1000, 128>}, {transform_indices = @transform_3, window_bounds = array<i64: 1000, 16>}, {transform_indices = @transform_4, window_bounds = array<i64: 1000, 16>}, {pipeline_mode = #tpu.pipeline_mode<synchronous>, transform_indices = @transform_5, window_bounds = array<i64: 1, 128>}, {transform_indices = @transform_6, window_bounds = array<i64: 1000, 128>}]} {
    %get3A = arith.constant 0 : index
    %get3A_0 = arith.constant 0 : index
    %get3A_1 = vector.load %arg4[%get3A, %get3A_0] : memref<1000x16xf32, #tpu.memory_space<vmem>>, vector<1000x16xf32>
    %get3A_2 = arith.constant 0 : index
    %get3A_3 = arith.constant 0 : index
    %get3A_4 = vector.load %arg5[%get3A_2, %get3A_3] : memref<1000x16xf32, #tpu.memory_space<vmem>>, vector<1000x16xf32>
    %slice3A = vector.extract_strided_slice %get3A_1 {offsets = [0, 0], sizes = [1000, 1], strides = [1, 1]} : vector<1000x16xf32> to vector<1000x1xf32>
    %add3A = arith.constant 1.000000e+00 : f32
    %add3A_5 = vector.broadcast %add3A : f32 to vector<1000x1xf32>
    %add3A_6 = arith.addf %add3A_5, %slice3A : vector<1000x1xf32>
    %slice3A_7 = vector.extract_strided_slice %get3A_4 {offsets = [0, 0], sizes = [1000, 1], strides = [1, 1]} : vector<1000x16xf32> to vector<1000x1xf32>
    %add3A_8 = arith.addf %add3A_6, %slice3A_7 : vector<1000x1xf32>
    %rsqrt3A = math.rsqrt %add3A_8 : vector<1000x1xf32>
    %get3A_9 = arith.constant 0 : index
    %get3A_10 = arith.constant 0 : index
    %get3A_11 = vector.load %arg1[%get3A_9, %get3A_10] : memref<1000x128xf32, #tpu.memory_space<vmem>>, vector<1000x128xf32>
    %get3A_12 = arith.constant 0 : index
    %get3A_13 = arith.constant 0 : index
    %get3A_14 = vector.load %arg2[%get3A_12, %get3A_13] : memref<1000x128xf32, #tpu.memory_space<vmem>>, vector<1000x128xf32>
    %add3A_15 = arith.addf %get3A_11, %get3A_14 : vector<1000x128xf32>
    %get3A_16 = arith.constant 0 : index
    %get3A_17 = arith.constant 0 : index
    %get3A_18 = vector.load %arg3[%get3A_16, %get3A_17] : memref<1000x128xf32, #tpu.memory_space<vmem>>, vector<1000x128xf32>
    %add3A_19 = arith.addf %add3A_15, %get3A_18 : vector<1000x128xf32>
    %mul3A = vector.broadcast %rsqrt3A : vector<1000x1xf32> to vector<1000x128xf32>
    %mul3A_20 = arith.mulf %mul3A, %add3A_19 : vector<1000x128xf32>
    %get3A_21 = arith.constant 0 : index
    %get3A_22 = arith.constant 0 : index
    %get3A_23 = vector.load %arg6[%get3A_21, %get3A_22] : memref<1x128xf32, #tpu.memory_space<vmem>>, vector<1x128xf32>
    %add3A_24 = vector.broadcast %get3A_23 : vector<1x128xf32> to vector<1000x128xf32>
    %add3A_25 = arith.addf %mul3A_20, %add3A_24 : vector<1000x128xf32>
    %swap3A = arith.constant 0 : index
    %swap3A_26 = arith.constant 0 : index
    %swap3A_27 = vector.load %arg7[%swap3A, %swap3A_26] : memref<1000x128xf32, #tpu.memory_space<vmem>>, vector<1000x128xf32>
    tpu.vector_store %arg7[%swap3A, %swap3A_26], %add3A_25 {strides = array<i32>} : memref<1000x128xf32, #tpu.memory_space<vmem>>, vector<1000x128xf32>,
    return
  }
  func.func @transform_0(%arg0: i32) -> (i32, i32) {
    %c0_i32 = arith.constant 0 : i32
    %c0_i32_0 = arith.constant 0 : i32
    return %arg0, %c0_i32 : i32, i32
  }
  func.func @transform_1(%arg0: i32) -> (i32, i32) {
    %c0_i32 = arith.constant 0 : i32
    %c0_i32_0 = arith.constant 0 : i32
    return %arg0, %c0_i32 : i32, i32
  }
  func.func @transform_2(%arg0: i32) -> (i32, i32) {
    %c0_i32 = arith.constant 0 : i32
    %c0_i32_0 = arith.constant 0 : i32
    return %arg0, %c0_i32 : i32, i32
  }
  func.func @transform_3(%arg0: i32) -> (i32, i32) {
    %c0_i32 = arith.constant 0 : i32
    %c0_i32_0 = arith.constant 0 : i32
    return %arg0, %c0_i32 : i32, i32
  }
  func.func @transform_4(%arg0: i32) -> (i32, i32) {
    %c0_i32 = arith.constant 0 : i32
    %c0_i32_0 = arith.constant 0 : i32
    return %arg0, %c0_i32 : i32, i32
  }
  func.func @transform_5(%arg0: i32) -> (i32, i32) {
    %c0_i32 = arith.constant 0 : i32
    %c0_i32_0 = arith.constant 0 : i32
    %c0_i32_1 = arith.constant 0 : i32
    return %c0_i32, %c0_i32_0 : i32, i32
  }
  func.func @transform_6(%arg0: i32) -> (i32, i32) {
    %c0_i32 = arith.constant 0 : i32
    %c0_i32_0 = arith.constant 0 : i32
    return %arg0, %c0_i32 : i32, i32
  }
}

</mosaic_0001>

<sc_bundles>
// kernel: kernel.11.cloned.1.call-start
scs
__scs_entry_jumppad:
0x0: {  	(pc) =	sbr.rel $0x88, $3  }
0x1: {  	(tag) =	ssettag $0x0;
	lr =	simm.s32 $0x1  }
0x2: {  	[smem:$0x3F99] =	sst lr;
	_ =	strace $0xD0000000  }
0x3: {  	_ = 	snop  }
0x4: {  	_ = 	snop  }
0x5: {  	_ = 	snop  }
0x6: {  	_ = 	snop  }
0x7: {  	_ = 	snop  }
__scs_overlays_trampoline_lowered:
0x8: {  	[smem:$0x3FA8] =	sst s0  }
0x9: {  	[smem:$0x3FA9] =	sst s1  }
0xa: {  	[smem:$0x3FAA] =	sst s2  }
0xb: {  	[smem:$0x3FAB] =	sst s3  }
0xc: {  	[smem:$0x3FAC] =	sst s4  }
0xd: {  	[smem:$0x3FAD] =	sst s5  }
0xe: {  	[smem:$0x3FAE] =	sst s6  }
0xf: {  	[smem:$0x3FAF] =	sst s7  }
0x10: {  	[smem:$0x3FB0] =	sst s8  }
0x11: {  	[smem:$0x3FB1] =	sst s9;
	s0 =	simm.s32 @!p0 $0x0  }
0x12: {  	s1 =	sld [smem:$0x3F97];
	s0 =	simm.s32 @p0 $0x1  }
0x13: {  	[smem:$0x3FB2] =	sst s0;
	s0 =	simm.s32 @!p1 $0x0  }
0x14: {  	s2 =	sld [smem:$0x3F96];
	s0 =	simm.s32 @p1 $0x1  }
0x15: {  	[smem:$0x3FB3] =	sst s0;
	s0 =	simm.s32 @!p2 $0x0  }
0x16: {  	s3 =	sld [smem:$0x3FDB];
	s0 =	simm.s32 @p2 $0x1  }
0x17: {  	s4 =	simm.s32 $0x1BF5;
	[smem:$0x3FB5] =	sst s0  }
0x18: {  	s0 =	sld [smem:$0x3F98];
	_ =	swait.ge [sflag:s4], $0x0  }
0x19: {  	s7 =	sld [smem:$0x3F99]  }
0x1a: {  	s8 =	sadd.s32 $0xFFFFE003, lr  }
0x1b: {  	s9 =	sadd.s32 $0xFFFFFEF7, lr;
	s5 =	simm.s32 $0xFFFFFFFF;
	p2 =	slt.u32 s8, $0xFFFFF086  }
0x1c: {  	p1 =	slt.u32 s9, $0xF7A;
	s5 =	simm.s32 @!p2 $0x0  }
0x1d: {  	s5 =	simm.s32 @p1 $0x1;
	p0 =	seq.s32 s7, s2  }
0x1e: {  	s7 =	smul.u32 @!p0 $0xF7A, s2;
	p2 =	seq.s32 @!p0 s5, $0x0  }
0x1f: {  	s9 =	smul.u32 $0xF7A, s1;
	s8 =	simm.s32 @!p0 $0x1BF5;
	p2 =	por !p2, p0  }
0x20: {  	[sflag:s8] =	ssyncset.s32 @!p0 $0xFFFFF086;
	s6 =	sadd.s32 @!p0 s3, s7;
	s7 =	simm.s32 @!p0 $0x108  }
0x21: {  	s3 =	sadd.s32 s3, s9;
	s6 =	sadd.s32 @!p0 $0x88, s6;
	s7 =	simm.s32 @p2 $0x1082  }
0x22: {  	[simem:s7], [sflag:s8] =	dma.local @!p0 [hbm:s6], $0xF7A  }
0x23: {  	s9 =	sor.u32 $0xD0000000, s2;
	s6 =	simm.s32 $0x108;
	_ =	swait.ge @!p0 [sflag:s8], $0x0  }
0x24: {  	s3 =	sadd.s32 $0x88, s3;
	s6 =	simm.s32 @!p1 $0x1082;
	[sflag:s4] =	ssyncset.s32 $0xFFFFF086  }
0x25: {  	[simem:s6], [sflag:s4] =	dma.local [hbm:s3], $0xF7A  }
0x26: {  	[smem:$0x3F99] =	sst s1;
	(tag) =	ssettag s2;
	_ =	strace s9  }
0x27: {  	s1 =	sld [smem:$0x3FA9]  }
0x28: {  	s2 =	sld [smem:$0x3FAA]  }
0x29: {  	s4 =	sld [smem:$0x3FAC]  }
0x2a: {  	p0 =	seq.s32 s5, $0x0;
	s5 =	sld [smem:$0x3FAD]  }
0x2b: {  	s6 =	sld [smem:$0x3FAE]  }
0x2c: {  	s7 =	sld [smem:$0x3FAF]  }
0x2d: {  	s3 =	simm.s32 $0x108;
	s8 =	sld [smem:$0x3FB0]  }
0x2e: {  	s3 =	simm.s32 @!p0 $0x1082;
	s9 =	sld [smem:$0x3FB1]  }
0x2f: {  	lr =	sadd.s32 s0, s3;
	s0 =	sld [smem:$0x3FA8]  }
0x30: {  	s3 =	sld [smem:$0x3FAB]  }
0x31: {  	[smem:$0x3FB4] =	sst s10  }
0x32: {  	s10 =	sld [smem:$0x3FB2];
	_ =	sdelay $0x3  }
0x33: {  	p0 =	seq.s32 s10, $0x1;
	s10 =	sld [smem:$0x3FB4];
	_ =	sdelay $0x3  }
0x34: {  	[smem:$0x3FB4] =	sst s10  }
0x35: {  	s10 =	sld [smem:$0x3FB3];
	_ =	sdelay $0x3  }
0x36: {  	p1 =	seq.s32 s10, $0x1;
	s10 =	sld [smem:$0x3FB4];
	_ =	sdelay $0x3  }
0x37: {  	[smem:$0x3FB4] =	sst s10  }
0x38: {  	s10 =	sld [smem:$0x3FB5]  }
0x39: {  	_ = 	snop;
	(pc) =	sbr.ind lr, $3  }
0x3a: {  	_ = 	snop  }
0x3b: {  	_ = 	snop  }
0x3c: {  	p2 =	seq.s32 s10, $0x1;
	s10 =	sld [smem:$0x3FB4]  }
0x3d: {  	_ =	shalt  }
0x3e: {  	_ =	shalt  }
0x3f: {  	_ =	shalt  }
0x40: {  	_ =	shalt  }
0x41: {  	_ =	shalt  }
0x42: {  	_ =	shalt  }
0x43: {  	_ =	shalt  }
0x44: {  	_ =	shalt  }
0x45: {  	_ =	shalt  }
0x46: {  	_ =	shalt  }
0x47: {  	_ =	shalt  }
0x48: {  	_ =	shalt  }
0x49: {  	_ =	shalt  }
0x4a: {  	_ =	shalt  }
0x4b: {  	_ =	shalt  }
0x4c: {  	_ =	shalt  }
0x4d: {  	_ =	shalt  }
0x4e: {  	_ =	shalt  }
0x4f: {  	_ =	shalt  }
0x50: {  	_ =	shalt  }
0x51: {  	_ =	shalt  }
0x52: {  	_ =	shalt  }
0x53: {  	_ =	shalt  }
0x54: {  	_ =	shalt  }
0x55: {  	_ =	shalt  }
0x56: {  	_ =	shalt  }
0x57: {  	_ =	shalt  }
0x58: {  	_ =	shalt  }
0x59: {  	_ =	shalt  }
0x5a: {  	_ =	shalt  }
0x5b: {  	_ =	shalt  }
0x5c: {  	_ =	shalt  }
0x5d: {  	_ =	shalt  }
0x5e: {  	_ =	shalt  }
0x5f: {  	_ =	shalt  }
0x60: {  	_ =	shalt  }
0x61: {  	_ =	shalt  }
0x62: {  	_ =	shalt  }
0x63: {  	_ =	shalt  }
0x64: {  	_ =	shalt  }
0x65: {  	_ =	shalt  }
0x66: {  	_ =	shalt  }
0x67: {  	_ =	shalt  }
0x68: {  	_ =	shalt  }
0x69: {  	_ =	shalt  }
0x6a: {  	_ =	shalt  }
0x6b: {  	_ =	shalt  }
0x6c: {  	_ =	shalt  }
0x6d: {  	_ =	shalt  }
0x6e: {  	_ =	shalt  }
0x6f: {  	_ =	shalt  }
0x70: {  	_ =	shalt  }
0x71: {  	_ =	shalt  }
0x72: {  	_ =	shalt  }
0x73: {  	_ =	shalt  }
0x74: {  	_ =	shalt  }
0x75: {  	_ =	shalt  }
0x76: {  	_ =	shalt  }
0x77: {  	_ =	shalt  }
0x78: {  	_ =	shalt  }
0x79: {  	_ =	shalt  }
0x7a: {  	_ =	shalt  }
0x7b: {  	_ =	shalt  }
0x7c: {  	_ =	shalt  }
0x7d: {  	_ =	shalt  }
0x7e: {  	_ =	shalt  }
0x7f: {  	_ =	shalt  }
0x80: {  	_ =	shalt  }
0x81: {  	_ =	shalt  }
0x82: {  	_ =	shalt  }
0x83: {  	_ =	shalt  }
0x84: {  	_ =	shalt  }
0x85: {  	_ =	shalt  }
0x86: {  	_ =	shalt  }
0x87: {  	_ =	shalt  }
.Lfunc_end0:
.L_simem_size_0:
called_computation_lowered:
.L_overlay_start_0:
0x88: {  	s2 =	sld [smem:$0x3FD9]  }
0x89: {  	s3 =	sld [smem:$0x3FFE];
	_ =	sdelay $0x1  }
0x8a: {  	s1 =	srdreg.scid  }
0x8b: {  	s0 =	sand.u32 $0x1, s1  }
0x8c: {  	s16 =	sshll.u32 s0, $0xA;
	s2 =	sadd.s32 s3, s2  }
0x8d: {  	s2 =	sadd.s32 s2, s16  }
0x8e: {  	[smem:$0x3FC0] =	sst s2  }
0x8f: {  	_ = 	snop  }
0x90: {  	(tm) =	ssettm $0x1  }
0x91: {  	s17 =	sld [smem:$0x3FFB];
	_ =	sdelay $0x3  }
0x92: {  	_ =	strace s17  }
0x93: {  	s2 =	sld [smem:$0x3FFC];
	_ =	sdelay $0x3  }
0x94: {  	_ =	strace s2  }
0x95: {  	s2 =	sld [smem:$0x3FFD];
	_ =	sdelay $0x3  }
0x96: {  	_ =	strace s2  }
0x97: {  	_ =	strace $0x8FFFFFFF  }
0x98: {  	s18 =	sld [smem:$0x3FDB];
	_ =	sdelay $0x1  }
0x99: {  	s19 =	simm.s32 $_scs_section_size  }
0x9a: {  	s4 =	simm.s32 $_size__tile_overlayer_lowered;
	s5 =	simm.s32 $_tile_overlayer_lowered  }
0x9b: {  	s22 =	simm.s32 $0x1BFF;
	s21 =	sshll.u32 s5, $0x1;
	s2 =	sadd.s32 s19, s18  }
0x9c: {  	s6 =	simm.s32 $0x0;
	s20 =	sshll.u32 s4, $0x1;
	s4 =	sadd.s32 s21, s2  }
0x9d: {  	[timem:s6], [sflag:s22] =	dma.local [hbm:s4], s20  }
0x9e: {  	_ =	swait.ge [sflag:s22], s20  }
0x9f: {  	s3 =	ssub.s32 $0x0, s20;
	[sflag:s22] =	ssyncset.done $0x0  }
0xa0: {  	[sflag:s22] =	ssyncadd.s32 s3;
	_ =	sdelay $0x1  }
0xa1: {  	s23 =	simm.s32 $0x1B8B  }
0xa2: {  	_ =	swait.ge [sflag:s23], $0x1  }
0xa3: {  	[sflag:s23] =	ssyncset.done $0x0  }
0xa4: {  	s25 =	simm.s32 $0x1B8E;
	s24 =	sld [smem:$0x3FFE];
	[sflag:s23] =	ssyncadd.s32 $0xFFFFFFFF  }
0xa5: {  	s26 =	simm.s32 $execute0_lowered;
	[smem:$0x3FD2] =	sst s25  }
0xa6: {  	s4 =	sshll.u32 s26, $0x1;
	_ =	strace $0x80000046;
	[dreg:$0x1] =	wrdreg $0xFFFFFFFF  }
0xa7: {  	s28 =	simm.s32 $_size_execute0_lowered;
	s2 =	sadd.s32 s2, s4;
	[dreg:$0x0] =	wrdreg $0x0  }
0xa8: {  	s4 =	sshll.u32 s28, $0x1;
	[dreg:$0x2] =	wrdreg s2  }
0xa9: {  	[dreg:$0x3] =	wrdreg s4  }
0xaa: {  	[dreg:$0x4] =	wrdreg $0xC0  }
0xab: {  	_ =	task [dreg:s6], $0x5FFFF  }
0xac: {  	[dreg:$0x1] =	wrdreg $0xFFFFFFFF  }
0xad: {  	[dreg:$0x0] =	wrdreg $0x60  }
0xae: {  	[dreg:$0x2] =	wrdreg s24  }
0xaf: {  	[dreg:$0x3] =	wrdreg $0x0  }
0xb0: {  	[dreg:$0x4] =	wrdreg $0x9  }
0xb1: {  	_ =	task.clear_ibuf [dreg:s6], $0x5FFFF;
	_ =	strace $0x90000046  }
0xb2: {  	s29 =	simm.s32 $0x9;
	_ =	strace $0x80000048  }
0xb3: {  	_ =	swait.ge [sflag:s29], $0x1  }
0xb4: {  	[sflag:s29] =	ssyncadd.s32 $0xFFFFFFFF  }
0xb5: {  	_ =	strace $0x90000048  }
0xb6: {  	_ =	sfence  }
0xb7: {  	s30 =	sld [smem:$0x0];
	_ =	sdelay $0x2  }
0xb8: {  	s31 =	sshll.u32 s1, $0xD;
	s1 =	sshrl.u32 s1, $0x2  }
0xb9: {  	s3 =	sand.u32 $0x4000, s31;
	s1 =	sadd.s32 s1, s30  }
0xba: {  	s0 =	sor.u32 s3, s0;
	s1 =	sshll.u32 s1, $0x11  }
0xbb: {  	s0 =	sor.u32 s1, s0  }
0xbc: {  	s0 =	sadd.s32 $0x8F2B, s0  }
0xbd: {  	[sflag:s0] =	ssyncadd.remote.s32 $0x1  }
0xbe: {  	_ =	sfence.sel $0xFFFF  }
0xbf: {  	[dreg:$0x0] =	wrdreg $0xFFFFFFFF;
	(pc) =	sbr.abs _section_cstart, $3  }
0xc0: {  	[dreg:$0x1] =	wrdreg $0xFFFFFFFF  }
0xc1: {  	_ =	task.clear_ibuf [dreg:s6], $0x2FFFF;
	_ =	strace $0x9FFFFFFF  }
0xc2: {  	(tm) =	ssettm $0x7FFFFFFF  }
0xc3: {  	_ =	shalt  }
tec
execute0_lowered:
.L_overlay_start_1:
0x0: {  	(tag) =	ssettag $0x1  }
0x1: {  	s4 =	rddreg [dreg:$0x0]  }
0x2: {  	s1 =	rddreg [dreg:$0x1];
	s2 =	srdreg.scid  }
0x3: {  	s0 =	rddreg [dreg:$0x2];
	s3 =	simm.s32 $0x0;
	s5 =	sand.u32 $0x1, s2  }
0x4: {  	s13 =	simm.s32 $0x8F10;
	s2 =	stileid.u32;
	s6 =	smul.u32 $0x5000, s5  }
0x5: {  	s14 =	simm.s32 $0x1;
	s15 =	simm.s32 $0x2710;
	s7 =	smul.u32 $0x500, s2  }
0x6: {  	s16 =	simm.s32 $0x7D;
	s17 =	simm.s32 $0x4F10;
	s8 =	smul.u32 $0x138800, s5  }
0x7: {  	[smem:$0x7FF] =	sst s3;
	s18 =	sadd.s32 $0x124800, s1;
	s24 =	smul.u32 $0x13800, s2  }
0x8: {  	s9 =	sadd.s32 $0xE800, s4;
	_ =	strace $0x80000047;
	s28 =	smul.u32 $0x4E000, s2  }
0x9: {  	s5 =	ssub.s32 $0x2, s5;
	s29 =	smul.u32 $0x4E200, s2;
	p0 =	seq.s32 s2, $0xF  }
0xa: {  	s25 =	sshrl.u32 s5, $0x1;
	s19 =	sshll.u32 @!p0 s2, $0x6;
	s18 =	sshrl.u32 @p0 s18, $0x3  }
0xb: {  	s6 =	sadd.s32 s7, s6;
	s10 =	ssub.s32 s5, s25;
	s26 =	sadd.s32 s24, s8  }
0xc: {  	s7 =	sshrl.u32 s28, $0x2;
	s8 =	sshrl.u32 s8, $0x3;
	s31 =	sshrl.u32 s29, $0x2  }
0xd: {  	s19 =	sor.u32 @!p0 $0x1C01, s19;
	s6 =	sadd.s32 s6, s4;
	s5 =	sshrl.u32 s26, $0x3  }
0xe: {  	s20 =	sadd.s32 s7, s1;
	s30 =	sadd.s32 s9, s8;
	s7 =	sadd.s32 s31, s1  }
0xf: {  	s8 =	smax.u32 s10, $0x1;
	s4 =	sadd.s32 $0x4800, s6;
	s5 =	sadd.s32 s9, s5  }
0x10: {  	s6 =	sadd.s32 $0x24900, s30;
	s9 =	sadd.s32 $0x3E80, s7;
	s10 =	sadd.s32 $0x7D00, s7  }
0x11: {  	v0 =	vimm.f32 $0.0e+00;
	v1 =	vimm.f32 $1.000000000e+00;
	s11 =	sadd.s32 $0xBB80, s7;
	s12 =	sadd.s32 $0xFA00, s7;
	s20 =	sshrl.u32 @!p0 s20, $0x3  }
.LBB2_1:
0x12: {  	s21 =	simm.s32 $0x200;
	s22 =	simm.s32 $0x0  }
.LBB2_2:
0x13: {  	p1 =	sne.s32 s21, $0xF800;
	[tilespmem:s22+$0x8F10] =	vst v0;
	s22 =	smov.u32 s21;
	s21 =	sadd.s32 $0x200, s21  }
.Ltmp0:
0x14: {  	(pc) =	sbr.rel @p1 .LBB2_2-.Ltmp0, $2  }
0x15: {  	_ =	sdelay $0x2  }
0x16: {  	s22 =	sshra.s32 s22, $0x2  }
0x17: {  	[tilespmem:s22+$0x8F10] =	vst v0  }
0x18: {  	[spmem:s7] =	stream.linear.scatter [tilespmem:s13], [sflag:$0x1], $0x3E80, $0x38;
	[tilespmem:$0xCF10] =	vst v63  }
0x19: {  	_ =	swait.ge [sflag:s14], $0x3E80  }
0x1a: {  	[sflag:s14] =	ssyncset.done $0x0  }
0x1b: {  	[sflag:s14] =	ssyncadd.s32 $0xFFFFC180  }
0x1c: {  	[spmem:s9] =	stream.linear.scatter [tilespmem:s13], [sflag:$0x1], $0x3E80, $0x38;
	[tilespmem:$0xCF10] =	vst v63  }
0x1d: {  	_ =	swait.ge [sflag:s14], $0x3E80  }
0x1e: {  	[sflag:s14] =	ssyncset.done $0x0  }
0x1f: {  	[sflag:s14] =	ssyncadd.s32 $0xFFFFC180  }
0x20: {  	[spmem:s10] =	stream.linear.scatter [tilespmem:s13], [sflag:$0x1], $0x3E80, $0x38;
	[tilespmem:$0xCF10] =	vst v63  }
0x21: {  	_ =	swait.ge [sflag:s14], $0x3E80  }
0x22: {  	[sflag:s14] =	ssyncset.done $0x0  }
0x23: {  	[sflag:s14] =	ssyncadd.s32 $0xFFFFC180  }
0x24: {  	[spmem:s11] =	stream.linear.scatter [tilespmem:s13], [sflag:$0x1], $0x3E80, $0x38;
	[tilespmem:$0xCF10] =	vst v63  }
0x25: {  	_ =	swait.ge [sflag:s14], $0x3E80  }
0x26: {  	[sflag:s14] =	ssyncset.done $0x0  }
0x27: {  	[sflag:s14] =	ssyncadd.s32 $0xFFFFC180  }
0x28: {  	[spmem:s12] =	stream.linear.scatter [tilespmem:s13], [sflag:$0x1], $0x3E80, $0x38;
	[tilespmem:$0xCF10] =	vst v63  }
0x29: {  	_ =	swait.ge [sflag:s14], $0x3E80  }
0x2a: {  	[sflag:s14] =	ssyncset.done $0x0  }
0x2b: {  	s21 =	simm.s32 $0x200;
	s22 =	simm.s32 $0x0;
	[sflag:s14] =	ssyncadd.s32 $0xFFFFC180  }
.LBB2_4:
0x2c: {  	p1 =	sne.s32 s21, $0xF800;
	[tilespmem:s22+$0x4F10] =	vst v1;
	s22 =	smov.u32 s21;
	s21 =	sadd.s32 $0x200, s21  }
.Ltmp1:
0x2d: {  	(pc) =	sbr.rel @p1 .LBB2_4-.Ltmp1, $2  }
0x2e: {  	_ =	sdelay $0x2  }
0x2f: {  	s22 =	sshra.s32 s22, $0x2  }
0x30: {  	[tilespmem:s22+$0x4F10] =	vst v1;
	s21 =	simm.s32 $0x0  }
0x31: {  	[tilespmem:s15], [sflag:$0x1] =	stream.linear.gather [hbm4b:s4+s21], $0x2800, $0x38;
	[tilespmem:$0xCF10] =	vst v63  }
0x32: {  	_ =	swait.ge [sflag:s14], $0x2800  }
0x33: {  	[sflag:s14] =	ssyncset.done $0x0  }
0x34: {  	[sflag:s14] =	ssyncadd.s32 $0xFFFFD800  }
0x35: {  	s31 =	simm.s32 $0x2710;
	[bflag:$0x0] =	sbarrier.arrive $0xFFFF  }
0x36: {  	[spmem:s1] =	stream.indirect.scatter.add.f32 [tilespmem:s17], [sflag:$0x1], $0x10, s31, s16, $0xb8;
	[tilespmem:$0xCF10] =	vst v63  }
0x37: {  	s21 =	simm.s32 $0x200;
	_ =	swait.ge [sflag:s14], $0x7D0  }
.LBB2_6:
0x38: {  	s22 =	sshra.s32 s21, $0x2;
	[sflag:s14] =	ssyncset.done $0x0;
	p1 =	sne.s32 s21, $0x9E00  }
.Ltmp2:
0x39: {  	s22 =	sadd.s32 $0x2710, s22;
	[sflag:s14] =	ssyncadd.s32 $0xFFFFF830;
	(pc) =	sbr.rel @p1 .LBB2_6-.Ltmp2, $3  }
0x3a: {  	[spmem:s1] =	stream.indirect.scatter.add.f32 [tilespmem:s17], [sflag:$0x1], $0x10, s22, s16, $0xb8;
	[tilespmem:$0xCF10] =	vst v63  }
0x3b: {  	s21 =	sadd.s32 $0x200, s21;
	_ =	sdelay $0x1  }
0x3c: {  	_ =	swait.ge [sflag:s14], $0x7D0  }
0x3d: {  	[sflag:s14] =	ssyncset.done $0x0  }
0x3e: {  	[sflag:s14] =	ssyncadd.s32 $0xFFFFF830  }
0x3f: {  	s21 =	simm.s32 @p0 $0x1FC1;
	[bflag:$0x0] =	sbarrier.arrive $0xFFFF  }
0x40: {  	[hbm:s6], [sflag:s21] =	dma.local @p0 [spmem:s18], $0x2800  }
0x41: {  	s21 =	simm.s32 @p0 $0x1  }
0x42: {  	s3 =	sadd.s32 $0x1, s3;
	_ =	swait.ge @p0 [sflag:s21], $0x2800  }
0x43: {  	p1 =	sne.s32 s3, s8;
	[sflag:s21] =	ssyncset.done @p0 $0x0  }
.Ltmp3:
0x44: {  	[sflag:s21] =	ssyncadd.s32 @p0 $0xFFFFD800;
	s21 =	simm.s32 @!p0 $0x1;
	(pc) =	sbr.rel @p1 .LBB2_1-.Ltmp3, $4  }
0x45: {  	[hbm:s5], [sflag:s19] =	dma.local @!p0 [spmem:s20], $0x2700  }
0x46: {  	_ =	swait.ge @!p0 [sflag:s21], $0x2700  }
0x47: {  	[sflag:s21] =	ssyncset.done @!p0 $0x0  }
0x48: {  	[sflag:s21] =	ssyncadd.s32 @!p0 $0xFFFFD900  }
0x49: {  	_ =	sfence.sel $0x180000  }
0x4a: {  	[bflag:$0x0] =	sbarrier.arrive $0xFFFF  }
0x4b: {  	p0 =	sne.s32 s2, $0x0;
	_ =	strace $0x90000047  }
0x4c: {  	s0 =	sadd.s32 @!p0 $0x100000, s0;
	[bflag:$0x2] =	sbarrier.arrive $0xFFFF  }
0x4d: {  	[sflag:s0] =	ssyncadd.tile.s32 @!p0 $0x1;
	_ =	shalt  }
.Lfunc_end2:
_tile_overlayer_lowered:
.L_overlay_start_2:
0x4e: {  	(tag) =	ssettag $0x2  }
0x4f: {  	s0 =	rddreg [dreg:$0x0];
	s2 =	stileid.u32  }
0x50: {  	s1 =	rddreg [dreg:$0x1];
	p0 =	sne.s32 s2, $0x0  }
0x51: {  	s3 =	rddreg [dreg:$0x2];
	[bflag:$0x3] =	sbarrier.arrive $0xFFFF;
	s2 =	simm.s32 @!p0 $0x1C01  }
0x52: {  	[timem:s3], [sflag:s2] =	dma.local @!p0 [hbm:s0], s1  }
0x53: {  	s0 =	simm.s32 @!p0 $0x1  }
0x54: {  	_ =	swait.ge @!p0 [sflag:s0], s1  }
0x55: {  	s1 =	ssub.s32 @!p0 $0x0, s1;
	[sflag:s0] =	ssyncset.done @!p0 $0x0  }
0x56: {  	[sflag:s0] =	ssyncadd.s32 @!p0 s1  }
0x57: {  	[bflag:$0x3] =	sbarrier.arrive $0xFFFF  }
0x58: {  	_ =	shalt  }

// kernel: kernel.14.cloned.1.call-start
scs
__scs_entry_jumppad:
0x0: {  	(pc) =	sbr.rel $0x88, $3  }
0x1: {  	(tag) =	ssettag $0x0;
	lr =	simm.s32 $0x1  }
0x2: {  	[smem:$0x3F99] =	sst lr;
	_ =	strace $0xD0000000  }
0x3: {  	_ = 	snop  }
0x4: {  	_ = 	snop  }
0x5: {  	_ = 	snop  }
0x6: {  	_ = 	snop  }
0x7: {  	_ = 	snop  }
__scs_overlays_trampoline_lowered:
0x8: {  	[smem:$0x3FA8] =	sst s0  }
0x9: {  	[smem:$0x3FA9] =	sst s1  }
0xa: {  	[smem:$0x3FAA] =	sst s2  }
0xb: {  	[smem:$0x3FAB] =	sst s3  }
0xc: {  	[smem:$0x3FAC] =	sst s4  }
0xd: {  	[smem:$0x3FAD] =	sst s5  }
0xe: {  	[smem:$0x3FAE] =	sst s6  }
0xf: {  	[smem:$0x3FAF] =	sst s7  }
0x10: {  	[smem:$0x3FB0] =	sst s8  }
0x11: {  	[smem:$0x3FB1] =	sst s9;
	s0 =	simm.s32 @!p0 $0x0  }
0x12: {  	s1 =	sld [smem:$0x3F97];
	s0 =	simm.s32 @p0 $0x1  }
0x13: {  	[smem:$0x3FB2] =	sst s0;
	s0 =	simm.s32 @!p1 $0x0  }
0x14: {  	s2 =	sld [smem:$0x3F96];
	s0 =	simm.s32 @p1 $0x1  }
0x15: {  	[smem:$0x3FB3] =	sst s0;
	s0 =	simm.s32 @!p2 $0x0  }
0x16: {  	s3 =	sld [smem:$0x3FDB];
	s0 =	simm.s32 @p2 $0x1  }
0x17: {  	s4 =	simm.s32 $0x1BF5;
	[smem:$0x3FB5] =	sst s0  }
0x18: {  	s0 =	sld [smem:$0x3F98];
	_ =	swait.ge [sflag:s4], $0x0  }
0x19: {  	s7 =	sld [smem:$0x3F99]  }
0x1a: {  	s8 =	sadd.s32 $0xFFFFE003, lr  }
0x1b: {  	s9 =	sadd.s32 $0xFFFFFEF7, lr;
	s5 =	simm.s32 $0xFFFFFFFF;
	p2 =	slt.u32 s8, $0xFFFFF086  }
0x1c: {  	p1 =	slt.u32 s9, $0xF7A;
	s5 =	simm.s32 @!p2 $0x0  }
0x1d: {  	s5 =	simm.s32 @p1 $0x1;
	p0 =	seq.s32 s7, s2  }
0x1e: {  	s7 =	smul.u32 @!p0 $0xF7A, s2;
	p2 =	seq.s32 @!p0 s5, $0x0  }
0x1f: {  	s9 =	smul.u32 $0xF7A, s1;
	s8 =	simm.s32 @!p0 $0x1BF5;
	p2 =	por !p2, p0  }
0x20: {  	[sflag:s8] =	ssyncset.s32 @!p0 $0xFFFFF086;
	s6 =	sadd.s32 @!p0 s3, s7;
	s7 =	simm.s32 @!p0 $0x108  }
0x21: {  	s3 =	sadd.s32 s3, s9;
	s6 =	sadd.s32 @!p0 $0x88, s6;
	s7 =	simm.s32 @p2 $0x1082  }
0x22: {  	[simem:s7], [sflag:s8] =	dma.local @!p0 [hbm:s6], $0xF7A  }
0x23: {  	s9 =	sor.u32 $0xD0000000, s2;
	s6 =	simm.s32 $0x108;
	_ =	swait.ge @!p0 [sflag:s8], $0x0  }
0x24: {  	s3 =	sadd.s32 $0x88, s3;
	s6 =	simm.s32 @!p1 $0x1082;
	[sflag:s4] =	ssyncset.s32 $0xFFFFF086  }
0x25: {  	[simem:s6], [sflag:s4] =	dma.local [hbm:s3], $0xF7A  }
0x26: {  	[smem:$0x3F99] =	sst s1;
	(tag) =	ssettag s2;
	_ =	strace s9  }
0x27: {  	s1 =	sld [smem:$0x3FA9]  }
0x28: {  	s2 =	sld [smem:$0x3FAA]  }
0x29: {  	s4 =	sld [smem:$0x3FAC]  }
0x2a: {  	p0 =	seq.s32 s5, $0x0;
	s5 =	sld [smem:$0x3FAD]  }
0x2b: {  	s6 =	sld [smem:$0x3FAE]  }
0x2c: {  	s7 =	sld [smem:$0x3FAF]  }
0x2d: {  	s3 =	simm.s32 $0x108;
	s8 =	sld [smem:$0x3FB0]  }
0x2e: {  	s3 =	simm.s32 @!p0 $0x1082;
	s9 =	sld [smem:$0x3FB1]  }
0x2f: {  	lr =	sadd.s32 s0, s3;
	s0 =	sld [smem:$0x3FA8]  }
0x30: {  	s3 =	sld [smem:$0x3FAB]  }
0x31: {  	[smem:$0x3FB4] =	sst s10  }
0x32: {  	s10 =	sld [smem:$0x3FB2];
	_ =	sdelay $0x3  }
0x33: {  	p0 =	seq.s32 s10, $0x1;
	s10 =	sld [smem:$0x3FB4];
	_ =	sdelay $0x3  }
0x34: {  	[smem:$0x3FB4] =	sst s10  }
0x35: {  	s10 =	sld [smem:$0x3FB3];
	_ =	sdelay $0x3  }
0x36: {  	p1 =	seq.s32 s10, $0x1;
	s10 =	sld [smem:$0x3FB4];
	_ =	sdelay $0x3  }
0x37: {  	[smem:$0x3FB4] =	sst s10  }
0x38: {  	s10 =	sld [smem:$0x3FB5]  }
0x39: {  	_ = 	snop;
	(pc) =	sbr.ind lr, $3  }
0x3a: {  	_ = 	snop  }
0x3b: {  	_ = 	snop  }
0x3c: {  	p2 =	seq.s32 s10, $0x1;
	s10 =	sld [smem:$0x3FB4]  }
0x3d: {  	_ =	shalt  }
0x3e: {  	_ =	shalt  }
0x3f: {  	_ =	shalt  }
0x40: {  	_ =	shalt  }
0x41: {  	_ =	shalt  }
0x42: {  	_ =	shalt  }
0x43: {  	_ =	shalt  }
0x44: {  	_ =	shalt  }
0x45: {  	_ =	shalt  }
0x46: {  	_ =	shalt  }
0x47: {  	_ =	shalt  }
0x48: {  	_ =	shalt  }
0x49: {  	_ =	shalt  }
0x4a: {  	_ =	shalt  }
0x4b: {  	_ =	shalt  }
0x4c: {  	_ =	shalt  }
0x4d: {  	_ =	shalt  }
0x4e: {  	_ =	shalt  }
0x4f: {  	_ =	shalt  }
0x50: {  	_ =	shalt  }
0x51: {  	_ =	shalt  }
0x52: {  	_ =	shalt  }
0x53: {  	_ =	shalt  }
0x54: {  	_ =	shalt  }
0x55: {  	_ =	shalt  }
0x56: {  	_ =	shalt  }
0x57: {  	_ =	shalt  }
0x58: {  	_ =	shalt  }
0x59: {  	_ =	shalt  }
0x5a: {  	_ =	shalt  }
0x5b: {  	_ =	shalt  }
0x5c: {  	_ =	shalt  }
0x5d: {  	_ =	shalt  }
0x5e: {  	_ =	shalt  }
0x5f: {  	_ =	shalt  }
0x60: {  	_ =	shalt  }
0x61: {  	_ =	shalt  }
0x62: {  	_ =	shalt  }
0x63: {  	_ =	shalt  }
0x64: {  	_ =	shalt  }
0x65: {  	_ =	shalt  }
0x66: {  	_ =	shalt  }
0x67: {  	_ =	shalt  }
0x68: {  	_ =	shalt  }
0x69: {  	_ =	shalt  }
0x6a: {  	_ =	shalt  }
0x6b: {  	_ =	shalt  }
0x6c: {  	_ =	shalt  }
0x6d: {  	_ =	shalt  }
0x6e: {  	_ =	shalt  }
0x6f: {  	_ =	shalt  }
0x70: {  	_ =	shalt  }
0x71: {  	_ =	shalt  }
0x72: {  	_ =	shalt  }
0x73: {  	_ =	shalt  }
0x74: {  	_ =	shalt  }
0x75: {  	_ =	shalt  }
0x76: {  	_ =	shalt  }
0x77: {  	_ =	shalt  }
0x78: {  	_ =	shalt  }
0x79: {  	_ =	shalt  }
0x7a: {  	_ =	shalt  }
0x7b: {  	_ =	shalt  }
0x7c: {  	_ =	shalt  }
0x7d: {  	_ =	shalt  }
0x7e: {  	_ =	shalt  }
0x7f: {  	_ =	shalt  }
0x80: {  	_ =	shalt  }
0x81: {  	_ =	shalt  }
0x82: {  	_ =	shalt  }
0x83: {  	_ =	shalt  }
0x84: {  	_ =	shalt  }
0x85: {  	_ =	shalt  }
0x86: {  	_ =	shalt  }
0x87: {  	_ =	shalt  }
.Lfunc_end0:
.L_simem_size_0:
called_computation.1_lowered:
.L_overlay_start_0:
0x88: {  	s2 =	sld [smem:$0x3FD9]  }
0x89: {  	s3 =	sld [smem:$0x3FFE];
	_ =	sdelay $0x1  }
0x8a: {  	s1 =	srdreg.scid  }
0x8b: {  	s0 =	sand.u32 $0x1, s1  }
0x8c: {  	s17 =	sshll.u32 s0, $0xA;
	s2 =	sadd.s32 s3, s2  }
0x8d: {  	s2 =	sadd.s32 s2, s17  }
0x8e: {  	[smem:$0x3FC0] =	sst s2  }
0x8f: {  	_ = 	snop  }
0x90: {  	s2 =	sld [smem:$0x3FD0];
	(tm) =	ssettm $0x1  }
0x91: {  	s18 =	sld [smem:$0x3FFB];
	_ =	sdelay $0x3  }
0x92: {  	_ =	strace s18  }
0x93: {  	s3 =	sld [smem:$0x3FFC];
	_ =	sdelay $0x3  }
0x94: {  	_ =	strace s3  }
0x95: {  	s3 =	sld [smem:$0x3FFD];
	_ =	sdelay $0x3  }
0x96: {  	_ =	strace s3  }
0x97: {  	_ =	strace $0x8FFFFFFF  }
0x98: {  	s19 =	sld [smem:$0x3FDB];
	_ =	sdelay $0x1  }
0x99: {  	s4 =	simm.s32 $_scs_section_size  }
0x9a: {  	s5 =	simm.s32 $_size__tile_overlayer_lowered;
	s6 =	simm.s32 $_tile_overlayer_lowered  }
0x9b: {  	s22 =	simm.s32 $0x1BFF;
	s21 =	sshll.u32 s6, $0x1;
	s3 =	sadd.s32 s4, s19  }
0x9c: {  	s7 =	simm.s32 $0x0;
	s20 =	sshll.u32 s5, $0x1;
	s5 =	sadd.s32 s21, s3  }
0x9d: {  	[timem:s7], [sflag:s22] =	dma.local [hbm:s5], s20  }
0x9e: {  	_ =	swait.ge [sflag:s22], s20  }
0x9f: {  	s4 =	ssub.s32 $0x0, s20;
	[sflag:s22] =	ssyncset.done $0x0  }
0xa0: {  	[sflag:s22] =	ssyncadd.s32 s4;
	_ =	sdelay $0x1  }
0xa1: {  	s23 =	simm.s32 $0x1B8B  }
0xa2: {  	_ =	swait.ge [sflag:s23], $0x1  }
0xa3: {  	[sflag:s23] =	ssyncset.done $0x0  }
0xa4: {  	s25 =	simm.s32 $0x1B8E;
	s24 =	sld [smem:$0x3FFE];
	[sflag:s23] =	ssyncadd.s32 $0xFFFFFFFF  }
0xa5: {  	s26 =	simm.s32 $execute0_lowered;
	[smem:$0x3FD2] =	sst s25  }
0xa6: {  	s5 =	sshll.u32 s26, $0x1;
	_ =	strace $0x80000049;
	[dreg:$0x1] =	wrdreg $0xFFFFFFFF  }
0xa7: {  	s28 =	simm.s32 $_size_execute0_lowered;
	s3 =	sadd.s32 s3, s5;
	[dreg:$0x0] =	wrdreg $0x0  }
0xa8: {  	s5 =	sshll.u32 s28, $0x1;
	[dreg:$0x2] =	wrdreg s3  }
0xa9: {  	[dreg:$0x3] =	wrdreg s5  }
0xaa: {  	[dreg:$0x4] =	wrdreg $0xC0  }
0xab: {  	_ =	task [dreg:s7], $0x5FFFF  }
0xac: {  	[dreg:$0x1] =	wrdreg $0xFFFFFFFF  }
0xad: {  	[dreg:$0x0] =	wrdreg $0x60  }
0xae: {  	[dreg:$0x2] =	wrdreg s2  }
0xaf: {  	[dreg:$0x3] =	wrdreg s24  }
0xb0: {  	[dreg:$0x4] =	wrdreg $0x0  }
0xb1: {  	[dreg:$0x5] =	wrdreg $0x9  }
0xb2: {  	_ =	task.clear_ibuf [dreg:s7], $0x6FFFF;
	_ =	strace $0x90000049  }
0xb3: {  	s29 =	simm.s32 $0x9;
	_ =	strace $0x8000004B  }
0xb4: {  	_ =	swait.ge [sflag:s29], $0x1  }
0xb5: {  	[sflag:s29] =	ssyncadd.s32 $0xFFFFFFFF  }
0xb6: {  	_ =	strace $0x9000004B  }
0xb7: {  	_ =	sfence  }
0xb8: {  	s30 =	sld [smem:$0x0];
	_ =	sdelay $0x2  }
0xb9: {  	s31 =	sshll.u32 s1, $0xD;
	s1 =	sshrl.u32 s1, $0x2  }
0xba: {  	s3 =	sand.u32 $0x4000, s31;
	s1 =	sadd.s32 s1, s30  }
0xbb: {  	s0 =	sor.u32 s3, s0;
	s1 =	sshll.u32 s1, $0x11  }
0xbc: {  	s0 =	sor.u32 s1, s0  }
0xbd: {  	s0 =	sadd.s32 $0x8F2B, s0  }
0xbe: {  	[sflag:s0] =	ssyncadd.remote.s32 $0x1  }
0xbf: {  	_ =	sfence.sel $0xFFFF  }
0xc0: {  	[dreg:$0x0] =	wrdreg $0xFFFFFFFF;
	(pc) =	sbr.abs _section_cstart, $3  }
0xc1: {  	[dreg:$0x1] =	wrdreg $0xFFFFFFFF  }
0xc2: {  	_ =	task.clear_ibuf [dreg:s7], $0x2FFFF;
	_ =	strace $0x9FFFFFFF  }
0xc3: {  	(tm) =	ssettm $0x7FFFFFFF  }
tec
execute0_lowered:
.L_overlay_start_1:
0x0: {  	(tag) =	ssettag $0x1  }
0x1: {  	s1 =	rddreg [dreg:$0x0]  }
0x2: {  	s0 =	rddreg [dreg:$0x1]  }
0x3: {  	s2 =	rddreg [dreg:$0x2];
	s3 =	srdreg.scid  }
0x4: {  	s4 =	simm.s32 $0x0;
	s18 =	simm.s32 $0x3;
	s19 =	simm.s32 $0x13880  }
0x5: {  	s20 =	simm.s32 $0x14C80;
	s28 =	simm.s32 $0x2;
	s5 =	sand.u32 $0x1, s3  }
0x6: {  	s29 =	simm.s32 $0x15F80;
	s3 =	stileid.u32;
	s6 =	smul.u32 $0x500, s5  }
0x7: {  	s30 =	simm.s32 $0x16000;
	[smem:$0x7FF] =	sst s4;
	s7 =	smul.u32 $0x50, s3  }
0x8: {  	s15 =	sadd.s32 $0x5CA00, s0;
	s8 =	ssub.s32 $0x2, s5;
	s5 =	smul.u32 $0x138800, s5  }
0x9: {  	s16 =	sadd.s32 $0x4800, s0;
	s0 =	sadd.s32 $0x8DC00, s0;
	s10 =	smul.u32 $0x13800, s3  }
0xa: {  	_ =	strace $0x8000004A;
	s22 =	smul.u32 $0x4E000, s3;
	s9 =	sshrl.u32 s8, $0x1  }
0xb: {  	s24 =	smul.u32 $0x4E200, s3;
	p0 =	seq.s32 s3, $0xF;
	s8 =	ssub.s32 s8, s9  }
0xc: {  	s11 =	sadd.s32 s7, s6;
	s21 =	sadd.s32 s10, s5;
	s23 =	sshrl.u32 s5, $0x3  }
0xd: {  	s25 =	sshrl.u32 s22, $0x2;
	s26 =	sshrl.u32 s24, $0x2;
	s24 =	sadd.s32 $0x124800, s2  }
0xe: {  	s22 =	simm.s32 $0x13900;
	s6 =	sshrl.u32 s21, $0x3;
	s25 =	sadd.s32 s25, s2  }
0xf: {  	s7 =	smax.u32 s8, $0x1;
	s8 =	sadd.s32 s26, s2;
	s31 =	sshll.u32 s11, $0x4  }
0x10: {  	s21 =	simm.s32 $0x7D;
	s24 =	sshrl.u32 @p0 s24, $0x3;
	s26 =	simm.s32 $0x1  }
0x11: {  	s5 =	sadd.s32 s0, s6;
	s0 =	sadd.s32 s0, s23;
	s9 =	sadd.s32 $0x3E80, s8  }
0x12: {  	s10 =	sadd.s32 $0x7D00, s8;
	s11 =	sadd.s32 $0xBB80, s8;
	s12 =	sadd.s32 $0xFA00, s8  }
0x13: {  	s17 =	sadd.s32 $0x280, s31;
	s13 =	sadd.s32 s15, s31;
	s14 =	sadd.s32 s16, s31  }
0x14: {  	s23 =	simm.s32 $0x1A080;
	s25 =	sshrl.u32 @!p0 s25, $0x3;
	s6 =	sadd.s32 $0x24900, s0  }
0x15: {  	v0 =	vimm.f32 $0.0e+00;
	s15 =	sadd.s32 s15, s17;
	s16 =	sadd.s32 s16, s17;
	s17 =	simm.s32 $0x16080  }
.LBB2_1:
0x16: {  	s31 =	simm.s32 $0x0;
	s0 =	simm.s32 $0x200  }
.LBB2_2:
0x17: {  	p1 =	sne.s32 s0, $0xF800;
	[tilespmem:s31+$0x160F0] =	vst v0  }
0x18: {  	[tilespmem:s31+$0x16080] =	vst v0  }
0x19: {  	[tilespmem:s31+$0x16090] =	vst v0  }
.Ltmp0:
0x1a: {  	[tilespmem:s31+$0x160A0] =	vst v0;
	(pc) =	sbr.rel @p1 .LBB2_2-.Ltmp0, $4  }
0x1b: {  	[tilespmem:s31+$0x160B0] =	vst v0  }
0x1c: {  	[tilespmem:s31+$0x160C0] =	vst v0  }
0x1d: {  	[tilespmem:s31+$0x160D0] =	vst v0  }
0x1e: {  	[tilespmem:s31+$0x160E0] =	vst v0;
	s31 =	sshra.s32 s0, $0x2;
	s0 =	sadd.s32 $0x200, s0  }
0x1f: {  	[tilespmem:s31+$0x160F0] =	vst v0  }
0x20: {  	[tilespmem:s31+$0x16080] =	vst v0  }
0x21: {  	[tilespmem:s31+$0x16090] =	vst v0  }
0x22: {  	[tilespmem:s31+$0x160A0] =	vst v0  }
0x23: {  	[tilespmem:s31+$0x160B0] =	vst v0  }
0x24: {  	[tilespmem:s31+$0x160C0] =	vst v0  }
0x25: {  	[tilespmem:s31+$0x160D0] =	vst v0  }
0x26: {  	[tilespmem:s31+$0x160E0] =	vst v0  }
0x27: {  	[spmem:s8] =	stream.linear.scatter [tilespmem:s17], [sflag:$0x3], $0x3E80, $0x38;
	[tilespmem:$0x1E080] =	vst v63  }
0x28: {  	_ =	swait.ge [sflag:s18], $0x3E80  }
0x29: {  	[sflag:s18] =	ssyncset.done $0x0  }
0x2a: {  	[sflag:s18] =	ssyncadd.s32 $0xFFFFC180  }
0x2b: {  	[spmem:s9] =	stream.linear.scatter [tilespmem:s17], [sflag:$0x3], $0x3E80, $0x38;
	[tilespmem:$0x1E080] =	vst v63  }
0x2c: {  	_ =	swait.ge [sflag:s18], $0x3E80  }
0x2d: {  	[sflag:s18] =	ssyncset.done $0x0  }
0x2e: {  	[sflag:s18] =	ssyncadd.s32 $0xFFFFC180  }
0x2f: {  	[spmem:s10] =	stream.linear.scatter [tilespmem:s17], [sflag:$0x3], $0x3E80, $0x38;
	[tilespmem:$0x1E080] =	vst v63  }
0x30: {  	_ =	swait.ge [sflag:s18], $0x3E80  }
0x31: {  	[sflag:s18] =	ssyncset.done $0x0  }
0x32: {  	[sflag:s18] =	ssyncadd.s32 $0xFFFFC180  }
0x33: {  	[spmem:s11] =	stream.linear.scatter [tilespmem:s17], [sflag:$0x3], $0x3E80, $0x38;
	[tilespmem:$0x1E080] =	vst v63  }
0x34: {  	_ =	swait.ge [sflag:s18], $0x3E80  }
0x35: {  	[sflag:s18] =	ssyncset.done $0x0  }
0x36: {  	[sflag:s18] =	ssyncadd.s32 $0xFFFFC180  }
0x37: {  	[spmem:s12] =	stream.linear.scatter [tilespmem:s17], [sflag:$0x3], $0x3E80, $0x38;
	[tilespmem:$0x1E080] =	vst v63  }
0x38: {  	_ =	swait.ge [sflag:s18], $0x3E80  }
0x39: {  	[sflag:s18] =	ssyncset.done $0x0  }
0x3a: {  	[sflag:s18] =	ssyncadd.s32 $0xFFFFC180  }
0x3b: {  	s0 =	simm.s32 $0x0;
	[bflag:$0x0] =	sbarrier.arrive $0xFFFF  }
0x3c: {  	[tilespmem:s19], [sflag:$0x3] =	stream.linear.gather [hbm4b:s13+s0], $0x1400, $0x38;
	[tilespmem:$0x1E080] =	vst v63  }
0x3d: {  	_ =	swait.ge [sflag:s18], $0x1400  }
0x3e: {  	[sflag:s18] =	ssyncset.done $0x0  }
0x3f: {  	[sflag:s18] =	ssyncadd.s32 $0xFFFFEC00  }
0x40: {  	[tilespmem:s20], [sflag:$0x3] =	stream.linear.gather [hbm4b:s14+s0], $0x1400, $0x38;
	[tilespmem:$0x1E080] =	vst v63  }
0x41: {  	_ =	swait.ge [sflag:s18], $0x1400  }
0x42: {  	[sflag:s18] =	ssyncset.done $0x0  }
0x43: {  	[sflag:s18] =	ssyncadd.s32 $0xFFFFEC00  }
0x44: {  	[tilespmem:s17], [sflag:$0x1] =	stream.indirect.gather [hbm4b:s1+s21], $0x80, s19, s21, $0xb8;
	[tilespmem:$0x1E080] =	vst v63  }
0x45: {  	_ = 	snop  }
0x46: {  	[tilespmem:s23], [sflag:$0x2] =	stream.indirect.gather [hbm4b:s1+s21], $0x80, s22, s21, $0xb8;
	[tilespmem:$0x1E080] =	vst v63  }
0x47: {  	_ =	swait.ge [sflag:s26], $0x3E80  }
0x48: {  	[sflag:s26] =	ssyncset.done $0x0  }
0x49: {  	s3 =	simm.s32 $0x14C80;
	[sflag:s26] =	ssyncadd.s32 $0xFFFFC180  }
0x4a: {  	[spmem:s2] =	stream.indirect.scatter.add.f32 [tilespmem:s17], [sflag:$0x3], $0x80, s3, s21, $0xb8;
	[tilespmem:$0x1E080] =	vst v63  }
0x4b: {  	_ =	swait.ge [sflag:s18], $0x3E80  }
0x4c: {  	[sflag:s18] =	ssyncset.done $0x0  }
0x4d: {  	s3 =	simm.s32 $0x13980;
	[sflag:s18] =	ssyncadd.s32 $0xFFFFC180  }
0x4e: {  	[tilespmem:s17], [sflag:$0x1] =	stream.indirect.gather [hbm4b:s1+s21], $0x80, s3, s21, $0xb8;
	[tilespmem:$0x1E080] =	vst v63  }
0x4f: {  	_ =	swait.ge [sflag:s28], $0x3E80  }
0x50: {  	[sflag:s28] =	ssyncset.done $0x0  }
0x51: {  	s3 =	simm.s32 $0x14D00;
	[sflag:s28] =	ssyncadd.s32 $0xFFFFC180  }
0x52: {  	[spmem:s2] =	stream.indirect.scatter.add.f32 [tilespmem:s23], [sflag:$0x3], $0x80, s3, s21, $0xb8;
	[tilespmem:$0x1E080] =	vst v63  }
0x53: {  	_ =	swait.ge [sflag:s18], $0x3E80  }
0x54: {  	[sflag:s18] =	ssyncset.done $0x0  }
0x55: {  	s31 =	simm.s32 $0x400;
	s0 =	simm.s32 $0x13A00;
	[sflag:s18] =	ssyncadd.s32 $0xFFFFC180  }
.LBB2_4:
0x56: {  	[tilespmem:s23], [sflag:$0x2] =	stream.indirect.gather [hbm4b:s1+s21], $0x80, s0, s21, $0xb8;
	[tilespmem:$0x1E080] =	vst v63  }
0x57: {  	s0 =	smov.u32 s31  }
0x58: {  	p1 =	sne.s32 s31, $0x4800;
	s31 =	sadd.s32 $0x400, s31;
	_ =	swait.ge [sflag:s26], $0x3E80  }
0x59: {  	s0 =	sshra.s32 s0, $0x2;
	[sflag:s26] =	ssyncset.done $0x0  }
0x5a: {  	s3 =	sadd.s32 $0x14C80, s0;
	[sflag:s26] =	ssyncadd.s32 $0xFFFFC180  }
0x5b: {  	[spmem:s2] =	stream.indirect.scatter.add.f32 [tilespmem:s17], [sflag:$0x3], $0x80, s3, s21, $0xb8;
	[tilespmem:$0x1E080] =	vst v63  }
0x5c: {  	_ =	swait.ge [sflag:s18], $0x3E80  }
0x5d: {  	[sflag:s18] =	ssyncset.done $0x0  }
0x5e: {  	s3 =	sadd.s32 $0x13980, s0;
	[sflag:s18] =	ssyncadd.s32 $0xFFFFC180  }
0x5f: {  	[tilespmem:s17], [sflag:$0x1] =	stream.indirect.gather [hbm4b:s1+s21], $0x80, s3, s21, $0xb8;
	[tilespmem:$0x1E080] =	vst v63  }
0x60: {  	_ =	swait.ge [sflag:s28], $0x3E80  }
0x61: {  	[sflag:s28] =	ssyncset.done $0x0  }
.Ltmp1:
0x62: {  	s3 =	sadd.s32 $0x14D00, s0;
	[sflag:s28] =	ssyncadd.s32 $0xFFFFC180;
	(pc) =	sbr.rel @p1 .LBB2_4-.Ltmp1, $4  }
0x63: {  	[spmem:s2] =	stream.indirect.scatter.add.f32 [tilespmem:s23], [sflag:$0x3], $0x80, s3, s21, $0xb8;
	[tilespmem:$0x1E080] =	vst v63  }
0x64: {  	_ =	swait.ge [sflag:s18], $0x3E80  }
0x65: {  	[sflag:s18] =	ssyncset.done $0x0  }
0x66: {  	s0 =	sadd.s32 $0x13A00, s0;
	[sflag:s18] =	ssyncadd.s32 $0xFFFFC180  }
0x67: {  	[tilespmem:s23], [sflag:$0x2] =	stream.indirect.gather [hbm4b:s1+s21], $0x80, s0, s21, $0xb8;
	[tilespmem:$0x1E080] =	vst v63  }
0x68: {  	_ =	swait.ge [sflag:s26], $0x3E80  }
0x69: {  	[sflag:s26] =	ssyncset.done $0x0  }
0x6a: {  	[sflag:s26] =	ssyncadd.s32 $0xFFFFC180  }
0x6b: {  	[spmem:s2] =	stream.indirect.scatter.add.f32 [tilespmem:s17], [sflag:$0x3], $0x80, s29, s21, $0xb8;
	[tilespmem:$0x1E080] =	vst v63  }
0x6c: {  	_ =	swait.ge [sflag:s18], $0x3E80  }
0x6d: {  	[sflag:s18] =	ssyncset.done $0x0  }
0x6e: {  	[sflag:s18] =	ssyncadd.s32 $0xFFFFC180  }
0x6f: {  	_ =	swait.ge [sflag:s28], $0x3E80  }
0x70: {  	[sflag:s28] =	ssyncset.done $0x0  }
0x71: {  	[sflag:s28] =	ssyncadd.s32 $0xFFFFC180  }
0x72: {  	[spmem:s2] =	stream.indirect.scatter.add.f32 [tilespmem:s23], [sflag:$0x3], $0x80, s30, s21, $0xb8;
	[tilespmem:$0x1E080] =	vst v63  }
0x73: {  	_ =	swait.ge [sflag:s18], $0x3E80  }
0x74: {  	[sflag:s18] =	ssyncset.done $0x0  }
0x75: {  	s3 =	simm.s32 $0x0;
	[sflag:s18] =	ssyncadd.s32 $0xFFFFC180  }
0x76: {  	[tilespmem:s19], [sflag:$0x3] =	stream.linear.gather [hbm4b:s15+s3], $0x1400, $0x38;
	[tilespmem:$0x1E080] =	vst v63  }
0x77: {  	_ =	swait.ge [sflag:s18], $0x1400  }
0x78: {  	[sflag:s18] =	ssyncset.done $0x0  }
0x79: {  	[sflag:s18] =	ssyncadd.s32 $0xFFFFEC00  }
0x7a: {  	[tilespmem:s20], [sflag:$0x3] =	stream.linear.gather [hbm4b:s16+s3], $0x1400, $0x38;
	[tilespmem:$0x1E080] =	vst v63  }
0x7b: {  	_ =	swait.ge [sflag:s18], $0x1400  }
0x7c: {  	[sflag:s18] =	ssyncset.done $0x0  }
0x7d: {  	[sflag:s18] =	ssyncadd.s32 $0xFFFFEC00  }
0x7e: {  	[tilespmem:s17], [sflag:$0x1] =	stream.indirect.gather [hbm4b:s1+s21], $0x80, s19, s21, $0xb8;
	[tilespmem:$0x1E080] =	vst v63  }
0x7f: {  	_ = 	snop  }
0x80: {  	[tilespmem:s23], [sflag:$0x2] =	stream.indirect.gather [hbm4b:s1+s21], $0x80, s22, s21, $0xb8;
	[tilespmem:$0x1E080] =	vst v63  }
0x81: {  	_ =	swait.ge [sflag:s26], $0x3E80  }
0x82: {  	[sflag:s26] =	ssyncset.done $0x0  }
0x83: {  	s3 =	simm.s32 $0x14C80;
	[sflag:s26] =	ssyncadd.s32 $0xFFFFC180  }
0x84: {  	[spmem:s2] =	stream.indirect.scatter.add.f32 [tilespmem:s17], [sflag:$0x3], $0x80, s3, s21, $0xb8;
	[tilespmem:$0x1E080] =	vst v63  }
0x85: {  	_ =	swait.ge [sflag:s18], $0x3E80  }
0x86: {  	[sflag:s18] =	ssyncset.done $0x0  }
0x87: {  	s3 =	simm.s32 $0x13980;
	[sflag:s18] =	ssyncadd.s32 $0xFFFFC180  }
0x88: {  	[tilespmem:s17], [sflag:$0x1] =	stream.indirect.gather [hbm4b:s1+s21], $0x80, s3, s21, $0xb8;
	[tilespmem:$0x1E080] =	vst v63  }
0x89: {  	_ =	swait.ge [sflag:s28], $0x3E80  }
0x8a: {  	[sflag:s28] =	ssyncset.done $0x0  }
0x8b: {  	s3 =	simm.s32 $0x14D00;
	[sflag:s28] =	ssyncadd.s32 $0xFFFFC180  }
0x8c: {  	[spmem:s2] =	stream.indirect.scatter.add.f32 [tilespmem:s23], [sflag:$0x3], $0x80, s3, s21, $0xb8;
	[tilespmem:$0x1E080] =	vst v63  }
0x8d: {  	_ =	swait.ge [sflag:s18], $0x3E80  }
0x8e: {  	[sflag:s18] =	ssyncset.done $0x0  }
0x8f: {  	s31 =	simm.s32 $0x400;
	s0 =	simm.s32 $0x13A00;
	[sflag:s18] =	ssyncadd.s32 $0xFFFFC180  }
.LBB2_6:
0x90: {  	[tilespmem:s23], [sflag:$0x2] =	stream.indirect.gather [hbm4b:s1+s21], $0x80, s0, s21, $0xb8;
	[tilespmem:$0x1E080] =	vst v63  }
0x91: {  	s0 =	smov.u32 s31  }
0x92: {  	p1 =	sne.s32 s31, $0x4800;
	s31 =	sadd.s32 $0x400, s31;
	_ =	swait.ge [sflag:s26], $0x3E80  }
0x93: {  	s0 =	sshra.s32 s0, $0x2;
	[sflag:s26] =	ssyncset.done $0x0  }
0x94: {  	s3 =	sadd.s32 $0x14C80, s0;
	[sflag:s26] =	ssyncadd.s32 $0xFFFFC180  }
0x95: {  	[spmem:s2] =	stream.indirect.scatter.add.f32 [tilespmem:s17], [sflag:$0x3], $0x80, s3, s21, $0xb8;
	[tilespmem:$0x1E080] =	vst v63  }
0x96: {  	_ =	swait.ge [sflag:s18], $0x3E80  }
0x97: {  	[sflag:s18] =	ssyncset.done $0x0  }
0x98: {  	s3 =	sadd.s32 $0x13980, s0;
	[sflag:s18] =	ssyncadd.s32 $0xFFFFC180  }
0x99: {  	[tilespmem:s17], [sflag:$0x1] =	stream.indirect.gather [hbm4b:s1+s21], $0x80, s3, s21, $0xb8;
	[tilespmem:$0x1E080] =	vst v63  }
0x9a: {  	_ =	swait.ge [sflag:s28], $0x3E80  }
0x9b: {  	[sflag:s28] =	ssyncset.done $0x0  }
.Ltmp2:
0x9c: {  	s3 =	sadd.s32 $0x14D00, s0;
	[sflag:s28] =	ssyncadd.s32 $0xFFFFC180;
	(pc) =	sbr.rel @p1 .LBB2_6-.Ltmp2, $4  }
0x9d: {  	[spmem:s2] =	stream.indirect.scatter.add.f32 [tilespmem:s23], [sflag:$0x3], $0x80, s3, s21, $0xb8;
	[tilespmem:$0x1E080] =	vst v63  }
0x9e: {  	_ =	swait.ge [sflag:s18], $0x3E80  }
0x9f: {  	[sflag:s18] =	ssyncset.done $0x0  }
0xa0: {  	s0 =	sadd.s32 $0x13A00, s0;
	[sflag:s18] =	ssyncadd.s32 $0xFFFFC180  }
0xa1: {  	[tilespmem:s23], [sflag:$0x2] =	stream.indirect.gather [hbm4b:s1+s21], $0x80, s0, s21, $0xb8;
	[tilespmem:$0x1E080] =	vst v63  }
0xa2: {  	_ =	swait.ge [sflag:s26], $0x3E80  }
0xa3: {  	[sflag:s26] =	ssyncset.done $0x0  }
0xa4: {  	[sflag:s26] =	ssyncadd.s32 $0xFFFFC180  }
0xa5: {  	[spmem:s2] =	stream.indirect.scatter.add.f32 [tilespmem:s17], [sflag:$0x3], $0x80, s29, s21, $0xb8;
	[tilespmem:$0x1E080] =	vst v63  }
0xa6: {  	_ =	swait.ge [sflag:s18], $0x3E80  }
0xa7: {  	[sflag:s18] =	ssyncset.done $0x0  }
0xa8: {  	[sflag:s18] =	ssyncadd.s32 $0xFFFFC180  }
0xa9: {  	_ =	swait.ge [sflag:s28], $0x3E80  }
0xaa: {  	[sflag:s28] =	ssyncset.done $0x0  }
0xab: {  	[sflag:s28] =	ssyncadd.s32 $0xFFFFC180  }
0xac: {  	[spmem:s2] =	stream.indirect.scatter.add.f32 [tilespmem:s23], [sflag:$0x3], $0x80, s30, s21, $0xb8;
	[tilespmem:$0x1E080] =	vst v63  }
0xad: {  	_ =	swait.ge [sflag:s18], $0x3E80  }
0xae: {  	[sflag:s18] =	ssyncset.done $0x0  }
0xaf: {  	[sflag:s18] =	ssyncadd.s32 $0xFFFFC180  }
0xb0: {  	s0 =	simm.s32 @p0 $0x1FC3;
	[bflag:$0x0] =	sbarrier.arrive $0xFFFF  }
0xb1: {  	[hbm:s6], [sflag:s0] =	dma.local @p0 [spmem:s24], $0x2800  }
0xb2: {  	s0 =	simm.s32 @p0 $0x3  }
0xb3: {  	s3 =	stileid.u32;
	_ =	swait.ge @p0 [sflag:s0], $0x2800  }
0xb4: {  	s4 =	sadd.s32 $0x1, s4;
	s3 =	sshll.u32 @!p0 s3, $0x6;
	[sflag:s0] =	ssyncset.done @p0 $0x0  }
0xb5: {  	p1 =	sne.s32 s4, s7;
	[sflag:s0] =	ssyncadd.s32 @p0 $0xFFFFD800;
	s0 =	sor.u32 @!p0 $0x1C03, s3  }
0xb6: {  	[hbm:s5], [sflag:s0] =	dma.local @!p0 [spmem:s25], $0x2700  }
.Ltmp3:
0xb7: {  	_ = 	snop;
	(pc) =	sbr.rel @p1 .LBB2_1-.Ltmp3, $4  }
0xb8: {  	s0 =	simm.s32 @!p0 $0x3  }
0xb9: {  	_ =	swait.ge @!p0 [sflag:s0], $0x2700  }
0xba: {  	[sflag:s0] =	ssyncset.done @!p0 $0x0  }
0xbb: {  	[sflag:s0] =	ssyncadd.s32 @!p0 $0xFFFFD900  }
0xbc: {  	_ =	sfence.sel $0x180000  }
0xbd: {  	[bflag:$0x0] =	sbarrier.arrive $0xFFFF  }
0xbe: {  	_ =	strace $0x9000004A  }
0xbf: {  	s0 =	stileid.u32;
	[bflag:$0x2] =	sbarrier.arrive $0xFFFF  }
0xc0: {  	p0 =	sne.s32 s0, $0x0;
	s0 =	rddreg [dreg:$0x3]  }
0xc1: {  	s0 =	sadd.s32 @!p0 $0x100000, s0  }
0xc2: {  	[sflag:s0] =	ssyncadd.tile.s32 @!p0 $0x1;
	_ =	shalt  }
.Lfunc_end2:
_tile_overlayer_lowered:
.L_overlay_start_2:
0xc3: {  	(tag) =	ssettag $0x2  }
0xc4: {  	s0 =	rddreg [dreg:$0x0];
	s2 =	stileid.u32  }
0xc5: {  	s1 =	rddreg [dreg:$0x1];
	p0 =	sne.s32 s2, $0x0  }
0xc6: {  	s3 =	rddreg [dreg:$0x2];
	[bflag:$0x3] =	sbarrier.arrive $0xFFFF;
	s2 =	simm.s32 @!p0 $0x1C03  }
0xc7: {  	[timem:s3], [sflag:s2] =	dma.local @!p0 [hbm:s0], s1  }
0xc8: {  	s0 =	simm.s32 @!p0 $0x3  }
0xc9: {  	_ =	swait.ge @!p0 [sflag:s0], s1  }
0xca: {  	s1 =	ssub.s32 @!p0 $0x0, s1;
	[sflag:s0] =	ssyncset.done @!p0 $0x0  }
0xcb: {  	[sflag:s0] =	ssyncadd.s32 @!p0 s1  }
0xcc: {  	[bflag:$0x3] =	sbarrier.arrive $0xFFFF  }
0xcd: {  	_ =	shalt  }

// kernel: kernel.17.cloned.1.call-start
scs
__scs_entry_jumppad:
0x0: {  	(pc) =	sbr.rel $0x88, $3  }
0x1: {  	(tag) =	ssettag $0x0;
	lr =	simm.s32 $0x1  }
0x2: {  	[smem:$0x3F99] =	sst lr;
	_ =	strace $0xD0000000  }
0x3: {  	_ = 	snop  }
0x4: {  	_ = 	snop  }
0x5: {  	_ = 	snop  }
0x6: {  	_ = 	snop  }
0x7: {  	_ = 	snop  }
__scs_overlays_trampoline_lowered:
0x8: {  	[smem:$0x3FA8] =	sst s0  }
0x9: {  	[smem:$0x3FA9] =	sst s1  }
0xa: {  	[smem:$0x3FAA] =	sst s2  }
0xb: {  	[smem:$0x3FAB] =	sst s3  }
0xc: {  	[smem:$0x3FAC] =	sst s4  }
0xd: {  	[smem:$0x3FAD] =	sst s5  }
0xe: {  	[smem:$0x3FAE] =	sst s6  }
0xf: {  	[smem:$0x3FAF] =	sst s7  }
0x10: {  	[smem:$0x3FB0] =	sst s8  }
0x11: {  	[smem:$0x3FB1] =	sst s9;
	s0 =	simm.s32 @!p0 $0x0  }
0x12: {  	s1 =	sld [smem:$0x3F97];
	s0 =	simm.s32 @p0 $0x1  }
0x13: {  	[smem:$0x3FB2] =	sst s0;
	s0 =	simm.s32 @!p1 $0x0  }
0x14: {  	s2 =	sld [smem:$0x3F96];
	s0 =	simm.s32 @p1 $0x1  }
0x15: {  	[smem:$0x3FB3] =	sst s0;
	s0 =	simm.s32 @!p2 $0x0  }
0x16: {  	s3 =	sld [smem:$0x3FDB];
	s0 =	simm.s32 @p2 $0x1  }
0x17: {  	s4 =	simm.s32 $0x1BF5;
	[smem:$0x3FB5] =	sst s0  }
0x18: {  	s0 =	sld [smem:$0x3F98];
	_ =	swait.ge [sflag:s4], $0x0  }
0x19: {  	s7 =	sld [smem:$0x3F99]  }
0x1a: {  	s8 =	sadd.s32 $0xFFFFE003, lr  }
0x1b: {  	s9 =	sadd.s32 $0xFFFFFEF7, lr;
	s5 =	simm.s32 $0xFFFFFFFF;
	p2 =	slt.u32 s8, $0xFFFFF086  }
0x1c: {  	p1 =	slt.u32 s9, $0xF7A;
	s5 =	simm.s32 @!p2 $0x0  }
0x1d: {  	s5 =	simm.s32 @p1 $0x1;
	p0 =	seq.s32 s7, s2  }
0x1e: {  	s7 =	smul.u32 @!p0 $0xF7A, s2;
	p2 =	seq.s32 @!p0 s5, $0x0  }
0x1f: {  	s9 =	smul.u32 $0xF7A, s1;
	s8 =	simm.s32 @!p0 $0x1BF5;
	p2 =	por !p2, p0  }
0x20: {  	[sflag:s8] =	ssyncset.s32 @!p0 $0xFFFFF086;
	s6 =	sadd.s32 @!p0 s3, s7;
	s7 =	simm.s32 @!p0 $0x108  }
0x21: {  	s3 =	sadd.s32 s3, s9;
	s6 =	sadd.s32 @!p0 $0x88, s6;
	s7 =	simm.s32 @p2 $0x1082  }
0x22: {  	[simem:s7], [sflag:s8] =	dma.local @!p0 [hbm:s6], $0xF7A  }
0x23: {  	s9 =	sor.u32 $0xD0000000, s2;
	s6 =	simm.s32 $0x108;
	_ =	swait.ge @!p0 [sflag:s8], $0x0  }
0x24: {  	s3 =	sadd.s32 $0x88, s3;
	s6 =	simm.s32 @!p1 $0x1082;
	[sflag:s4] =	ssyncset.s32 $0xFFFFF086  }
0x25: {  	[simem:s6], [sflag:s4] =	dma.local [hbm:s3], $0xF7A  }
0x26: {  	[smem:$0x3F99] =	sst s1;
	(tag) =	ssettag s2;
	_ =	strace s9  }
0x27: {  	s1 =	sld [smem:$0x3FA9]  }
0x28: {  	s2 =	sld [smem:$0x3FAA]  }
0x29: {  	s4 =	sld [smem:$0x3FAC]  }
0x2a: {  	p0 =	seq.s32 s5, $0x0;
	s5 =	sld [smem:$0x3FAD]  }
0x2b: {  	s6 =	sld [smem:$0x3FAE]  }
0x2c: {  	s7 =	sld [smem:$0x3FAF]  }
0x2d: {  	s3 =	simm.s32 $0x108;
	s8 =	sld [smem:$0x3FB0]  }
0x2e: {  	s3 =	simm.s32 @!p0 $0x1082;
	s9 =	sld [smem:$0x3FB1]  }
0x2f: {  	lr =	sadd.s32 s0, s3;
	s0 =	sld [smem:$0x3FA8]  }
0x30: {  	s3 =	sld [smem:$0x3FAB]  }
0x31: {  	[smem:$0x3FB4] =	sst s10  }
0x32: {  	s10 =	sld [smem:$0x3FB2];
	_ =	sdelay $0x3  }
0x33: {  	p0 =	seq.s32 s10, $0x1;
	s10 =	sld [smem:$0x3FB4];
	_ =	sdelay $0x3  }
0x34: {  	[smem:$0x3FB4] =	sst s10  }
0x35: {  	s10 =	sld [smem:$0x3FB3];
	_ =	sdelay $0x3  }
0x36: {  	p1 =	seq.s32 s10, $0x1;
	s10 =	sld [smem:$0x3FB4];
	_ =	sdelay $0x3  }
0x37: {  	[smem:$0x3FB4] =	sst s10  }
0x38: {  	s10 =	sld [smem:$0x3FB5]  }
0x39: {  	_ = 	snop;
	(pc) =	sbr.ind lr, $3  }
0x3a: {  	_ = 	snop  }
0x3b: {  	_ = 	snop  }
0x3c: {  	p2 =	seq.s32 s10, $0x1;
	s10 =	sld [smem:$0x3FB4]  }
0x3d: {  	_ =	shalt  }
0x3e: {  	_ =	shalt  }
0x3f: {  	_ =	shalt  }
0x40: {  	_ =	shalt  }
0x41: {  	_ =	shalt  }
0x42: {  	_ =	shalt  }
0x43: {  	_ =	shalt  }
0x44: {  	_ =	shalt  }
0x45: {  	_ =	shalt  }
0x46: {  	_ =	shalt  }
0x47: {  	_ =	shalt  }
0x48: {  	_ =	shalt  }
0x49: {  	_ =	shalt  }
0x4a: {  	_ =	shalt  }
0x4b: {  	_ =	shalt  }
0x4c: {  	_ =	shalt  }
0x4d: {  	_ =	shalt  }
0x4e: {  	_ =	shalt  }
0x4f: {  	_ =	shalt  }
0x50: {  	_ =	shalt  }
0x51: {  	_ =	shalt  }
0x52: {  	_ =	shalt  }
0x53: {  	_ =	shalt  }
0x54: {  	_ =	shalt  }
0x55: {  	_ =	shalt  }
0x56: {  	_ =	shalt  }
0x57: {  	_ =	shalt  }
0x58: {  	_ =	shalt  }
0x59: {  	_ =	shalt  }
0x5a: {  	_ =	shalt  }
0x5b: {  	_ =	shalt  }
0x5c: {  	_ =	shalt  }
0x5d: {  	_ =	shalt  }
0x5e: {  	_ =	shalt  }
0x5f: {  	_ =	shalt  }
0x60: {  	_ =	shalt  }
0x61: {  	_ =	shalt  }
0x62: {  	_ =	shalt  }
0x63: {  	_ =	shalt  }
0x64: {  	_ =	shalt  }
0x65: {  	_ =	shalt  }
0x66: {  	_ =	shalt  }
0x67: {  	_ =	shalt  }
0x68: {  	_ =	shalt  }
0x69: {  	_ =	shalt  }
0x6a: {  	_ =	shalt  }
0x6b: {  	_ =	shalt  }
0x6c: {  	_ =	shalt  }
0x6d: {  	_ =	shalt  }
0x6e: {  	_ =	shalt  }
0x6f: {  	_ =	shalt  }
0x70: {  	_ =	shalt  }
0x71: {  	_ =	shalt  }
0x72: {  	_ =	shalt  }
0x73: {  	_ =	shalt  }
0x74: {  	_ =	shalt  }
0x75: {  	_ =	shalt  }
0x76: {  	_ =	shalt  }
0x77: {  	_ =	shalt  }
0x78: {  	_ =	shalt  }
0x79: {  	_ =	shalt  }
0x7a: {  	_ =	shalt  }
0x7b: {  	_ =	shalt  }
0x7c: {  	_ =	shalt  }
0x7d: {  	_ =	shalt  }
0x7e: {  	_ =	shalt  }
0x7f: {  	_ =	shalt  }
0x80: {  	_ =	shalt  }
0x81: {  	_ =	shalt  }
0x82: {  	_ =	shalt  }
0x83: {  	_ =	shalt  }
0x84: {  	_ =	shalt  }
0x85: {  	_ =	shalt  }
0x86: {  	_ =	shalt  }
0x87: {  	_ =	shalt  }
.Lfunc_end0:
.L_simem_size_0:
called_computation.2_lowered:
.L_overlay_start_0:
0x88: {  	s2 =	sld [smem:$0x3FD9]  }
0x89: {  	s3 =	sld [smem:$0x3FFE];
	_ =	sdelay $0x1  }
0x8a: {  	s1 =	srdreg.scid  }
0x8b: {  	s0 =	sand.u32 $0x1, s1  }
0x8c: {  	s17 =	sshll.u32 s0, $0xA;
	s2 =	sadd.s32 s3, s2  }
0x8d: {  	s2 =	sadd.s32 s2, s17  }
0x8e: {  	[smem:$0x3FC0] =	sst s2  }
0x8f: {  	_ = 	snop  }
0x90: {  	s2 =	sld [smem:$0x3FD0];
	(tm) =	ssettm $0x1  }
0x91: {  	s18 =	sld [smem:$0x3FFB];
	_ =	sdelay $0x3  }
0x92: {  	_ =	strace s18  }
0x93: {  	s3 =	sld [smem:$0x3FFC];
	_ =	sdelay $0x3  }
0x94: {  	_ =	strace s3  }
0x95: {  	s3 =	sld [smem:$0x3FFD];
	_ =	sdelay $0x3  }
0x96: {  	_ =	strace s3  }
0x97: {  	_ =	strace $0x8FFFFFFF  }
0x98: {  	s19 =	sld [smem:$0x3FDB];
	_ =	sdelay $0x1  }
0x99: {  	s4 =	simm.s32 $_scs_section_size  }
0x9a: {  	s5 =	simm.s32 $_size__tile_overlayer_lowered;
	s6 =	simm.s32 $_tile_overlayer_lowered  }
0x9b: {  	s22 =	simm.s32 $0x1BFF;
	s21 =	sshll.u32 s6, $0x1;
	s3 =	sadd.s32 s4, s19  }
0x9c: {  	s7 =	simm.s32 $0x0;
	s20 =	sshll.u32 s5, $0x1;
	s5 =	sadd.s32 s21, s3  }
0x9d: {  	[timem:s7], [sflag:s22] =	dma.local [hbm:s5], s20  }
0x9e: {  	_ =	swait.ge [sflag:s22], s20  }
0x9f: {  	s4 =	ssub.s32 $0x0, s20;
	[sflag:s22] =	ssyncset.done $0x0  }
0xa0: {  	[sflag:s22] =	ssyncadd.s32 s4;
	_ =	sdelay $0x1  }
0xa1: {  	s23 =	simm.s32 $0x1B8B  }
0xa2: {  	_ =	swait.ge [sflag:s23], $0x1  }
0xa3: {  	[sflag:s23] =	ssyncset.done $0x0  }
0xa4: {  	s25 =	simm.s32 $0x1B8E;
	s24 =	sld [smem:$0x3FFE];
	[sflag:s23] =	ssyncadd.s32 $0xFFFFFFFF  }
0xa5: {  	s26 =	simm.s32 $execute0_lowered;
	[smem:$0x3FD2] =	sst s25  }
0xa6: {  	s5 =	sshll.u32 s26, $0x1;
	_ =	strace $0x8000004C;
	[dreg:$0x1] =	wrdreg $0xFFFFFFFF  }
0xa7: {  	s28 =	simm.s32 $_size_execute0_lowered;
	s3 =	sadd.s32 s3, s5;
	[dreg:$0x0] =	wrdreg $0x0  }
0xa8: {  	s5 =	sshll.u32 s28, $0x1;
	[dreg:$0x2] =	wrdreg s3  }
0xa9: {  	[dreg:$0x3] =	wrdreg s5  }
0xaa: {  	[dreg:$0x4] =	wrdreg $0xC0  }
0xab: {  	_ =	task [dreg:s7], $0x5FFFF  }
0xac: {  	[dreg:$0x1] =	wrdreg $0xFFFFFFFF  }
0xad: {  	[dreg:$0x0] =	wrdreg $0x60  }
0xae: {  	[dreg:$0x2] =	wrdreg s2  }
0xaf: {  	[dreg:$0x3] =	wrdreg s24  }
0xb0: {  	[dreg:$0x4] =	wrdreg $0x0  }
0xb1: {  	[dreg:$0x5] =	wrdreg $0x9  }
0xb2: {  	_ =	task.clear_ibuf [dreg:s7], $0x6FFFF;
	_ =	strace $0x9000004C  }
0xb3: {  	s29 =	simm.s32 $0x9;
	_ =	strace $0x8000004E  }
0xb4: {  	_ =	swait.ge [sflag:s29], $0x1  }
0xb5: {  	[sflag:s29] =	ssyncadd.s32 $0xFFFFFFFF  }
0xb6: {  	_ =	strace $0x9000004E  }
0xb7: {  	_ =	sfence  }
0xb8: {  	s30 =	sld [smem:$0x0];
	_ =	sdelay $0x2  }
0xb9: {  	s31 =	sshll.u32 s1, $0xD;
	s1 =	sshrl.u32 s1, $0x2  }
0xba: {  	s3 =	sand.u32 $0x4000, s31;
	s1 =	sadd.s32 s1, s30  }
0xbb: {  	s0 =	sor.u32 s3, s0;
	s1 =	sshll.u32 s1, $0x11  }
0xbc: {  	s0 =	sor.u32 s1, s0  }
0xbd: {  	s0 =	sadd.s32 $0x8F2B, s0  }
0xbe: {  	[sflag:s0] =	ssyncadd.remote.s32 $0x1  }
0xbf: {  	_ =	sfence.sel $0xFFFF  }
0xc0: {  	[dreg:$0x0] =	wrdreg $0xFFFFFFFF;
	(pc) =	sbr.abs _section_cstart, $3  }
0xc1: {  	[dreg:$0x1] =	wrdreg $0xFFFFFFFF  }
0xc2: {  	_ =	task.clear_ibuf [dreg:s7], $0x2FFFF;
	_ =	strace $0x9FFFFFFF  }
0xc3: {  	(tm) =	ssettm $0x7FFFFFFF  }
tec
execute0_lowered:
.L_overlay_start_1:
0x0: {  	(tag) =	ssettag $0x1  }
0x1: {  	s1 =	rddreg [dreg:$0x0]  }
0x2: {  	s0 =	rddreg [dreg:$0x1]  }
0x3: {  	s2 =	rddreg [dreg:$0x2];
	s3 =	srdreg.scid  }
0x4: {  	s4 =	simm.s32 $0x0;
	s18 =	simm.s32 $0x3;
	s19 =	simm.s32 $0x13880  }
0x5: {  	s20 =	simm.s32 $0x14C80;
	s28 =	simm.s32 $0x2;
	s5 =	sand.u32 $0x1, s3  }
0x6: {  	s29 =	simm.s32 $0x15F80;
	s3 =	stileid.u32;
	s6 =	smul.u32 $0x500, s5  }
0x7: {  	s30 =	simm.s32 $0x16000;
	[smem:$0x7FF] =	sst s4;
	s7 =	smul.u32 $0x50, s3  }
0x8: {  	s15 =	sadd.s32 $0x5CA00, s0;
	s8 =	ssub.s32 $0x2, s5;
	s5 =	smul.u32 $0x138800, s5  }
0x9: {  	s16 =	sadd.s32 $0x4800, s0;
	s0 =	sadd.s32 $0x8DC00, s0;
	s10 =	smul.u32 $0x13800, s3  }
0xa: {  	_ =	strace $0x8000004D;
	s22 =	smul.u32 $0x4E000, s3;
	s9 =	sshrl.u32 s8, $0x1  }
0xb: {  	s24 =	smul.u32 $0x4E200, s3;
	p0 =	seq.s32 s3, $0xF;
	s8 =	ssub.s32 s8, s9  }
0xc: {  	s11 =	sadd.s32 s7, s6;
	s21 =	sadd.s32 s10, s5;
	s23 =	sshrl.u32 s5, $0x3  }
0xd: {  	s25 =	sshrl.u32 s22, $0x2;
	s26 =	sshrl.u32 s24, $0x2;
	s24 =	sadd.s32 $0x124800, s2  }
0xe: {  	s22 =	simm.s32 $0x13900;
	s6 =	sshrl.u32 s21, $0x3;
	s25 =	sadd.s32 s25, s2  }
0xf: {  	s7 =	smax.u32 s8, $0x1;
	s8 =	sadd.s32 s26, s2;
	s31 =	sshll.u32 s11, $0x4  }
0x10: {  	s21 =	simm.s32 $0x7D;
	s24 =	sshrl.u32 @p0 s24, $0x3;
	s26 =	simm.s32 $0x1  }
0x11: {  	s5 =	sadd.s32 s0, s6;
	s0 =	sadd.s32 s0, s23;
	s9 =	sadd.s32 $0x3E80, s8  }
0x12: {  	s10 =	sadd.s32 $0x7D00, s8;
	s11 =	sadd.s32 $0xBB80, s8;
	s12 =	sadd.s32 $0xFA00, s8  }
0x13: {  	s17 =	sadd.s32 $0x280, s31;
	s13 =	sadd.s32 s15, s31;
	s14 =	sadd.s32 s16, s31  }
0x14: {  	s23 =	simm.s32 $0x1A080;
	s25 =	sshrl.u32 @!p0 s25, $0x3;
	s6 =	sadd.s32 $0x24900, s0  }
0x15: {  	v0 =	vimm.f32 $0.0e+00;
	s15 =	sadd.s32 s15, s17;
	s16 =	sadd.s32 s16, s17;
	s17 =	simm.s32 $0x16080  }
.LBB2_1:
0x16: {  	s31 =	simm.s32 $0x0;
	s0 =	simm.s32 $0x200  }
.LBB2_2:
0x17: {  	p1 =	sne.s32 s0, $0xF800;
	[tilespmem:s31+$0x160F0] =	vst v0  }
0x18: {  	[tilespmem:s31+$0x16080] =	vst v0  }
0x19: {  	[tilespmem:s31+$0x16090] =	vst v0  }
.Ltmp0:
0x1a: {  	[tilespmem:s31+$0x160A0] =	vst v0;
	(pc) =	sbr.rel @p1 .LBB2_2-.Ltmp0, $4  }
0x1b: {  	[tilespmem:s31+$0x160B0] =	vst v0  }
0x1c: {  	[tilespmem:s31+$0x160C0] =	vst v0  }
0x1d: {  	[tilespmem:s31+$0x160D0] =	vst v0  }
0x1e: {  	[tilespmem:s31+$0x160E0] =	vst v0;
	s31 =	sshra.s32 s0, $0x2;
	s0 =	sadd.s32 $0x200, s0  }
0x1f: {  	[tilespmem:s31+$0x160F0] =	vst v0  }
0x20: {  	[tilespmem:s31+$0x16080] =	vst v0  }
0x21: {  	[tilespmem:s31+$0x16090] =	vst v0  }
0x22: {  	[tilespmem:s31+$0x160A0] =	vst v0  }
0x23: {  	[tilespmem:s31+$0x160B0] =	vst v0  }
0x24: {  	[tilespmem:s31+$0x160C0] =	vst v0  }
0x25: {  	[tilespmem:s31+$0x160D0] =	vst v0  }
0x26: {  	[tilespmem:s31+$0x160E0] =	vst v0  }
0x27: {  	[spmem:s8] =	stream.linear.scatter [tilespmem:s17], [sflag:$0x3], $0x3E80, $0x38;
	[tilespmem:$0x1E080] =	vst v63  }
0x28: {  	_ =	swait.ge [sflag:s18], $0x3E80  }
0x29: {  	[sflag:s18] =	ssyncset.done $0x0  }
0x2a: {  	[sflag:s18] =	ssyncadd.s32 $0xFFFFC180  }
0x2b: {  	[spmem:s9] =	stream.linear.scatter [tilespmem:s17], [sflag:$0x3], $0x3E80, $0x38;
	[tilespmem:$0x1E080] =	vst v63  }
0x2c: {  	_ =	swait.ge [sflag:s18], $0x3E80  }
0x2d: {  	[sflag:s18] =	ssyncset.done $0x0  }
0x2e: {  	[sflag:s18] =	ssyncadd.s32 $0xFFFFC180  }
0x2f: {  	[spmem:s10] =	stream.linear.scatter [tilespmem:s17], [sflag:$0x3], $0x3E80, $0x38;
	[tilespmem:$0x1E080] =	vst v63  }
0x30: {  	_ =	swait.ge [sflag:s18], $0x3E80  }
0x31: {  	[sflag:s18] =	ssyncset.done $0x0  }
0x32: {  	[sflag:s18] =	ssyncadd.s32 $0xFFFFC180  }
0x33: {  	[spmem:s11] =	stream.linear.scatter [tilespmem:s17], [sflag:$0x3], $0x3E80, $0x38;
	[tilespmem:$0x1E080] =	vst v63  }
0x34: {  	_ =	swait.ge [sflag:s18], $0x3E80  }
0x35: {  	[sflag:s18] =	ssyncset.done $0x0  }
0x36: {  	[sflag:s18] =	ssyncadd.s32 $0xFFFFC180  }
0x37: {  	[spmem:s12] =	stream.linear.scatter [tilespmem:s17], [sflag:$0x3], $0x3E80, $0x38;
	[tilespmem:$0x1E080] =	vst v63  }
0x38: {  	_ =	swait.ge [sflag:s18], $0x3E80  }
0x39: {  	[sflag:s18] =	ssyncset.done $0x0  }
0x3a: {  	[sflag:s18] =	ssyncadd.s32 $0xFFFFC180  }
0x3b: {  	s0 =	simm.s32 $0x0;
	[bflag:$0x0] =	sbarrier.arrive $0xFFFF  }
0x3c: {  	[tilespmem:s19], [sflag:$0x3] =	stream.linear.gather [hbm4b:s13+s0], $0x1400, $0x38;
	[tilespmem:$0x1E080] =	vst v63  }
0x3d: {  	_ =	swait.ge [sflag:s18], $0x1400  }
0x3e: {  	[sflag:s18] =	ssyncset.done $0x0  }
0x3f: {  	[sflag:s18] =	ssyncadd.s32 $0xFFFFEC00  }
0x40: {  	[tilespmem:s20], [sflag:$0x3] =	stream.linear.gather [hbm4b:s14+s0], $0x1400, $0x38;
	[tilespmem:$0x1E080] =	vst v63  }
0x41: {  	_ =	swait.ge [sflag:s18], $0x1400  }
0x42: {  	[sflag:s18] =	ssyncset.done $0x0  }
0x43: {  	[sflag:s18] =	ssyncadd.s32 $0xFFFFEC00  }
0x44: {  	[tilespmem:s17], [sflag:$0x1] =	stream.indirect.gather [hbm4b:s1+s21], $0x80, s19, s21, $0xb8;
	[tilespmem:$0x1E080] =	vst v63  }
0x45: {  	_ = 	snop  }
0x46: {  	[tilespmem:s23], [sflag:$0x2] =	stream.indirect.gather [hbm4b:s1+s21], $0x80, s22, s21, $0xb8;
	[tilespmem:$0x1E080] =	vst v63  }
0x47: {  	_ =	swait.ge [sflag:s26], $0x3E80  }
0x48: {  	[sflag:s26] =	ssyncset.done $0x0  }
0x49: {  	s3 =	simm.s32 $0x14C80;
	[sflag:s26] =	ssyncadd.s32 $0xFFFFC180  }
0x4a: {  	[spmem:s2] =	stream.indirect.scatter.add.f32 [tilespmem:s17], [sflag:$0x3], $0x80, s3, s21, $0xb8;
	[tilespmem:$0x1E080] =	vst v63  }
0x4b: {  	_ =	swait.ge [sflag:s18], $0x3E80  }
0x4c: {  	[sflag:s18] =	ssyncset.done $0x0  }
0x4d: {  	s3 =	simm.s32 $0x13980;
	[sflag:s18] =	ssyncadd.s32 $0xFFFFC180  }
0x4e: {  	[tilespmem:s17], [sflag:$0x1] =	stream.indirect.gather [hbm4b:s1+s21], $0x80, s3, s21, $0xb8;
	[tilespmem:$0x1E080] =	vst v63  }
0x4f: {  	_ =	swait.ge [sflag:s28], $0x3E80  }
0x50: {  	[sflag:s28] =	ssyncset.done $0x0  }
0x51: {  	s3 =	simm.s32 $0x14D00;
	[sflag:s28] =	ssyncadd.s32 $0xFFFFC180  }
0x52: {  	[spmem:s2] =	stream.indirect.scatter.add.f32 [tilespmem:s23], [sflag:$0x3], $0x80, s3, s21, $0xb8;
	[tilespmem:$0x1E080] =	vst v63  }
0x53: {  	_ =	swait.ge [sflag:s18], $0x3E80  }
0x54: {  	[sflag:s18] =	ssyncset.done $0x0  }
0x55: {  	s31 =	simm.s32 $0x400;
	s0 =	simm.s32 $0x13A00;
	[sflag:s18] =	ssyncadd.s32 $0xFFFFC180  }
.LBB2_4:
0x56: {  	[tilespmem:s23], [sflag:$0x2] =	stream.indirect.gather [hbm4b:s1+s21], $0x80, s0, s21, $0xb8;
	[tilespmem:$0x1E080] =	vst v63  }
0x57: {  	s0 =	smov.u32 s31  }
0x58: {  	p1 =	sne.s32 s31, $0x4800;
	s31 =	sadd.s32 $0x400, s31;
	_ =	swait.ge [sflag:s26], $0x3E80  }
0x59: {  	s0 =	sshra.s32 s0, $0x2;
	[sflag:s26] =	ssyncset.done $0x0  }
0x5a: {  	s3 =	sadd.s32 $0x14C80, s0;
	[sflag:s26] =	ssyncadd.s32 $0xFFFFC180  }
0x5b: {  	[spmem:s2] =	stream.indirect.scatter.add.f32 [tilespmem:s17], [sflag:$0x3], $0x80, s3, s21, $0xb8;
	[tilespmem:$0x1E080] =	vst v63  }
0x5c: {  	_ =	swait.ge [sflag:s18], $0x3E80  }
0x5d: {  	[sflag:s18] =	ssyncset.done $0x0  }
0x5e: {  	s3 =	sadd.s32 $0x13980, s0;
	[sflag:s18] =	ssyncadd.s32 $0xFFFFC180  }
0x5f: {  	[tilespmem:s17], [sflag:$0x1] =	stream.indirect.gather [hbm4b:s1+s21], $0x80, s3, s21, $0xb8;
	[tilespmem:$0x1E080] =	vst v63  }
0x60: {  	_ =	swait.ge [sflag:s28], $0x3E80  }
0x61: {  	[sflag:s28] =	ssyncset.done $0x0  }
.Ltmp1:
0x62: {  	s3 =	sadd.s32 $0x14D00, s0;
	[sflag:s28] =	ssyncadd.s32 $0xFFFFC180;
	(pc) =	sbr.rel @p1 .LBB2_4-.Ltmp1, $4  }
0x63: {  	[spmem:s2] =	stream.indirect.scatter.add.f32 [tilespmem:s23], [sflag:$0x3], $0x80, s3, s21, $0xb8;
	[tilespmem:$0x1E080] =	vst v63  }
0x64: {  	_ =	swait.ge [sflag:s18], $0x3E80  }
0x65: {  	[sflag:s18] =	ssyncset.done $0x0  }
0x66: {  	s0 =	sadd.s32 $0x13A00, s0;
	[sflag:s18] =	ssyncadd.s32 $0xFFFFC180  }
0x67: {  	[tilespmem:s23], [sflag:$0x2] =	stream.indirect.gather [hbm4b:s1+s21], $0x80, s0, s21, $0xb8;
	[tilespmem:$0x1E080] =	vst v63  }
0x68: {  	_ =	swait.ge [sflag:s26], $0x3E80  }
0x69: {  	[sflag:s26] =	ssyncset.done $0x0  }
0x6a: {  	[sflag:s26] =	ssyncadd.s32 $0xFFFFC180  }
0x6b: {  	[spmem:s2] =	stream.indirect.scatter.add.f32 [tilespmem:s17], [sflag:$0x3], $0x80, s29, s21, $0xb8;
	[tilespmem:$0x1E080] =	vst v63  }
0x6c: {  	_ =	swait.ge [sflag:s18], $0x3E80  }
0x6d: {  	[sflag:s18] =	ssyncset.done $0x0  }
0x6e: {  	[sflag:s18] =	ssyncadd.s32 $0xFFFFC180  }
0x6f: {  	_ =	swait.ge [sflag:s28], $0x3E80  }
0x70: {  	[sflag:s28] =	ssyncset.done $0x0  }
0x71: {  	[sflag:s28] =	ssyncadd.s32 $0xFFFFC180  }
0x72: {  	[spmem:s2] =	stream.indirect.scatter.add.f32 [tilespmem:s23], [sflag:$0x3], $0x80, s30, s21, $0xb8;
	[tilespmem:$0x1E080] =	vst v63  }
0x73: {  	_ =	swait.ge [sflag:s18], $0x3E80  }
0x74: {  	[sflag:s18] =	ssyncset.done $0x0  }
0x75: {  	s3 =	simm.s32 $0x0;
	[sflag:s18] =	ssyncadd.s32 $0xFFFFC180  }
0x76: {  	[tilespmem:s19], [sflag:$0x3] =	stream.linear.gather [hbm4b:s15+s3], $0x1400, $0x38;
	[tilespmem:$0x1E080] =	vst v63  }
0x77: {  	_ =	swait.ge [sflag:s18], $0x1400  }
0x78: {  	[sflag:s18] =	ssyncset.done $0x0  }
0x79: {  	[sflag:s18] =	ssyncadd.s32 $0xFFFFEC00  }
0x7a: {  	[tilespmem:s20], [sflag:$0x3] =	stream.linear.gather [hbm4b:s16+s3], $0x1400, $0x38;
	[tilespmem:$0x1E080] =	vst v63  }
0x7b: {  	_ =	swait.ge [sflag:s18], $0x1400  }
0x7c: {  	[sflag:s18] =	ssyncset.done $0x0  }
0x7d: {  	[sflag:s18] =	ssyncadd.s32 $0xFFFFEC00  }
0x7e: {  	[tilespmem:s17], [sflag:$0x1] =	stream.indirect.gather [hbm4b:s1+s21], $0x80, s19, s21, $0xb8;
	[tilespmem:$0x1E080] =	vst v63  }
0x7f: {  	_ = 	snop  }
0x80: {  	[tilespmem:s23], [sflag:$0x2] =	stream.indirect.gather [hbm4b:s1+s21], $0x80, s22, s21, $0xb8;
	[tilespmem:$0x1E080] =	vst v63  }
0x81: {  	_ =	swait.ge [sflag:s26], $0x3E80  }
0x82: {  	[sflag:s26] =	ssyncset.done $0x0  }
0x83: {  	s3 =	simm.s32 $0x14C80;
	[sflag:s26] =	ssyncadd.s32 $0xFFFFC180  }
0x84: {  	[spmem:s2] =	stream.indirect.scatter.add.f32 [tilespmem:s17], [sflag:$0x3], $0x80, s3, s21, $0xb8;
	[tilespmem:$0x1E080] =	vst v63  }
0x85: {  	_ =	swait.ge [sflag:s18], $0x3E80  }
0x86: {  	[sflag:s18] =	ssyncset.done $0x0  }
0x87: {  	s3 =	simm.s32 $0x13980;
	[sflag:s18] =	ssyncadd.s32 $0xFFFFC180  }
0x88: {  	[tilespmem:s17], [sflag:$0x1] =	stream.indirect.gather [hbm4b:s1+s21], $0x80, s3, s21, $0xb8;
	[tilespmem:$0x1E080] =	vst v63  }
0x89: {  	_ =	swait.ge [sflag:s28], $0x3E80  }
0x8a: {  	[sflag:s28] =	ssyncset.done $0x0  }
0x8b: {  	s3 =	simm.s32 $0x14D00;
	[sflag:s28] =	ssyncadd.s32 $0xFFFFC180  }
0x8c: {  	[spmem:s2] =	stream.indirect.scatter.add.f32 [tilespmem:s23], [sflag:$0x3], $0x80, s3, s21, $0xb8;
	[tilespmem:$0x1E080] =	vst v63  }
0x8d: {  	_ =	swait.ge [sflag:s18], $0x3E80  }
0x8e: {  	[sflag:s18] =	ssyncset.done $0x0  }
0x8f: {  	s31 =	simm.s32 $0x400;
	s0 =	simm.s32 $0x13A00;
	[sflag:s18] =	ssyncadd.s32 $0xFFFFC180  }
.LBB2_6:
0x90: {  	[tilespmem:s23], [sflag:$0x2] =	stream.indirect.gather [hbm4b:s1+s21], $0x80, s0, s21, $0xb8;
	[tilespmem:$0x1E080] =	vst v63  }
0x91: {  	s0 =	smov.u32 s31  }
0x92: {  	p1 =	sne.s32 s31, $0x4800;
	s31 =	sadd.s32 $0x400, s31;
	_ =	swait.ge [sflag:s26], $0x3E80  }
0x93: {  	s0 =	sshra.s32 s0, $0x2;
	[sflag:s26] =	ssyncset.done $0x0  }
0x94: {  	s3 =	sadd.s32 $0x14C80, s0;
	[sflag:s26] =	ssyncadd.s32 $0xFFFFC180  }
0x95: {  	[spmem:s2] =	stream.indirect.scatter.add.f32 [tilespmem:s17], [sflag:$0x3], $0x80, s3, s21, $0xb8;
	[tilespmem:$0x1E080] =	vst v63  }
0x96: {  	_ =	swait.ge [sflag:s18], $0x3E80  }
0x97: {  	[sflag:s18] =	ssyncset.done $0x0  }
0x98: {  	s3 =	sadd.s32 $0x13980, s0;
	[sflag:s18] =	ssyncadd.s32 $0xFFFFC180  }
0x99: {  	[tilespmem:s17], [sflag:$0x1] =	stream.indirect.gather [hbm4b:s1+s21], $0x80, s3, s21, $0xb8;
	[tilespmem:$0x1E080] =	vst v63  }
0x9a: {  	_ =	swait.ge [sflag:s28], $0x3E80  }
0x9b: {  	[sflag:s28] =	ssyncset.done $0x0  }
.Ltmp2:
0x9c: {  	s3 =	sadd.s32 $0x14D00, s0;
	[sflag:s28] =	ssyncadd.s32 $0xFFFFC180;
	(pc) =	sbr.rel @p1 .LBB2_6-.Ltmp2, $4  }
0x9d: {  	[spmem:s2] =	stream.indirect.scatter.add.f32 [tilespmem:s23], [sflag:$0x3], $0x80, s3, s21, $0xb8;
	[tilespmem:$0x1E080] =	vst v63  }
0x9e: {  	_ =	swait.ge [sflag:s18], $0x3E80  }
0x9f: {  	[sflag:s18] =	ssyncset.done $0x0  }
0xa0: {  	s0 =	sadd.s32 $0x13A00, s0;
	[sflag:s18] =	ssyncadd.s32 $0xFFFFC180  }
0xa1: {  	[tilespmem:s23], [sflag:$0x2] =	stream.indirect.gather [hbm4b:s1+s21], $0x80, s0, s21, $0xb8;
	[tilespmem:$0x1E080] =	vst v63  }
0xa2: {  	_ =	swait.ge [sflag:s26], $0x3E80  }
0xa3: {  	[sflag:s26] =	ssyncset.done $0x0  }
0xa4: {  	[sflag:s26] =	ssyncadd.s32 $0xFFFFC180  }
0xa5: {  	[spmem:s2] =	stream.indirect.scatter.add.f32 [tilespmem:s17], [sflag:$0x3], $0x80, s29, s21, $0xb8;
	[tilespmem:$0x1E080] =	vst v63  }
0xa6: {  	_ =	swait.ge [sflag:s18], $0x3E80  }
0xa7: {  	[sflag:s18] =	ssyncset.done $0x0  }
0xa8: {  	[sflag:s18] =	ssyncadd.s32 $0xFFFFC180  }
0xa9: {  	_ =	swait.ge [sflag:s28], $0x3E80  }
0xaa: {  	[sflag:s28] =	ssyncset.done $0x0  }
0xab: {  	[sflag:s28] =	ssyncadd.s32 $0xFFFFC180  }
0xac: {  	[spmem:s2] =	stream.indirect.scatter.add.f32 [tilespmem:s23], [sflag:$0x3], $0x80, s30, s21, $0xb8;
	[tilespmem:$0x1E080] =	vst v63  }
0xad: {  	_ =	swait.ge [sflag:s18], $0x3E80  }
0xae: {  	[sflag:s18] =	ssyncset.done $0x0  }
0xaf: {  	[sflag:s18] =	ssyncadd.s32 $0xFFFFC180  }
0xb0: {  	s0 =	simm.s32 @p0 $0x1FC3;
	[bflag:$0x0] =	sbarrier.arrive $0xFFFF  }
0xb1: {  	[hbm:s6], [sflag:s0] =	dma.local @p0 [spmem:s24], $0x2800  }
0xb2: {  	s0 =	simm.s32 @p0 $0x3  }
0xb3: {  	s3 =	stileid.u32;
	_ =	swait.ge @p0 [sflag:s0], $0x2800  }
0xb4: {  	s4 =	sadd.s32 $0x1, s4;
	s3 =	sshll.u32 @!p0 s3, $0x6;
	[sflag:s0] =	ssyncset.done @p0 $0x0  }
0xb5: {  	p1 =	sne.s32 s4, s7;
	[sflag:s0] =	ssyncadd.s32 @p0 $0xFFFFD800;
	s0 =	sor.u32 @!p0 $0x1C03, s3  }
0xb6: {  	[hbm:s5], [sflag:s0] =	dma.local @!p0 [spmem:s25], $0x2700  }
.Ltmp3:
0xb7: {  	_ = 	snop;
	(pc) =	sbr.rel @p1 .LBB2_1-.Ltmp3, $4  }
0xb8: {  	s0 =	simm.s32 @!p0 $0x3  }
0xb9: {  	_ =	swait.ge @!p0 [sflag:s0], $0x2700  }
0xba: {  	[sflag:s0] =	ssyncset.done @!p0 $0x0  }
0xbb: {  	[sflag:s0] =	ssyncadd.s32 @!p0 $0xFFFFD900  }
0xbc: {  	_ =	sfence.sel $0x180000  }
0xbd: {  	[bflag:$0x0] =	sbarrier.arrive $0xFFFF  }
0xbe: {  	_ =	strace $0x9000004D  }
0xbf: {  	s0 =	stileid.u32;
	[bflag:$0x2] =	sbarrier.arrive $0xFFFF  }
0xc0: {  	p0 =	sne.s32 s0, $0x0;
	s0 =	rddreg [dreg:$0x3]  }
0xc1: {  	s0 =	sadd.s32 @!p0 $0x100000, s0  }
0xc2: {  	[sflag:s0] =	ssyncadd.tile.s32 @!p0 $0x1;
	_ =	shalt  }
.Lfunc_end2:
_tile_overlayer_lowered:
.L_overlay_start_2:
0xc3: {  	(tag) =	ssettag $0x2  }
0xc4: {  	s0 =	rddreg [dreg:$0x0];
	s2 =	stileid.u32  }
0xc5: {  	s1 =	rddreg [dreg:$0x1];
	p0 =	sne.s32 s2, $0x0  }
0xc6: {  	s3 =	rddreg [dreg:$0x2];
	[bflag:$0x3] =	sbarrier.arrive $0xFFFF;
	s2 =	simm.s32 @!p0 $0x1C03  }
0xc7: {  	[timem:s3], [sflag:s2] =	dma.local @!p0 [hbm:s0], s1  }
0xc8: {  	s0 =	simm.s32 @!p0 $0x3  }
0xc9: {  	_ =	swait.ge @!p0 [sflag:s0], s1  }
0xca: {  	s1 =	ssub.s32 @!p0 $0x0, s1;
	[sflag:s0] =	ssyncset.done @!p0 $0x0  }
0xcb: {  	[sflag:s0] =	ssyncadd.s32 @!p0 s1  }
0xcc: {  	[bflag:$0x3] =	sbarrier.arrive $0xFFFF  }
0xcd: {  	_ =	shalt  }

// kernel: kernel.20.cloned.1.call-start
scs
__scs_entry_jumppad:
0x0: {  	(pc) =	sbr.rel $0x88, $3  }
0x1: {  	(tag) =	ssettag $0x0;
	lr =	simm.s32 $0x1  }
0x2: {  	[smem:$0x3F99] =	sst lr;
	_ =	strace $0xD0000000  }
0x3: {  	_ = 	snop  }
0x4: {  	_ = 	snop  }
0x5: {  	_ = 	snop  }
0x6: {  	_ = 	snop  }
0x7: {  	_ = 	snop  }
__scs_overlays_trampoline_lowered:
0x8: {  	[smem:$0x3FA8] =	sst s0  }
0x9: {  	[smem:$0x3FA9] =	sst s1  }
0xa: {  	[smem:$0x3FAA] =	sst s2  }
0xb: {  	[smem:$0x3FAB] =	sst s3  }
0xc: {  	[smem:$0x3FAC] =	sst s4  }
0xd: {  	[smem:$0x3FAD] =	sst s5  }
0xe: {  	[smem:$0x3FAE] =	sst s6  }
0xf: {  	[smem:$0x3FAF] =	sst s7  }
0x10: {  	[smem:$0x3FB0] =	sst s8  }
0x11: {  	[smem:$0x3FB1] =	sst s9;
	s0 =	simm.s32 @!p0 $0x0  }
0x12: {  	s1 =	sld [smem:$0x3F97];
	s0 =	simm.s32 @p0 $0x1  }
0x13: {  	[smem:$0x3FB2] =	sst s0;
	s0 =	simm.s32 @!p1 $0x0  }
0x14: {  	s2 =	sld [smem:$0x3F96];
	s0 =	simm.s32 @p1 $0x1  }
0x15: {  	[smem:$0x3FB3] =	sst s0;
	s0 =	simm.s32 @!p2 $0x0  }
0x16: {  	s3 =	sld [smem:$0x3FDB];
	s0 =	simm.s32 @p2 $0x1  }
0x17: {  	s4 =	simm.s32 $0x1BF5;
	[smem:$0x3FB5] =	sst s0  }
0x18: {  	s0 =	sld [smem:$0x3F98];
	_ =	swait.ge [sflag:s4], $0x0  }
0x19: {  	s7 =	sld [smem:$0x3F99]  }
0x1a: {  	s8 =	sadd.s32 $0xFFFFE003, lr  }
0x1b: {  	s9 =	sadd.s32 $0xFFFFFEF7, lr;
	s5 =	simm.s32 $0xFFFFFFFF;
	p2 =	slt.u32 s8, $0xFFFFF086  }
0x1c: {  	p1 =	slt.u32 s9, $0xF7A;
	s5 =	simm.s32 @!p2 $0x0  }
0x1d: {  	s5 =	simm.s32 @p1 $0x1;
	p0 =	seq.s32 s7, s2  }
0x1e: {  	s7 =	smul.u32 @!p0 $0xF7A, s2;
	p2 =	seq.s32 @!p0 s5, $0x0  }
0x1f: {  	s9 =	smul.u32 $0xF7A, s1;
	s8 =	simm.s32 @!p0 $0x1BF5;
	p2 =	por !p2, p0  }
0x20: {  	[sflag:s8] =	ssyncset.s32 @!p0 $0xFFFFF086;
	s6 =	sadd.s32 @!p0 s3, s7;
	s7 =	simm.s32 @!p0 $0x108  }
0x21: {  	s3 =	sadd.s32 s3, s9;
	s6 =	sadd.s32 @!p0 $0x88, s6;
	s7 =	simm.s32 @p2 $0x1082  }
0x22: {  	[simem:s7], [sflag:s8] =	dma.local @!p0 [hbm:s6], $0xF7A  }
0x23: {  	s9 =	sor.u32 $0xD0000000, s2;
	s6 =	simm.s32 $0x108;
	_ =	swait.ge @!p0 [sflag:s8], $0x0  }
0x24: {  	s3 =	sadd.s32 $0x88, s3;
	s6 =	simm.s32 @!p1 $0x1082;
	[sflag:s4] =	ssyncset.s32 $0xFFFFF086  }
0x25: {  	[simem:s6], [sflag:s4] =	dma.local [hbm:s3], $0xF7A  }
0x26: {  	[smem:$0x3F99] =	sst s1;
	(tag) =	ssettag s2;
	_ =	strace s9  }
0x27: {  	s1 =	sld [smem:$0x3FA9]  }
0x28: {  	s2 =	sld [smem:$0x3FAA]  }
0x29: {  	s4 =	sld [smem:$0x3FAC]  }
0x2a: {  	p0 =	seq.s32 s5, $0x0;
	s5 =	sld [smem:$0x3FAD]  }
0x2b: {  	s6 =	sld [smem:$0x3FAE]  }
0x2c: {  	s7 =	sld [smem:$0x3FAF]  }
0x2d: {  	s3 =	simm.s32 $0x108;
	s8 =	sld [smem:$0x3FB0]  }
0x2e: {  	s3 =	simm.s32 @!p0 $0x1082;
	s9 =	sld [smem:$0x3FB1]  }
0x2f: {  	lr =	sadd.s32 s0, s3;
	s0 =	sld [smem:$0x3FA8]  }
0x30: {  	s3 =	sld [smem:$0x3FAB]  }
0x31: {  	[smem:$0x3FB4] =	sst s10  }
0x32: {  	s10 =	sld [smem:$0x3FB2];
	_ =	sdelay $0x3  }
0x33: {  	p0 =	seq.s32 s10, $0x1;
	s10 =	sld [smem:$0x3FB4];
	_ =	sdelay $0x3  }
0x34: {  	[smem:$0x3FB4] =	sst s10  }
0x35: {  	s10 =	sld [smem:$0x3FB3];
	_ =	sdelay $0x3  }
0x36: {  	p1 =	seq.s32 s10, $0x1;
	s10 =	sld [smem:$0x3FB4];
	_ =	sdelay $0x3  }
0x37: {  	[smem:$0x3FB4] =	sst s10  }
0x38: {  	s10 =	sld [smem:$0x3FB5]  }
0x39: {  	_ = 	snop;
	(pc) =	sbr.ind lr, $3  }
0x3a: {  	_ = 	snop  }
0x3b: {  	_ = 	snop  }
0x3c: {  	p2 =	seq.s32 s10, $0x1;
	s10 =	sld [smem:$0x3FB4]  }
0x3d: {  	_ =	shalt  }
0x3e: {  	_ =	shalt  }
0x3f: {  	_ =	shalt  }
0x40: {  	_ =	shalt  }
0x41: {  	_ =	shalt  }
0x42: {  	_ =	shalt  }
0x43: {  	_ =	shalt  }
0x44: {  	_ =	shalt  }
0x45: {  	_ =	shalt  }
0x46: {  	_ =	shalt  }
0x47: {  	_ =	shalt  }
0x48: {  	_ =	shalt  }
0x49: {  	_ =	shalt  }
0x4a: {  	_ =	shalt  }
0x4b: {  	_ =	shalt  }
0x4c: {  	_ =	shalt  }
0x4d: {  	_ =	shalt  }
0x4e: {  	_ =	shalt  }
0x4f: {  	_ =	shalt  }
0x50: {  	_ =	shalt  }
0x51: {  	_ =	shalt  }
0x52: {  	_ =	shalt  }
0x53: {  	_ =	shalt  }
0x54: {  	_ =	shalt  }
0x55: {  	_ =	shalt  }
0x56: {  	_ =	shalt  }
0x57: {  	_ =	shalt  }
0x58: {  	_ =	shalt  }
0x59: {  	_ =	shalt  }
0x5a: {  	_ =	shalt  }
0x5b: {  	_ =	shalt  }
0x5c: {  	_ =	shalt  }
0x5d: {  	_ =	shalt  }
0x5e: {  	_ =	shalt  }
0x5f: {  	_ =	shalt  }
0x60: {  	_ =	shalt  }
0x61: {  	_ =	shalt  }
0x62: {  	_ =	shalt  }
0x63: {  	_ =	shalt  }
0x64: {  	_ =	shalt  }
0x65: {  	_ =	shalt  }
0x66: {  	_ =	shalt  }
0x67: {  	_ =	shalt  }
0x68: {  	_ =	shalt  }
0x69: {  	_ =	shalt  }
0x6a: {  	_ =	shalt  }
0x6b: {  	_ =	shalt  }
0x6c: {  	_ =	shalt  }
0x6d: {  	_ =	shalt  }
0x6e: {  	_ =	shalt  }
0x6f: {  	_ =	shalt  }
0x70: {  	_ =	shalt  }
0x71: {  	_ =	shalt  }
0x72: {  	_ =	shalt  }
0x73: {  	_ =	shalt  }
0x74: {  	_ =	shalt  }
0x75: {  	_ =	shalt  }
0x76: {  	_ =	shalt  }
0x77: {  	_ =	shalt  }
0x78: {  	_ =	shalt  }
0x79: {  	_ =	shalt  }
0x7a: {  	_ =	shalt  }
0x7b: {  	_ =	shalt  }
0x7c: {  	_ =	shalt  }
0x7d: {  	_ =	shalt  }
0x7e: {  	_ =	shalt  }
0x7f: {  	_ =	shalt  }
0x80: {  	_ =	shalt  }
0x81: {  	_ =	shalt  }
0x82: {  	_ =	shalt  }
0x83: {  	_ =	shalt  }
0x84: {  	_ =	shalt  }
0x85: {  	_ =	shalt  }
0x86: {  	_ =	shalt  }
0x87: {  	_ =	shalt  }
.Lfunc_end0:
.L_simem_size_0:
called_computation.3_lowered:
.L_overlay_start_0:
0x88: {  	s2 =	sld [smem:$0x3FD9]  }
0x89: {  	s3 =	sld [smem:$0x3FFE];
	_ =	sdelay $0x1  }
0x8a: {  	s1 =	srdreg.scid  }
0x8b: {  	s0 =	sand.u32 $0x1, s1  }
0x8c: {  	s17 =	sshll.u32 s0, $0xA;
	s2 =	sadd.s32 s3, s2  }
0x8d: {  	s2 =	sadd.s32 s2, s17  }
0x8e: {  	[smem:$0x3FC0] =	sst s2  }
0x8f: {  	_ = 	snop  }
0x90: {  	s2 =	sld [smem:$0x3FD0];
	(tm) =	ssettm $0x1  }
0x91: {  	s18 =	sld [smem:$0x3FFB];
	_ =	sdelay $0x3  }
0x92: {  	_ =	strace s18  }
0x93: {  	s3 =	sld [smem:$0x3FFC];
	_ =	sdelay $0x3  }
0x94: {  	_ =	strace s3  }
0x95: {  	s3 =	sld [smem:$0x3FFD];
	_ =	sdelay $0x3  }
0x96: {  	_ =	strace s3  }
0x97: {  	_ =	strace $0x8FFFFFFF  }
0x98: {  	s19 =	sld [smem:$0x3FDB];
	_ =	sdelay $0x1  }
0x99: {  	s4 =	simm.s32 $_scs_section_size  }
0x9a: {  	s5 =	simm.s32 $_size__tile_overlayer_lowered;
	s6 =	simm.s32 $_tile_overlayer_lowered  }
0x9b: {  	s22 =	simm.s32 $0x1BFF;
	s21 =	sshll.u32 s6, $0x1;
	s3 =	sadd.s32 s4, s19  }
0x9c: {  	s7 =	simm.s32 $0x0;
	s20 =	sshll.u32 s5, $0x1;
	s5 =	sadd.s32 s21, s3  }
0x9d: {  	[timem:s7], [sflag:s22] =	dma.local [hbm:s5], s20  }
0x9e: {  	_ =	swait.ge [sflag:s22], s20  }
0x9f: {  	s4 =	ssub.s32 $0x0, s20;
	[sflag:s22] =	ssyncset.done $0x0  }
0xa0: {  	[sflag:s22] =	ssyncadd.s32 s4;
	_ =	sdelay $0x1  }
0xa1: {  	s23 =	simm.s32 $0x1B8B  }
0xa2: {  	_ =	swait.ge [sflag:s23], $0x1  }
0xa3: {  	[sflag:s23] =	ssyncset.done $0x0  }
0xa4: {  	s25 =	simm.s32 $0x1B8E;
	s24 =	sld [smem:$0x3FFE];
	[sflag:s23] =	ssyncadd.s32 $0xFFFFFFFF  }
0xa5: {  	s26 =	simm.s32 $execute0_lowered;
	[smem:$0x3FD2] =	sst s25  }
0xa6: {  	s5 =	sshll.u32 s26, $0x1;
	_ =	strace $0x8000004F;
	[dreg:$0x1] =	wrdreg $0xFFFFFFFF  }
0xa7: {  	s28 =	simm.s32 $_size_execute0_lowered;
	s3 =	sadd.s32 s3, s5;
	[dreg:$0x0] =	wrdreg $0x0  }
0xa8: {  	s5 =	sshll.u32 s28, $0x1;
	[dreg:$0x2] =	wrdreg s3  }
0xa9: {  	[dreg:$0x3] =	wrdreg s5  }
0xaa: {  	[dreg:$0x4] =	wrdreg $0xC0  }
0xab: {  	_ =	task [dreg:s7], $0x5FFFF  }
0xac: {  	[dreg:$0x1] =	wrdreg $0xFFFFFFFF  }
0xad: {  	[dreg:$0x0] =	wrdreg $0x60  }
0xae: {  	[dreg:$0x2] =	wrdreg s2  }
0xaf: {  	[dreg:$0x3] =	wrdreg s24  }
0xb0: {  	[dreg:$0x4] =	wrdreg $0x0  }
0xb1: {  	[dreg:$0x5] =	wrdreg $0x9  }
0xb2: {  	_ =	task.clear_ibuf [dreg:s7], $0x6FFFF;
	_ =	strace $0x9000004F  }
0xb3: {  	s29 =	simm.s32 $0x9;
	_ =	strace $0x80000051  }
0xb4: {  	_ =	swait.ge [sflag:s29], $0x1  }
0xb5: {  	[sflag:s29] =	ssyncadd.s32 $0xFFFFFFFF  }
0xb6: {  	_ =	strace $0x90000051  }
0xb7: {  	_ =	sfence  }
0xb8: {  	s30 =	sld [smem:$0x0];
	_ =	sdelay $0x2  }
0xb9: {  	s31 =	sshll.u32 s1, $0xD;
	s1 =	sshrl.u32 s1, $0x2  }
0xba: {  	s3 =	sand.u32 $0x4000, s31;
	s1 =	sadd.s32 s1, s30  }
0xbb: {  	s0 =	sor.u32 s3, s0;
	s1 =	sshll.u32 s1, $0x11  }
0xbc: {  	s0 =	sor.u32 s1, s0  }
0xbd: {  	s0 =	sadd.s32 $0x8F2B, s0  }
0xbe: {  	[sflag:s0] =	ssyncadd.remote.s32 $0x1  }
0xbf: {  	_ =	sfence.sel $0xFFFF  }
0xc0: {  	[dreg:$0x0] =	wrdreg $0xFFFFFFFF;
	(pc) =	sbr.abs _section_cstart, $3  }
0xc1: {  	[dreg:$0x1] =	wrdreg $0xFFFFFFFF  }
0xc2: {  	_ =	task.clear_ibuf [dreg:s7], $0x2FFFF;
	_ =	strace $0x9FFFFFFF  }
0xc3: {  	(tm) =	ssettm $0x7FFFFFFF  }
tec
execute0_lowered:
.L_overlay_start_1:
0x0: {  	(tag) =	ssettag $0x1  }
0x1: {  	s1 =	rddreg [dreg:$0x0]  }
0x2: {  	s0 =	rddreg [dreg:$0x1]  }
0x3: {  	s2 =	rddreg [dreg:$0x2];
	s3 =	srdreg.scid  }
0x4: {  	s4 =	simm.s32 $0x0;
	s18 =	simm.s32 $0x3;
	s19 =	simm.s32 $0x13880  }
0x5: {  	s20 =	simm.s32 $0x14C80;
	s28 =	simm.s32 $0x2;
	s5 =	sand.u32 $0x1, s3  }
0x6: {  	s29 =	simm.s32 $0x15F80;
	s3 =	stileid.u32;
	s6 =	smul.u32 $0x500, s5  }
0x7: {  	s30 =	simm.s32 $0x16000;
	[smem:$0x7FF] =	sst s4;
	s7 =	smul.u32 $0x50, s3  }
0x8: {  	s15 =	sadd.s32 $0x5CA00, s0;
	s8 =	ssub.s32 $0x2, s5;
	s5 =	smul.u32 $0x138800, s5  }
0x9: {  	s16 =	sadd.s32 $0x4800, s0;
	s0 =	sadd.s32 $0x8DC00, s0;
	s10 =	smul.u32 $0x13800, s3  }
0xa: {  	_ =	strace $0x80000050;
	s22 =	smul.u32 $0x4E000, s3;
	s9 =	sshrl.u32 s8, $0x1  }
0xb: {  	s24 =	smul.u32 $0x4E200, s3;
	p0 =	seq.s32 s3, $0xF;
	s8 =	ssub.s32 s8, s9  }
0xc: {  	s11 =	sadd.s32 s7, s6;
	s21 =	sadd.s32 s10, s5;
	s23 =	sshrl.u32 s5, $0x3  }
0xd: {  	s25 =	sshrl.u32 s22, $0x2;
	s26 =	sshrl.u32 s24, $0x2;
	s24 =	sadd.s32 $0x124800, s2  }
0xe: {  	s22 =	simm.s32 $0x13900;
	s6 =	sshrl.u32 s21, $0x3;
	s25 =	sadd.s32 s25, s2  }
0xf: {  	s7 =	smax.u32 s8, $0x1;
	s8 =	sadd.s32 s26, s2;
	s31 =	sshll.u32 s11, $0x4  }
0x10: {  	s21 =	simm.s32 $0x7D;
	s24 =	sshrl.u32 @p0 s24, $0x3;
	s26 =	simm.s32 $0x1  }
0x11: {  	s5 =	sadd.s32 s0, s6;
	s0 =	sadd.s32 s0, s23;
	s9 =	sadd.s32 $0x3E80, s8  }
0x12: {  	s10 =	sadd.s32 $0x7D00, s8;
	s11 =	sadd.s32 $0xBB80, s8;
	s12 =	sadd.s32 $0xFA00, s8  }
0x13: {  	s17 =	sadd.s32 $0x280, s31;
	s13 =	sadd.s32 s15, s31;
	s14 =	sadd.s32 s16, s31  }
0x14: {  	s23 =	simm.s32 $0x1A080;
	s25 =	sshrl.u32 @!p0 s25, $0x3;
	s6 =	sadd.s32 $0x24900, s0  }
0x15: {  	v0 =	vimm.f32 $0.0e+00;
	s15 =	sadd.s32 s15, s17;
	s16 =	sadd.s32 s16, s17;
	s17 =	simm.s32 $0x16080  }
.LBB2_1:
0x16: {  	s31 =	simm.s32 $0x0;
	s0 =	simm.s32 $0x200  }
.LBB2_2:
0x17: {  	p1 =	sne.s32 s0, $0xF800;
	[tilespmem:s31+$0x160F0] =	vst v0  }
0x18: {  	[tilespmem:s31+$0x16080] =	vst v0  }
0x19: {  	[tilespmem:s31+$0x16090] =	vst v0  }
.Ltmp0:
0x1a: {  	[tilespmem:s31+$0x160A0] =	vst v0;
	(pc) =	sbr.rel @p1 .LBB2_2-.Ltmp0, $4  }
0x1b: {  	[tilespmem:s31+$0x160B0] =	vst v0  }
0x1c: {  	[tilespmem:s31+$0x160C0] =	vst v0  }
0x1d: {  	[tilespmem:s31+$0x160D0] =	vst v0  }
0x1e: {  	[tilespmem:s31+$0x160E0] =	vst v0;
	s31 =	sshra.s32 s0, $0x2;
	s0 =	sadd.s32 $0x200, s0  }
0x1f: {  	[tilespmem:s31+$0x160F0] =	vst v0  }
0x20: {  	[tilespmem:s31+$0x16080] =	vst v0  }
0x21: {  	[tilespmem:s31+$0x16090] =	vst v0  }
0x22: {  	[tilespmem:s31+$0x160A0] =	vst v0  }
0x23: {  	[tilespmem:s31+$0x160B0] =	vst v0  }
0x24: {  	[tilespmem:s31+$0x160C0] =	vst v0  }
0x25: {  	[tilespmem:s31+$0x160D0] =	vst v0  }
0x26: {  	[tilespmem:s31+$0x160E0] =	vst v0  }
0x27: {  	[spmem:s8] =	stream.linear.scatter [tilespmem:s17], [sflag:$0x3], $0x3E80, $0x38;
	[tilespmem:$0x1E080] =	vst v63  }
0x28: {  	_ =	swait.ge [sflag:s18], $0x3E80  }
0x29: {  	[sflag:s18] =	ssyncset.done $0x0  }
0x2a: {  	[sflag:s18] =	ssyncadd.s32 $0xFFFFC180  }
0x2b: {  	[spmem:s9] =	stream.linear.scatter [tilespmem:s17], [sflag:$0x3], $0x3E80, $0x38;
	[tilespmem:$0x1E080] =	vst v63  }
0x2c: {  	_ =	swait.ge [sflag:s18], $0x3E80  }
0x2d: {  	[sflag:s18] =	ssyncset.done $0x0  }
0x2e: {  	[sflag:s18] =	ssyncadd.s32 $0xFFFFC180  }
0x2f: {  	[spmem:s10] =	stream.linear.scatter [tilespmem:s17], [sflag:$0x3], $0x3E80, $0x38;
	[tilespmem:$0x1E080] =	vst v63  }
0x30: {  	_ =	swait.ge [sflag:s18], $0x3E80  }
0x31: {  	[sflag:s18] =	ssyncset.done $0x0  }
0x32: {  	[sflag:s18] =	ssyncadd.s32 $0xFFFFC180  }
0x33: {  	[spmem:s11] =	stream.linear.scatter [tilespmem:s17], [sflag:$0x3], $0x3E80, $0x38;
	[tilespmem:$0x1E080] =	vst v63  }
0x34: {  	_ =	swait.ge [sflag:s18], $0x3E80  }
0x35: {  	[sflag:s18] =	ssyncset.done $0x0  }
0x36: {  	[sflag:s18] =	ssyncadd.s32 $0xFFFFC180  }
0x37: {  	[spmem:s12] =	stream.linear.scatter [tilespmem:s17], [sflag:$0x3], $0x3E80, $0x38;
	[tilespmem:$0x1E080] =	vst v63  }
0x38: {  	_ =	swait.ge [sflag:s18], $0x3E80  }
0x39: {  	[sflag:s18] =	ssyncset.done $0x0  }
0x3a: {  	[sflag:s18] =	ssyncadd.s32 $0xFFFFC180  }
0x3b: {  	s0 =	simm.s32 $0x0;
	[bflag:$0x0] =	sbarrier.arrive $0xFFFF  }
0x3c: {  	[tilespmem:s19], [sflag:$0x3] =	stream.linear.gather [hbm4b:s13+s0], $0x1400, $0x38;
	[tilespmem:$0x1E080] =	vst v63  }
0x3d: {  	_ =	swait.ge [sflag:s18], $0x1400  }
0x3e: {  	[sflag:s18] =	ssyncset.done $0x0  }
0x3f: {  	[sflag:s18] =	ssyncadd.s32 $0xFFFFEC00  }
0x40: {  	[tilespmem:s20], [sflag:$0x3] =	stream.linear.gather [hbm4b:s14+s0], $0x1400, $0x38;
	[tilespmem:$0x1E080] =	vst v63  }
0x41: {  	_ =	swait.ge [sflag:s18], $0x1400  }
0x42: {  	[sflag:s18] =	ssyncset.done $0x0  }
0x43: {  	[sflag:s18] =	ssyncadd.s32 $0xFFFFEC00  }
0x44: {  	[tilespmem:s17], [sflag:$0x1] =	stream.indirect.gather [hbm4b:s1+s21], $0x80, s19, s21, $0xb8;
	[tilespmem:$0x1E080] =	vst v63  }
0x45: {  	_ = 	snop  }
0x46: {  	[tilespmem:s23], [sflag:$0x2] =	stream.indirect.gather [hbm4b:s1+s21], $0x80, s22, s21, $0xb8;
	[tilespmem:$0x1E080] =	vst v63  }
0x47: {  	_ =	swait.ge [sflag:s26], $0x3E80  }
0x48: {  	[sflag:s26] =	ssyncset.done $0x0  }
0x49: {  	s3 =	simm.s32 $0x14C80;
	[sflag:s26] =	ssyncadd.s32 $0xFFFFC180  }
0x4a: {  	[spmem:s2] =	stream.indirect.scatter.add.f32 [tilespmem:s17], [sflag:$0x3], $0x80, s3, s21, $0xb8;
	[tilespmem:$0x1E080] =	vst v63  }
0x4b: {  	_ =	swait.ge [sflag:s18], $0x3E80  }
0x4c: {  	[sflag:s18] =	ssyncset.done $0x0  }
0x4d: {  	s3 =	simm.s32 $0x13980;
	[sflag:s18] =	ssyncadd.s32 $0xFFFFC180  }
0x4e: {  	[tilespmem:s17], [sflag:$0x1] =	stream.indirect.gather [hbm4b:s1+s21], $0x80, s3, s21, $0xb8;
	[tilespmem:$0x1E080] =	vst v63  }
0x4f: {  	_ =	swait.ge [sflag:s28], $0x3E80  }
0x50: {  	[sflag:s28] =	ssyncset.done $0x0  }
0x51: {  	s3 =	simm.s32 $0x14D00;
	[sflag:s28] =	ssyncadd.s32 $0xFFFFC180  }
0x52: {  	[spmem:s2] =	stream.indirect.scatter.add.f32 [tilespmem:s23], [sflag:$0x3], $0x80, s3, s21, $0xb8;
	[tilespmem:$0x1E080] =	vst v63  }
0x53: {  	_ =	swait.ge [sflag:s18], $0x3E80  }
0x54: {  	[sflag:s18] =	ssyncset.done $0x0  }
0x55: {  	s31 =	simm.s32 $0x400;
	s0 =	simm.s32 $0x13A00;
	[sflag:s18] =	ssyncadd.s32 $0xFFFFC180  }
.LBB2_4:
0x56: {  	[tilespmem:s23], [sflag:$0x2] =	stream.indirect.gather [hbm4b:s1+s21], $0x80, s0, s21, $0xb8;
	[tilespmem:$0x1E080] =	vst v63  }
0x57: {  	s0 =	smov.u32 s31  }
0x58: {  	p1 =	sne.s32 s31, $0x4800;
	s31 =	sadd.s32 $0x400, s31;
	_ =	swait.ge [sflag:s26], $0x3E80  }
0x59: {  	s0 =	sshra.s32 s0, $0x2;
	[sflag:s26] =	ssyncset.done $0x0  }
0x5a: {  	s3 =	sadd.s32 $0x14C80, s0;
	[sflag:s26] =	ssyncadd.s32 $0xFFFFC180  }
0x5b: {  	[spmem:s2] =	stream.indirect.scatter.add.f32 [tilespmem:s17], [sflag:$0x3], $0x80, s3, s21, $0xb8;
	[tilespmem:$0x1E080] =	vst v63  }
0x5c: {  	_ =	swait.ge [sflag:s18], $0x3E80  }
0x5d: {  	[sflag:s18] =	ssyncset.done $0x0  }
0x5e: {  	s3 =	sadd.s32 $0x13980, s0;
	[sflag:s18] =	ssyncadd.s32 $0xFFFFC180  }
0x5f: {  	[tilespmem:s17], [sflag:$0x1] =	stream.indirect.gather [hbm4b:s1+s21], $0x80, s3, s21, $0xb8;
	[tilespmem:$0x1E080] =	vst v63  }
0x60: {  	_ =	swait.ge [sflag:s28], $0x3E80  }
0x61: {  	[sflag:s28] =	ssyncset.done $0x0  }
.Ltmp1:
0x62: {  	s3 =	sadd.s32 $0x14D00, s0;
	[sflag:s28] =	ssyncadd.s32 $0xFFFFC180;
	(pc) =	sbr.rel @p1 .LBB2_4-.Ltmp1, $4  }
0x63: {  	[spmem:s2] =	stream.indirect.scatter.add.f32 [tilespmem:s23], [sflag:$0x3], $0x80, s3, s21, $0xb8;
	[tilespmem:$0x1E080] =	vst v63  }
0x64: {  	_ =	swait.ge [sflag:s18], $0x3E80  }
0x65: {  	[sflag:s18] =	ssyncset.done $0x0  }
0x66: {  	s0 =	sadd.s32 $0x13A00, s0;
	[sflag:s18] =	ssyncadd.s32 $0xFFFFC180  }
0x67: {  	[tilespmem:s23], [sflag:$0x2] =	stream.indirect.gather [hbm4b:s1+s21], $0x80, s0, s21, $0xb8;
	[tilespmem:$0x1E080] =	vst v63  }
0x68: {  	_ =	swait.ge [sflag:s26], $0x3E80  }
0x69: {  	[sflag:s26] =	ssyncset.done $0x0  }
0x6a: {  	[sflag:s26] =	ssyncadd.s32 $0xFFFFC180  }
0x6b: {  	[spmem:s2] =	stream.indirect.scatter.add.f32 [tilespmem:s17], [sflag:$0x3], $0x80, s29, s21, $0xb8;
	[tilespmem:$0x1E080] =	vst v63  }
0x6c: {  	_ =	swait.ge [sflag:s18], $0x3E80  }
0x6d: {  	[sflag:s18] =	ssyncset.done $0x0  }
0x6e: {  	[sflag:s18] =	ssyncadd.s32 $0xFFFFC180  }
0x6f: {  	_ =	swait.ge [sflag:s28], $0x3E80  }
0x70: {  	[sflag:s28] =	ssyncset.done $0x0  }
0x71: {  	[sflag:s28] =	ssyncadd.s32 $0xFFFFC180  }
0x72: {  	[spmem:s2] =	stream.indirect.scatter.add.f32 [tilespmem:s23], [sflag:$0x3], $0x80, s30, s21, $0xb8;
	[tilespmem:$0x1E080] =	vst v63  }
0x73: {  	_ =	swait.ge [sflag:s18], $0x3E80  }
0x74: {  	[sflag:s18] =	ssyncset.done $0x0  }
0x75: {  	s3 =	simm.s32 $0x0;
	[sflag:s18] =	ssyncadd.s32 $0xFFFFC180  }
0x76: {  	[tilespmem:s19], [sflag:$0x3] =	stream.linear.gather [hbm4b:s15+s3], $0x1400, $0x38;
	[tilespmem:$0x1E080] =	vst v63  }
0x77: {  	_ =	swait.ge [sflag:s18], $0x1400  }
0x78: {  	[sflag:s18] =	ssyncset.done $0x0  }
0x79: {  	[sflag:s18] =	ssyncadd.s32 $0xFFFFEC00  }
0x7a: {  	[tilespmem:s20], [sflag:$0x3] =	stream.linear.gather [hbm4b:s16+s3], $0x1400, $0x38;
	[tilespmem:$0x1E080] =	vst v63  }
0x7b: {  	_ =	swait.ge [sflag:s18], $0x1400  }
0x7c: {  	[sflag:s18] =	ssyncset.done $0x0  }
0x7d: {  	[sflag:s18] =	ssyncadd.s32 $0xFFFFEC00  }
0x7e: {  	[tilespmem:s17], [sflag:$0x1] =	stream.indirect.gather [hbm4b:s1+s21], $0x80, s19, s21, $0xb8;
	[tilespmem:$0x1E080] =	vst v63  }
0x7f: {  	_ = 	snop  }
0x80: {  	[tilespmem:s23], [sflag:$0x2] =	stream.indirect.gather [hbm4b:s1+s21], $0x80, s22, s21, $0xb8;
	[tilespmem:$0x1E080] =	vst v63  }
0x81: {  	_ =	swait.ge [sflag:s26], $0x3E80  }
0x82: {  	[sflag:s26] =	ssyncset.done $0x0  }
0x83: {  	s3 =	simm.s32 $0x14C80;
	[sflag:s26] =	ssyncadd.s32 $0xFFFFC180  }
0x84: {  	[spmem:s2] =	stream.indirect.scatter.add.f32 [tilespmem:s17], [sflag:$0x3], $0x80, s3, s21, $0xb8;
	[tilespmem:$0x1E080] =	vst v63  }
0x85: {  	_ =	swait.ge [sflag:s18], $0x3E80  }
0x86: {  	[sflag:s18] =	ssyncset.done $0x0  }
0x87: {  	s3 =	simm.s32 $0x13980;
	[sflag:s18] =	ssyncadd.s32 $0xFFFFC180  }
0x88: {  	[tilespmem:s17], [sflag:$0x1] =	stream.indirect.gather [hbm4b:s1+s21], $0x80, s3, s21, $0xb8;
	[tilespmem:$0x1E080] =	vst v63  }
0x89: {  	_ =	swait.ge [sflag:s28], $0x3E80  }
0x8a: {  	[sflag:s28] =	ssyncset.done $0x0  }
0x8b: {  	s3 =	simm.s32 $0x14D00;
	[sflag:s28] =	ssyncadd.s32 $0xFFFFC180  }
0x8c: {  	[spmem:s2] =	stream.indirect.scatter.add.f32 [tilespmem:s23], [sflag:$0x3], $0x80, s3, s21, $0xb8;
	[tilespmem:$0x1E080] =	vst v63  }
0x8d: {  	_ =	swait.ge [sflag:s18], $0x3E80  }
0x8e: {  	[sflag:s18] =	ssyncset.done $0x0  }
0x8f: {  	s31 =	simm.s32 $0x400;
	s0 =	simm.s32 $0x13A00;
	[sflag:s18] =	ssyncadd.s32 $0xFFFFC180  }
.LBB2_6:
0x90: {  	[tilespmem:s23], [sflag:$0x2] =	stream.indirect.gather [hbm4b:s1+s21], $0x80, s0, s21, $0xb8;
	[tilespmem:$0x1E080] =	vst v63  }
0x91: {  	s0 =	smov.u32 s31  }
0x92: {  	p1 =	sne.s32 s31, $0x4800;
	s31 =	sadd.s32 $0x400, s31;
	_ =	swait.ge [sflag:s26], $0x3E80  }
0x93: {  	s0 =	sshra.s32 s0, $0x2;
	[sflag:s26] =	ssyncset.done $0x0  }
0x94: {  	s3 =	sadd.s32 $0x14C80, s0;
	[sflag:s26] =	ssyncadd.s32 $0xFFFFC180  }
0x95: {  	[spmem:s2] =	stream.indirect.scatter.add.f32 [tilespmem:s17], [sflag:$0x3], $0x80, s3, s21, $0xb8;
	[tilespmem:$0x1E080] =	vst v63  }
0x96: {  	_ =	swait.ge [sflag:s18], $0x3E80  }
0x97: {  	[sflag:s18] =	ssyncset.done $0x0  }
0x98: {  	s3 =	sadd.s32 $0x13980, s0;
	[sflag:s18] =	ssyncadd.s32 $0xFFFFC180  }
0x99: {  	[tilespmem:s17], [sflag:$0x1] =	stream.indirect.gather [hbm4b:s1+s21], $0x80, s3, s21, $0xb8;
	[tilespmem:$0x1E080] =	vst v63  }
0x9a: {  	_ =	swait.ge [sflag:s28], $0x3E80  }
0x9b: {  	[sflag:s28] =	ssyncset.done $0x0  }
.Ltmp2:
0x9c: {  	s3 =	sadd.s32 $0x14D00, s0;
	[sflag:s28] =	ssyncadd.s32 $0xFFFFC180;
	(pc) =	sbr.rel @p1 .LBB2_6-.Ltmp2, $4  }
0x9d: {  	[spmem:s2] =	stream.indirect.scatter.add.f32 [tilespmem:s23], [sflag:$0x3], $0x80, s3, s21, $0xb8;
	[tilespmem:$0x1E080] =	vst v63  }
0x9e: {  	_ =	swait.ge [sflag:s18], $0x3E80  }
0x9f: {  	[sflag:s18] =	ssyncset.done $0x0  }
0xa0: {  	s0 =	sadd.s32 $0x13A00, s0;
	[sflag:s18] =	ssyncadd.s32 $0xFFFFC180  }
0xa1: {  	[tilespmem:s23], [sflag:$0x2] =	stream.indirect.gather [hbm4b:s1+s21], $0x80, s0, s21, $0xb8;
	[tilespmem:$0x1E080] =	vst v63  }
0xa2: {  	_ =	swait.ge [sflag:s26], $0x3E80  }
0xa3: {  	[sflag:s26] =	ssyncset.done $0x0  }
0xa4: {  	[sflag:s26] =	ssyncadd.s32 $0xFFFFC180  }
0xa5: {  	[spmem:s2] =	stream.indirect.scatter.add.f32 [tilespmem:s17], [sflag:$0x3], $0x80, s29, s21, $0xb8;
	[tilespmem:$0x1E080] =	vst v63  }
0xa6: {  	_ =	swait.ge [sflag:s18], $0x3E80  }
0xa7: {  	[sflag:s18] =	ssyncset.done $0x0  }
0xa8: {  	[sflag:s18] =	ssyncadd.s32 $0xFFFFC180  }
0xa9: {  	_ =	swait.ge [sflag:s28], $0x3E80  }
0xaa: {  	[sflag:s28] =	ssyncset.done $0x0  }
0xab: {  	[sflag:s28] =	ssyncadd.s32 $0xFFFFC180  }
0xac: {  	[spmem:s2] =	stream.indirect.scatter.add.f32 [tilespmem:s23], [sflag:$0x3], $0x80, s30, s21, $0xb8;
	[tilespmem:$0x1E080] =	vst v63  }
0xad: {  	_ =	swait.ge [sflag:s18], $0x3E80  }
0xae: {  	[sflag:s18] =	ssyncset.done $0x0  }
0xaf: {  	[sflag:s18] =	ssyncadd.s32 $0xFFFFC180  }
0xb0: {  	s0 =	simm.s32 @p0 $0x1FC3;
	[bflag:$0x0] =	sbarrier.arrive $0xFFFF  }
0xb1: {  	[hbm:s6], [sflag:s0] =	dma.local @p0 [spmem:s24], $0x2800  }
0xb2: {  	s0 =	simm.s32 @p0 $0x3  }
0xb3: {  	s3 =	stileid.u32;
	_ =	swait.ge @p0 [sflag:s0], $0x2800  }
0xb4: {  	s4 =	sadd.s32 $0x1, s4;
	s3 =	sshll.u32 @!p0 s3, $0x6;
	[sflag:s0] =	ssyncset.done @p0 $0x0  }
0xb5: {  	p1 =	sne.s32 s4, s7;
	[sflag:s0] =	ssyncadd.s32 @p0 $0xFFFFD800;
	s0 =	sor.u32 @!p0 $0x1C03, s3  }
0xb6: {  	[hbm:s5], [sflag:s0] =	dma.local @!p0 [spmem:s25], $0x2700  }
.Ltmp3:
0xb7: {  	_ = 	snop;
	(pc) =	sbr.rel @p1 .LBB2_1-.Ltmp3, $4  }
0xb8: {  	s0 =	simm.s32 @!p0 $0x3  }
0xb9: {  	_ =	swait.ge @!p0 [sflag:s0], $0x2700  }
0xba: {  	[sflag:s0] =	ssyncset.done @!p0 $0x0  }
0xbb: {  	[sflag:s0] =	ssyncadd.s32 @!p0 $0xFFFFD900  }
0xbc: {  	_ =	sfence.sel $0x180000  }
0xbd: {  	[bflag:$0x0] =	sbarrier.arrive $0xFFFF  }
0xbe: {  	_ =	strace $0x90000050  }
0xbf: {  	s0 =	stileid.u32;
	[bflag:$0x2] =	sbarrier.arrive $0xFFFF  }
0xc0: {  	p0 =	sne.s32 s0, $0x0;
	s0 =	rddreg [dreg:$0x3]  }
0xc1: {  	s0 =	sadd.s32 @!p0 $0x100000, s0  }
0xc2: {  	[sflag:s0] =	ssyncadd.tile.s32 @!p0 $0x1;
	_ =	shalt  }
.Lfunc_end2:
_tile_overlayer_lowered:
.L_overlay_start_2:
0xc3: {  	(tag) =	ssettag $0x2  }
0xc4: {  	s0 =	rddreg [dreg:$0x0];
	s2 =	stileid.u32  }
0xc5: {  	s1 =	rddreg [dreg:$0x1];
	p0 =	sne.s32 s2, $0x0  }
0xc6: {  	s3 =	rddreg [dreg:$0x2];
	[bflag:$0x3] =	sbarrier.arrive $0xFFFF;
	s2 =	simm.s32 @!p0 $0x1C03  }
0xc7: {  	[timem:s3], [sflag:s2] =	dma.local @!p0 [hbm:s0], s1  }
0xc8: {  	s0 =	simm.s32 @!p0 $0x3  }
0xc9: {  	_ =	swait.ge @!p0 [sflag:s0], s1  }
0xca: {  	s1 =	ssub.s32 @!p0 $0x0, s1;
	[sflag:s0] =	ssyncset.done @!p0 $0x0  }
0xcb: {  	[sflag:s0] =	ssyncadd.s32 @!p0 s1  }
0xcc: {  	[bflag:$0x3] =	sbarrier.arrive $0xFFFF  }
0xcd: {  	_ =	shalt  }

</sc_bundles>
